<compile_context>
chip_gen: v7x
topology: tpu7x:2x2x1
jax: 0.10.2.dev20260603
libtpu: 0.0.44.dev20260713+nightly
codegen_flags: <defaults>
</compile_context>

<pallas_src>
import functools

import jax
import jax.numpy as jnp
from jax import lax
from jax.experimental import pallas as pl
from jax.experimental.pallas import tpu as pltpu
from jax.experimental.pallas import tpu_sc as plsc

B = 16384
D = 64
PW = 2 * D
L = 16
NC, NS = 2, 16
NW = NC * NS
BPW = B // NW
CH = 128
NCH = BPW // CH
G = 16
NG = BPW // G

_mesh = plsc.VectorSubcoreMesh(core_axis_name="c", subcore_axis_name="s")


def _tec_body(ids_hbm, tab2_hbm, out_hbm, idr_v, pidx_v, par_v, slots_v,
              rows_v, sem, osem):
    wid = lax.axis_index("s") * NC + lax.axis_index("c")
    base = wid * BPW
    iota = lax.iota(jnp.int32, L)

    for ch in range(NCH):
        pltpu.sync_copy(ids_hbm.at[wid * NCH + ch], idr_v.at[ch, 0])
    for ch in range(NCH):
        for k in range(CH // L):
            t16 = idr_v[ch, 0, pl.ds(k * L, L)]
            pidx_v[ch, 0, pl.ds(k * L, L)] = lax.shift_right_logical(t16, 1)
            par_v[pl.ds(ch * CH + k * L, L)] = lax.bitwise_and(
                t16, jnp.int32(1))

    for ch in range(NCH):
        pltpu.async_copy(
            tab2_hbm.at[pidx_v.at[ch, 0]],
            slots_v.at[pl.ds(ch * CH, CH)], sem)
    for ch in range(NCH):
        pltpu.make_async_copy(
            tab2_hbm.at[pidx_v.at[ch, 0]],
            slots_v.at[pl.ds(ch * CH, CH)], sem).wait()

    def group(g, carry):
        r16 = g * G + iota
        par16 = par_v[pl.ds(g * G, L)]
        coff = par16 * jnp.int32(D)
        cols = []
        s = None
        for j in range(D):
            col = plsc.load_gather(slots_v, [r16, coff + jnp.int32(j)])
            cols.append(col)
            sq = col * col
            s = sq if s is None else s + sq
        s = jnp.maximum(s, jnp.float32(1e-24))
        half = s * jnp.float32(0.5)
        yi = jnp.int32(0x5F3759DF) - lax.shift_right_logical(
            plsc.bitcast(s, jnp.int32), 1)
        y = plsc.bitcast(yi, jnp.float32)
        for _ in range(3):
            y = y * (jnp.float32(1.5) - half * y * y)
        obase = (g * G + iota) * jnp.int32(D)
        for j in range(D):
            plsc.store_scatter(rows_v, [obase + jnp.int32(j)], cols[j] * y)
        return carry

    lax.fori_loop(0, NG, group, 0)
    pltpu.async_copy(rows_v, out_hbm.at[pl.ds(base * D, BPW * D)], osem)
    pltpu.make_async_copy(
        rows_v, out_hbm.at[pl.ds(base * D, BPW * D)], osem).wait()


@functools.partial(
    pl.kernel,
    out_type=jax.ShapeDtypeStruct((B * D,), jnp.float32),
    mesh=_mesh,
    compiler_params=pltpu.CompilerParams(
        needs_layout_passes=False, use_tc_tiling_on_sc=True),
    scratch_types=[
        pltpu.VMEM((NCH, 8, CH), jnp.int32),
        pltpu.VMEM((NCH, 8, CH), jnp.int32),
        pltpu.VMEM((BPW,), jnp.int32),
        pltpu.VMEM((BPW, PW), jnp.float32),
        pltpu.VMEM((BPW * D,), jnp.float32),
        pltpu.SemaphoreType.DMA,
        pltpu.SemaphoreType.DMA,
    ],
)
def _embed_norm(ids_hbm, tab2_hbm, out_hbm, idr_v, pidx_v, par_v, slots_v,
                rows_v, sem, osem):
    _tec_body(ids_hbm, tab2_hbm, out_hbm, idr_v, pidx_v, par_v, slots_v,
              rows_v, sem, osem)


def kernel(task_ids, table):
    ids2 = task_ids.astype(jnp.int32).reshape(B // CH, CH)
    tab2 = table.reshape(500000, PW)
    flat = _embed_norm(ids2, tab2)
    return flat.reshape(B, D)

# --- scband reference (transcript-rebuilt; emitter-appended) ---
"""Pipeline reference for scband-task-embedding-60911226192313 (READ-ONLY COPY).

The authoritative reference and input builder live on the scoring server;
editing this copy changes nothing except your own understanding.
"""

import jax, jax.numpy as jnp
import numpy as np

NUM_TASKS = 1000000
EMBED_DIM = 64
BATCH = 16384

def setup_inputs(seed: int = 0) -> dict:
    key = jax.random.key(seed)
    k1, k2 = jax.random.split(key)
    task_ids = jax.random.randint(k1, (BATCH,), 0, NUM_TASKS, dtype=jnp.int64 if jax.config.jax_enable_x64 else jnp.int32)
    # nn.Embedding default init: N(0, 1)
    table = jax.random.normal(k2, (NUM_TASKS, EMBED_DIM), dtype=jnp.float32)
    return {"task_ids": task_ids, "table": table}

def reference(task_ids, table):
    # embedding lookup
    x = jnp.take(table, task_ids, axis=0)
    # F.normalize(x, p=2, dim=-1): x / max(||x||_2, eps), eps=1e-12
    norm = jnp.linalg.norm(x, ord=2, axis=-1, keepdims=True)
    denom = jnp.maximum(norm, 1e-12)
    return x / denom

if __name__ == "__main__":
    import jax
    _d = setup_inputs()
    print(jax.jit(kernel)(*tuple(_d.values())))

</pallas_src>

<mosaic_0001>
#map = affine_map<(d0, d1) -> (0, 0)>
#map1 = affine_map<(d0, d1) -> (0)>
module attributes {stable_mosaic.version = 14 : i64} {
  func.func @_embed_norm(%arg0: i32, %arg1: i32, %arg2: memref<128x128xi32, #tpu.memory_space<hbm>>, %arg3: memref<500000x128xf32, #tpu.memory_space<hbm>>, %arg4: memref<1048576xf32, #tpu.memory_space<hbm>>, %arg5: memref<4x8x128xi32, #tpu.memory_space<vmem>>, %arg6: memref<4x8x128xi32, #tpu.memory_space<vmem>>, %arg7: memref<512xi32, #tpu.memory_space<vmem>>, %arg8: memref<512x128xf32, #tpu.memory_space<vmem>>, %arg9: memref<32768xf32, #tpu.memory_space<vmem>>, %arg10: memref<!tpu.dma_semaphore, #tpu.memory_space<semaphore_mem>>, %arg11: memref<!tpu.dma_semaphore, #tpu.memory_space<semaphore_mem>>) attributes {dimension_semantics = [#tpu.dimension_semantics<core_parallel>, #tpu.dimension_semantics<subcore_parallel>], iteration_bounds = array<i64: 2, 16>, scalar_prefetch = 0 : i64, scratch_operands = 7 : i64, tpu.core_type = #tpu.core_type<sc_vector_subcore>, window_params = [{transform_indices = #map}, {transform_indices = #map}, {transform_indices = #map1}]} {
    %mul3A = arith.constant 2 : i32
    %mul3A_0 = arith.muli %arg1, %mul3A : i32
    %add3A = arith.addi %mul3A_0, %arg0 : i32
    %mul3A_1 = arith.constant 512 : i32
    %mul3A_2 = arith.muli %add3A, %mul3A_1 : i32
    %iota3A = tpu.iota {dimensions = array<i32: 0>} : vector<16xi32>
    %mul3A_3 = arith.constant 4 : i32
    %mul3A_4 = arith.muli %add3A, %mul3A_3 : i32
    %add3A_5 = arith.constant 0 : i32
    %add3A_6 = arith.addi %mul3A_4, %add3A_5 : i32
    %run_scoped3A = arith.constant 0 : i32
    %run_scoped3A_7 = arith.constant 0 : i32
    "tpu.region"() ({
      %run_scoped3A_761 = tpu.sem_alloc : memref<!tpu.dma_semaphore, #tpu.memory_space<semaphore_mem>>
      %dma_start3A_762 = arith.constant 0 : i32
      %dma_start3A_763 = tpu.memref_slice %arg5[%run_scoped3A, %run_scoped3A_7, %dma_start3A_762] : memref<4x8x128xi32, #tpu.memory_space<vmem>> -> memref<1x1x128xi32, #tpu.memory_space<vmem>>
      %dma_start3A_764 = tpu.memref_squeeze %dma_start3A_763 : memref<1x1x128xi32, #tpu.memory_space<vmem>> -> memref<128xi32, #tpu.memory_space<vmem>>
      %dma_start3A_765 = arith.constant 0 : i32
      %dma_start3A_766 = tpu.memref_slice %arg2[%add3A_6, %dma_start3A_765] : memref<128x128xi32, #tpu.memory_space<hbm>> -> memref<1x128xi32, #tpu.memory_space<hbm>>
      %dma_start3A_767 = tpu.memref_squeeze %dma_start3A_766 : memref<1x128xi32, #tpu.memory_space<hbm>> -> memref<128xi32, #tpu.memory_space<hbm>>
      %dma_start3A_768 = arith.constant 0 : i32
      %dma_start3A_769 = tpu.memref_slice %arg5[%run_scoped3A, %run_scoped3A_7, %dma_start3A_768] : memref<4x8x128xi32, #tpu.memory_space<vmem>> -> memref<1x1x128xi32, #tpu.memory_space<vmem>>
      %dma_start3A_770 = tpu.memref_squeeze %dma_start3A_769 : memref<1x1x128xi32, #tpu.memory_space<vmem>> -> memref<128xi32, #tpu.memory_space<vmem>>
      %dma_start3A_771 = arith.constant 0 : i32
      %dma_start3A_772 = tpu.memref_slice %arg2[%add3A_6, %dma_start3A_771] : memref<128x128xi32, #tpu.memory_space<hbm>> -> memref<1x128xi32, #tpu.memory_space<hbm>>
      %dma_start3A_773 = tpu.memref_squeeze %dma_start3A_772 : memref<1x128xi32, #tpu.memory_space<hbm>> -> memref<128xi32, #tpu.memory_space<hbm>>
      tpu.enqueue_dma source(%dma_start3A_773 : memref<128xi32, #tpu.memory_space<hbm>>) target(%dma_start3A_770 : memref<128xi32, #tpu.memory_space<vmem>>) target_semaphore(%run_scoped3A_761 : memref<!tpu.dma_semaphore, #tpu.memory_space<semaphore_mem>>)
      %dma_wait3A_774 = arith.constant 0 : i32
      %dma_wait3A_775 = tpu.memref_slice %arg5[%run_scoped3A, %run_scoped3A_7, %dma_wait3A_774] : memref<4x8x128xi32, #tpu.memory_space<vmem>> -> memref<1x1x128xi32, #tpu.memory_space<vmem>>
      %dma_wait3A_776 = tpu.memref_squeeze %dma_wait3A_775 : memref<1x1x128xi32, #tpu.memory_space<vmem>> -> memref<128xi32, #tpu.memory_space<vmem>>
      %dma_wait3A_777 = arith.constant 0 : i32
      %dma_wait3A_778 = tpu.memref_slice %arg2[%add3A_6, %dma_wait3A_777] : memref<128x128xi32, #tpu.memory_space<hbm>> -> memref<1x128xi32, #tpu.memory_space<hbm>>
      %dma_wait3A_779 = tpu.memref_squeeze %dma_wait3A_778 : memref<1x128xi32, #tpu.memory_space<hbm>> -> memref<128xi32, #tpu.memory_space<hbm>>
      %dma_wait3A_780 = arith.constant 0 : i32
      %dma_wait3A_781 = tpu.memref_slice %arg5[%run_scoped3A, %run_scoped3A_7, %dma_wait3A_780] : memref<4x8x128xi32, #tpu.memory_space<vmem>> -> memref<1x1x128xi32, #tpu.memory_space<vmem>>
      %dma_wait3A_782 = tpu.memref_squeeze %dma_wait3A_781 : memref<1x1x128xi32, #tpu.memory_space<vmem>> -> memref<128xi32, #tpu.memory_space<vmem>>
      %dma_wait3A_783 = arith.constant 0 : i32
      %dma_wait3A_784 = tpu.memref_slice %arg2[%add3A_6, %dma_wait3A_783] : memref<128x128xi32, #tpu.memory_space<hbm>> -> memref<1x128xi32, #tpu.memory_space<hbm>>
      %dma_wait3A_785 = tpu.memref_squeeze %dma_wait3A_784 : memref<1x128xi32, #tpu.memory_space<hbm>> -> memref<128xi32, #tpu.memory_space<hbm>>
      tpu.wait_dma2 semaphore(%run_scoped3A_761 : memref<!tpu.dma_semaphore, #tpu.memory_space<semaphore_mem>>) src(%dma_wait3A_785 : memref<128xi32, #tpu.memory_space<hbm>>) dst(%dma_wait3A_782 : memref<128xi32, #tpu.memory_space<vmem>>)
      tpu.yield
    }) : () -> ()
    %mul3A_8 = arith.constant 4 : i32
    %mul3A_9 = arith.muli %add3A, %mul3A_8 : i32
    %add3A_10 = arith.constant 1 : i32
    %add3A_11 = arith.addi %mul3A_9, %add3A_10 : i32
    %run_scoped3A_12 = arith.constant 1 : i32
    %run_scoped3A_13 = arith.constant 0 : i32
    "tpu.region"() ({
      %run_scoped3A_761 = tpu.sem_alloc : memref<!tpu.dma_semaphore, #tpu.memory_space<semaphore_mem>>
      %dma_start3A_762 = arith.constant 0 : i32
      %dma_start3A_763 = tpu.memref_slice %arg5[%run_scoped3A_12, %run_scoped3A_13, %dma_start3A_762] : memref<4x8x128xi32, #tpu.memory_space<vmem>> -> memref<1x1x128xi32, #tpu.memory_space<vmem>>
      %dma_start3A_764 = tpu.memref_squeeze %dma_start3A_763 : memref<1x1x128xi32, #tpu.memory_space<vmem>> -> memref<128xi32, #tpu.memory_space<vmem>>
      %dma_start3A_765 = arith.constant 0 : i32
      %dma_start3A_766 = tpu.memref_slice %arg2[%add3A_11, %dma_start3A_765] : memref<128x128xi32, #tpu.memory_space<hbm>> -> memref<1x128xi32, #tpu.memory_space<hbm>>
      %dma_start3A_767 = tpu.memref_squeeze %dma_start3A_766 : memref<1x128xi32, #tpu.memory_space<hbm>> -> memref<128xi32, #tpu.memory_space<hbm>>
      %dma_start3A_768 = arith.constant 0 : i32
      %dma_start3A_769 = tpu.memref_slice %arg5[%run_scoped3A_12, %run_scoped3A_13, %dma_start3A_768] : memref<4x8x128xi32, #tpu.memory_space<vmem>> -> memref<1x1x128xi32, #tpu.memory_space<vmem>>
      %dma_start3A_770 = tpu.memref_squeeze %dma_start3A_769 : memref<1x1x128xi32, #tpu.memory_space<vmem>> -> memref<128xi32, #tpu.memory_space<vmem>>
      %dma_start3A_771 = arith.constant 0 : i32
      %dma_start3A_772 = tpu.memref_slice %arg2[%add3A_11, %dma_start3A_771] : memref<128x128xi32, #tpu.memory_space<hbm>> -> memref<1x128xi32, #tpu.memory_space<hbm>>
      %dma_start3A_773 = tpu.memref_squeeze %dma_start3A_772 : memref<1x128xi32, #tpu.memory_space<hbm>> -> memref<128xi32, #tpu.memory_space<hbm>>
      tpu.enqueue_dma source(%dma_start3A_773 : memref<128xi32, #tpu.memory_space<hbm>>) target(%dma_start3A_770 : memref<128xi32, #tpu.memory_space<vmem>>) target_semaphore(%run_scoped3A_761 : memref<!tpu.dma_semaphore, #tpu.memory_space<semaphore_mem>>)
      %dma_wait3A_774 = arith.constant 0 : i32
      %dma_wait3A_775 = tpu.memref_slice %arg5[%run_scoped3A_12, %run_scoped3A_13, %dma_wait3A_774] : memref<4x8x128xi32, #tpu.memory_space<vmem>> -> memref<1x1x128xi32, #tpu.memory_space<vmem>>
      %dma_wait3A_776 = tpu.memref_squeeze %dma_wait3A_775 : memref<1x1x128xi32, #tpu.memory_space<vmem>> -> memref<128xi32, #tpu.memory_space<vmem>>
      %dma_wait3A_777 = arith.constant 0 : i32
      %dma_wait3A_778 = tpu.memref_slice %arg2[%add3A_11, %dma_wait3A_777] : memref<128x128xi32, #tpu.memory_space<hbm>> -> memref<1x128xi32, #tpu.memory_space<hbm>>
      %dma_wait3A_779 = tpu.memref_squeeze %dma_wait3A_778 : memref<1x128xi32, #tpu.memory_space<hbm>> -> memref<128xi32, #tpu.memory_space<hbm>>
      %dma_wait3A_780 = arith.constant 0 : i32
      %dma_wait3A_781 = tpu.memref_slice %arg5[%run_scoped3A_12, %run_scoped3A_13, %dma_wait3A_780] : memref<4x8x128xi32, #tpu.memory_space<vmem>> -> memref<1x1x128xi32, #tpu.memory_space<vmem>>
      %dma_wait3A_782 = tpu.memref_squeeze %dma_wait3A_781 : memref<1x1x128xi32, #tpu.memory_space<vmem>> -> memref<128xi32, #tpu.memory_space<vmem>>
      %dma_wait3A_783 = arith.constant 0 : i32
      %dma_wait3A_784 = tpu.memref_slice %arg2[%add3A_11, %dma_wait3A_783] : memref<128x128xi32, #tpu.memory_space<hbm>> -> memref<1x128xi32, #tpu.memory_space<hbm>>
      %dma_wait3A_785 = tpu.memref_squeeze %dma_wait3A_784 : memref<1x128xi32, #tpu.memory_space<hbm>> -> memref<128xi32, #tpu.memory_space<hbm>>
      tpu.wait_dma2 semaphore(%run_scoped3A_761 : memref<!tpu.dma_semaphore, #tpu.memory_space<semaphore_mem>>) src(%dma_wait3A_785 : memref<128xi32, #tpu.memory_space<hbm>>) dst(%dma_wait3A_782 : memref<128xi32, #tpu.memory_space<vmem>>)
      tpu.yield
    }) : () -> ()
    %mul3A_14 = arith.constant 4 : i32
    %mul3A_15 = arith.muli %add3A, %mul3A_14 : i32
    %add3A_16 = arith.constant 2 : i32
    %add3A_17 = arith.addi %mul3A_15, %add3A_16 : i32
    %run_scoped3A_18 = arith.constant 2 : i32
    %run_scoped3A_19 = arith.constant 0 : i32
    "tpu.region"() ({
      %run_scoped3A_761 = tpu.sem_alloc : memref<!tpu.dma_semaphore, #tpu.memory_space<semaphore_mem>>
      %dma_start3A_762 = arith.constant 0 : i32
      %dma_start3A_763 = tpu.memref_slice %arg5[%run_scoped3A_18, %run_scoped3A_19, %dma_start3A_762] : memref<4x8x128xi32, #tpu.memory_space<vmem>> -> memref<1x1x128xi32, #tpu.memory_space<vmem>>
      %dma_start3A_764 = tpu.memref_squeeze %dma_start3A_763 : memref<1x1x128xi32, #tpu.memory_space<vmem>> -> memref<128xi32, #tpu.memory_space<vmem>>
      %dma_start3A_765 = arith.constant 0 : i32
      %dma_start3A_766 = tpu.memref_slice %arg2[%add3A_17, %dma_start3A_765] : memref<128x128xi32, #tpu.memory_space<hbm>> -> memref<1x128xi32, #tpu.memory_space<hbm>>
      %dma_start3A_767 = tpu.memref_squeeze %dma_start3A_766 : memref<1x128xi32, #tpu.memory_space<hbm>> -> memref<128xi32, #tpu.memory_space<hbm>>
      %dma_start3A_768 = arith.constant 0 : i32
      %dma_start3A_769 = tpu.memref_slice %arg5[%run_scoped3A_18, %run_scoped3A_19, %dma_start3A_768] : memref<4x8x128xi32, #tpu.memory_space<vmem>> -> memref<1x1x128xi32, #tpu.memory_space<vmem>>
      %dma_start3A_770 = tpu.memref_squeeze %dma_start3A_769 : memref<1x1x128xi32, #tpu.memory_space<vmem>> -> memref<128xi32, #tpu.memory_space<vmem>>
      %dma_start3A_771 = arith.constant 0 : i32
      %dma_start3A_772 = tpu.memref_slice %arg2[%add3A_17, %dma_start3A_771] : memref<128x128xi32, #tpu.memory_space<hbm>> -> memref<1x128xi32, #tpu.memory_space<hbm>>
      %dma_start3A_773 = tpu.memref_squeeze %dma_start3A_772 : memref<1x128xi32, #tpu.memory_space<hbm>> -> memref<128xi32, #tpu.memory_space<hbm>>
      tpu.enqueue_dma source(%dma_start3A_773 : memref<128xi32, #tpu.memory_space<hbm>>) target(%dma_start3A_770 : memref<128xi32, #tpu.memory_space<vmem>>) target_semaphore(%run_scoped3A_761 : memref<!tpu.dma_semaphore, #tpu.memory_space<semaphore_mem>>)
      %dma_wait3A_774 = arith.constant 0 : i32
      %dma_wait3A_775 = tpu.memref_slice %arg5[%run_scoped3A_18, %run_scoped3A_19, %dma_wait3A_774] : memref<4x8x128xi32, #tpu.memory_space<vmem>> -> memref<1x1x128xi32, #tpu.memory_space<vmem>>
      %dma_wait3A_776 = tpu.memref_squeeze %dma_wait3A_775 : memref<1x1x128xi32, #tpu.memory_space<vmem>> -> memref<128xi32, #tpu.memory_space<vmem>>
      %dma_wait3A_777 = arith.constant 0 : i32
      %dma_wait3A_778 = tpu.memref_slice %arg2[%add3A_17, %dma_wait3A_777] : memref<128x128xi32, #tpu.memory_space<hbm>> -> memref<1x128xi32, #tpu.memory_space<hbm>>
      %dma_wait3A_779 = tpu.memref_squeeze %dma_wait3A_778 : memref<1x128xi32, #tpu.memory_space<hbm>> -> memref<128xi32, #tpu.memory_space<hbm>>
      %dma_wait3A_780 = arith.constant 0 : i32
      %dma_wait3A_781 = tpu.memref_slice %arg5[%run_scoped3A_18, %run_scoped3A_19, %dma_wait3A_780] : memref<4x8x128xi32, #tpu.memory_space<vmem>> -> memref<1x1x128xi32, #tpu.memory_space<vmem>>
      %dma_wait3A_782 = tpu.memref_squeeze %dma_wait3A_781 : memref<1x1x128xi32, #tpu.memory_space<vmem>> -> memref<128xi32, #tpu.memory_space<vmem>>
      %dma_wait3A_783 = arith.constant 0 : i32
      %dma_wait3A_784 = tpu.memref_slice %arg2[%add3A_17, %dma_wait3A_783] : memref<128x128xi32, #tpu.memory_space<hbm>> -> memref<1x128xi32, #tpu.memory_space<hbm>>
      %dma_wait3A_785 = tpu.memref_squeeze %dma_wait3A_784 : memref<1x128xi32, #tpu.memory_space<hbm>> -> memref<128xi32, #tpu.memory_space<hbm>>
      tpu.wait_dma2 semaphore(%run_scoped3A_761 : memref<!tpu.dma_semaphore, #tpu.memory_space<semaphore_mem>>) src(%dma_wait3A_785 : memref<128xi32, #tpu.memory_space<hbm>>) dst(%dma_wait3A_782 : memref<128xi32, #tpu.memory_space<vmem>>)
      tpu.yield
    }) : () -> ()
    %mul3A_20 = arith.constant 4 : i32
    %mul3A_21 = arith.muli %add3A, %mul3A_20 : i32
    %add3A_22 = arith.constant 3 : i32
    %add3A_23 = arith.addi %mul3A_21, %add3A_22 : i32
    %run_scoped3A_24 = arith.constant 3 : i32
    %run_scoped3A_25 = arith.constant 0 : i32
    "tpu.region"() ({
      %run_scoped3A_761 = tpu.sem_alloc : memref<!tpu.dma_semaphore, #tpu.memory_space<semaphore_mem>>
      %dma_start3A_762 = arith.constant 0 : i32
      %dma_start3A_763 = tpu.memref_slice %arg5[%run_scoped3A_24, %run_scoped3A_25, %dma_start3A_762] : memref<4x8x128xi32, #tpu.memory_space<vmem>> -> memref<1x1x128xi32, #tpu.memory_space<vmem>>
      %dma_start3A_764 = tpu.memref_squeeze %dma_start3A_763 : memref<1x1x128xi32, #tpu.memory_space<vmem>> -> memref<128xi32, #tpu.memory_space<vmem>>
      %dma_start3A_765 = arith.constant 0 : i32
      %dma_start3A_766 = tpu.memref_slice %arg2[%add3A_23, %dma_start3A_765] : memref<128x128xi32, #tpu.memory_space<hbm>> -> memref<1x128xi32, #tpu.memory_space<hbm>>
      %dma_start3A_767 = tpu.memref_squeeze %dma_start3A_766 : memref<1x128xi32, #tpu.memory_space<hbm>> -> memref<128xi32, #tpu.memory_space<hbm>>
      %dma_start3A_768 = arith.constant 0 : i32
      %dma_start3A_769 = tpu.memref_slice %arg5[%run_scoped3A_24, %run_scoped3A_25, %dma_start3A_768] : memref<4x8x128xi32, #tpu.memory_space<vmem>> -> memref<1x1x128xi32, #tpu.memory_space<vmem>>
      %dma_start3A_770 = tpu.memref_squeeze %dma_start3A_769 : memref<1x1x128xi32, #tpu.memory_space<vmem>> -> memref<128xi32, #tpu.memory_space<vmem>>
      %dma_start3A_771 = arith.constant 0 : i32
      %dma_start3A_772 = tpu.memref_slice %arg2[%add3A_23, %dma_start3A_771] : memref<128x128xi32, #tpu.memory_space<hbm>> -> memref<1x128xi32, #tpu.memory_space<hbm>>
      %dma_start3A_773 = tpu.memref_squeeze %dma_start3A_772 : memref<1x128xi32, #tpu.memory_space<hbm>> -> memref<128xi32, #tpu.memory_space<hbm>>
      tpu.enqueue_dma source(%dma_start3A_773 : memref<128xi32, #tpu.memory_space<hbm>>) target(%dma_start3A_770 : memref<128xi32, #tpu.memory_space<vmem>>) target_semaphore(%run_scoped3A_761 : memref<!tpu.dma_semaphore, #tpu.memory_space<semaphore_mem>>)
      %dma_wait3A_774 = arith.constant 0 : i32
      %dma_wait3A_775 = tpu.memref_slice %arg5[%run_scoped3A_24, %run_scoped3A_25, %dma_wait3A_774] : memref<4x8x128xi32, #tpu.memory_space<vmem>> -> memref<1x1x128xi32, #tpu.memory_space<vmem>>
      %dma_wait3A_776 = tpu.memref_squeeze %dma_wait3A_775 : memref<1x1x128xi32, #tpu.memory_space<vmem>> -> memref<128xi32, #tpu.memory_space<vmem>>
      %dma_wait3A_777 = arith.constant 0 : i32
      %dma_wait3A_778 = tpu.memref_slice %arg2[%add3A_23, %dma_wait3A_777] : memref<128x128xi32, #tpu.memory_space<hbm>> -> memref<1x128xi32, #tpu.memory_space<hbm>>
      %dma_wait3A_779 = tpu.memref_squeeze %dma_wait3A_778 : memref<1x128xi32, #tpu.memory_space<hbm>> -> memref<128xi32, #tpu.memory_space<hbm>>
      %dma_wait3A_780 = arith.constant 0 : i32
      %dma_wait3A_781 = tpu.memref_slice %arg5[%run_scoped3A_24, %run_scoped3A_25, %dma_wait3A_780] : memref<4x8x128xi32, #tpu.memory_space<vmem>> -> memref<1x1x128xi32, #tpu.memory_space<vmem>>
      %dma_wait3A_782 = tpu.memref_squeeze %dma_wait3A_781 : memref<1x1x128xi32, #tpu.memory_space<vmem>> -> memref<128xi32, #tpu.memory_space<vmem>>
      %dma_wait3A_783 = arith.constant 0 : i32
      %dma_wait3A_784 = tpu.memref_slice %arg2[%add3A_23, %dma_wait3A_783] : memref<128x128xi32, #tpu.memory_space<hbm>> -> memref<1x128xi32, #tpu.memory_space<hbm>>
      %dma_wait3A_785 = tpu.memref_squeeze %dma_wait3A_784 : memref<1x128xi32, #tpu.memory_space<hbm>> -> memref<128xi32, #tpu.memory_space<hbm>>
      tpu.wait_dma2 semaphore(%run_scoped3A_761 : memref<!tpu.dma_semaphore, #tpu.memory_space<semaphore_mem>>) src(%dma_wait3A_785 : memref<128xi32, #tpu.memory_space<hbm>>) dst(%dma_wait3A_782 : memref<128xi32, #tpu.memory_space<vmem>>)
      tpu.yield
    }) : () -> ()
    %get3A = arith.constant 0 : i32
    %get3A_26 = arith.constant 0 : i32
    %get3A_27 = arith.index_cast %get3A : i32 to index
    %get3A_28 = arith.index_cast %get3A_26 : i32 to index
    %get3A_29 = arith.constant 0 : index
    %get3A_30 = tpu.vector_load %arg5[%get3A_27, %get3A_28, %get3A_29] {strides = array<i32>} : memref<4x8x128xi32, #tpu.memory_space<vmem>>, vector<16xi32>,
    %shift_right_logical3A = arith.constant 1 : i32
    %shift_right_logical3A_31 = vector.broadcast %shift_right_logical3A : i32 to vector<16xi32>
    %shift_right_logical3A_32 = arith.shrui %get3A_30, %shift_right_logical3A_31 : vector<16xi32>
    %swap3A = arith.constant 0 : i32
    %swap3A_33 = arith.constant 0 : i32
    %swap3A_34 = arith.index_cast %swap3A : i32 to index
    %swap3A_35 = arith.index_cast %swap3A_33 : i32 to index
    %swap3A_36 = arith.constant 0 : index
    %swap3A_37 = tpu.vector_load %arg6[%swap3A_34, %swap3A_35, %swap3A_36] {strides = array<i32>} : memref<4x8x128xi32, #tpu.memory_space<vmem>>, vector<16xi32>,
    tpu.vector_store %arg6[%swap3A_34, %swap3A_35, %swap3A_36], %shift_right_logical3A_32 {strides = array<i32>} : memref<4x8x128xi32, #tpu.memory_space<vmem>>, vector<16xi32>,
    %and3A = arith.constant 1 : i32
    %and3A_38 = vector.broadcast %and3A : i32 to vector<16xi32>
    %and3A_39 = arith.andi %get3A_30, %and3A_38 : vector<16xi32>
    %swap3A_40 = arith.constant 0 : index
    %swap3A_41 = tpu.vector_load %arg7[%swap3A_40] {strides = array<i32>} : memref<512xi32, #tpu.memory_space<vmem>>, vector<16xi32>,
    tpu.vector_store %arg7[%swap3A_40], %and3A_39 {strides = array<i32>} : memref<512xi32, #tpu.memory_space<vmem>>, vector<16xi32>,
    %get3A_42 = arith.constant 0 : i32
    %get3A_43 = arith.constant 0 : i32
    %get3A_44 = arith.index_cast %get3A_42 : i32 to index
    %get3A_45 = arith.index_cast %get3A_43 : i32 to index
    %get3A_46 = arith.constant 16 : index
    %get3A_47 = tpu.vector_load %arg5[%get3A_44, %get3A_45, %get3A_46] {strides = array<i32>} : memref<4x8x128xi32, #tpu.memory_space<vmem>>, vector<16xi32>,
    %shift_right_logical3A_48 = arith.constant 1 : i32
    %shift_right_logical3A_49 = vector.broadcast %shift_right_logical3A_48 : i32 to vector<16xi32>
    %shift_right_logical3A_50 = arith.shrui %get3A_47, %shift_right_logical3A_49 : vector<16xi32>
    %swap3A_51 = arith.constant 0 : i32
    %swap3A_52 = arith.constant 0 : i32
    %swap3A_53 = arith.index_cast %swap3A_51 : i32 to index
    %swap3A_54 = arith.index_cast %swap3A_52 : i32 to index
    %swap3A_55 = arith.constant 16 : index
    %swap3A_56 = tpu.vector_load %arg6[%swap3A_53, %swap3A_54, %swap3A_55] {strides = array<i32>} : memref<4x8x128xi32, #tpu.memory_space<vmem>>, vector<16xi32>,
    tpu.vector_store %arg6[%swap3A_53, %swap3A_54, %swap3A_55], %shift_right_logical3A_50 {strides = array<i32>} : memref<4x8x128xi32, #tpu.memory_space<vmem>>, vector<16xi32>,
    %and3A_57 = arith.constant 1 : i32
    %and3A_58 = vector.broadcast %and3A_57 : i32 to vector<16xi32>
    %and3A_59 = arith.andi %get3A_47, %and3A_58 : vector<16xi32>
    %swap3A_60 = arith.constant 16 : index
    %swap3A_61 = tpu.vector_load %arg7[%swap3A_60] {strides = array<i32>} : memref<512xi32, #tpu.memory_space<vmem>>, vector<16xi32>,
    tpu.vector_store %arg7[%swap3A_60], %and3A_59 {strides = array<i32>} : memref<512xi32, #tpu.memory_space<vmem>>, vector<16xi32>,
    %get3A_62 = arith.constant 0 : i32
    %get3A_63 = arith.constant 0 : i32
    %get3A_64 = arith.index_cast %get3A_62 : i32 to index
    %get3A_65 = arith.index_cast %get3A_63 : i32 to index
    %get3A_66 = arith.constant 32 : index
    %get3A_67 = tpu.vector_load %arg5[%get3A_64, %get3A_65, %get3A_66] {strides = array<i32>} : memref<4x8x128xi32, #tpu.memory_space<vmem>>, vector<16xi32>,
    %shift_right_logical3A_68 = arith.constant 1 : i32
    %shift_right_logical3A_69 = vector.broadcast %shift_right_logical3A_68 : i32 to vector<16xi32>
    %shift_right_logical3A_70 = arith.shrui %get3A_67, %shift_right_logical3A_69 : vector<16xi32>
    %swap3A_71 = arith.constant 0 : i32
    %swap3A_72 = arith.constant 0 : i32
    %swap3A_73 = arith.index_cast %swap3A_71 : i32 to index
    %swap3A_74 = arith.index_cast %swap3A_72 : i32 to index
    %swap3A_75 = arith.constant 32 : index
    %swap3A_76 = tpu.vector_load %arg6[%swap3A_73, %swap3A_74, %swap3A_75] {strides = array<i32>} : memref<4x8x128xi32, #tpu.memory_space<vmem>>, vector<16xi32>,
    tpu.vector_store %arg6[%swap3A_73, %swap3A_74, %swap3A_75], %shift_right_logical3A_70 {strides = array<i32>} : memref<4x8x128xi32, #tpu.memory_space<vmem>>, vector<16xi32>,
    %and3A_77 = arith.constant 1 : i32
    %and3A_78 = vector.broadcast %and3A_77 : i32 to vector<16xi32>
    %and3A_79 = arith.andi %get3A_67, %and3A_78 : vector<16xi32>
    %swap3A_80 = arith.constant 32 : index
    %swap3A_81 = tpu.vector_load %arg7[%swap3A_80] {strides = array<i32>} : memref<512xi32, #tpu.memory_space<vmem>>, vector<16xi32>,
    tpu.vector_store %arg7[%swap3A_80], %and3A_79 {strides = array<i32>} : memref<512xi32, #tpu.memory_space<vmem>>, vector<16xi32>,
    %get3A_82 = arith.constant 0 : i32
    %get3A_83 = arith.constant 0 : i32
    %get3A_84 = arith.index_cast %get3A_82 : i32 to index
    %get3A_85 = arith.index_cast %get3A_83 : i32 to index
    %get3A_86 = arith.constant 48 : index
    %get3A_87 = tpu.vector_load %arg5[%get3A_84, %get3A_85, %get3A_86] {strides = array<i32>} : memref<4x8x128xi32, #tpu.memory_space<vmem>>, vector<16xi32>,
    %shift_right_logical3A_88 = arith.constant 1 : i32
    %shift_right_logical3A_89 = vector.broadcast %shift_right_logical3A_88 : i32 to vector<16xi32>
    %shift_right_logical3A_90 = arith.shrui %get3A_87, %shift_right_logical3A_89 : vector<16xi32>
    %swap3A_91 = arith.constant 0 : i32
    %swap3A_92 = arith.constant 0 : i32
    %swap3A_93 = arith.index_cast %swap3A_91 : i32 to index
    %swap3A_94 = arith.index_cast %swap3A_92 : i32 to index
    %swap3A_95 = arith.constant 48 : index
    %swap3A_96 = tpu.vector_load %arg6[%swap3A_93, %swap3A_94, %swap3A_95] {strides = array<i32>} : memref<4x8x128xi32, #tpu.memory_space<vmem>>, vector<16xi32>,
    tpu.vector_store %arg6[%swap3A_93, %swap3A_94, %swap3A_95], %shift_right_logical3A_90 {strides = array<i32>} : memref<4x8x128xi32, #tpu.memory_space<vmem>>, vector<16xi32>,
    %and3A_97 = arith.constant 1 : i32
    %and3A_98 = vector.broadcast %and3A_97 : i32 to vector<16xi32>
    %and3A_99 = arith.andi %get3A_87, %and3A_98 : vector<16xi32>
    %swap3A_100 = arith.constant 48 : index
    %swap3A_101 = tpu.vector_load %arg7[%swap3A_100] {strides = array<i32>} : memref<512xi32, #tpu.memory_space<vmem>>, vector<16xi32>,
    tpu.vector_store %arg7[%swap3A_100], %and3A_99 {strides = array<i32>} : memref<512xi32, #tpu.memory_space<vmem>>, vector<16xi32>,
    %get3A_102 = arith.constant 0 : i32
    %get3A_103 = arith.constant 0 : i32
    %get3A_104 = arith.index_cast %get3A_102 : i32 to index
    %get3A_105 = arith.index_cast %get3A_103 : i32 to index
    %get3A_106 = arith.constant 64 : index
    %get3A_107 = tpu.vector_load %arg5[%get3A_104, %get3A_105, %get3A_106] {strides = array<i32>} : memref<4x8x128xi32, #tpu.memory_space<vmem>>, vector<16xi32>,
    %shift_right_logical3A_108 = arith.constant 1 : i32
    %shift_right_logical3A_109 = vector.broadcast %shift_right_logical3A_108 : i32 to vector<16xi32>
    %shift_right_logical3A_110 = arith.shrui %get3A_107, %shift_right_logical3A_109 : vector<16xi32>
    %swap3A_111 = arith.constant 0 : i32
    %swap3A_112 = arith.constant 0 : i32
    %swap3A_113 = arith.index_cast %swap3A_111 : i32 to index
    %swap3A_114 = arith.index_cast %swap3A_112 : i32 to index
    %swap3A_115 = arith.constant 64 : index
    %swap3A_116 = tpu.vector_load %arg6[%swap3A_113, %swap3A_114, %swap3A_115] {strides = array<i32>} : memref<4x8x128xi32, #tpu.memory_space<vmem>>, vector<16xi32>,
    tpu.vector_store %arg6[%swap3A_113, %swap3A_114, %swap3A_115], %shift_right_logical3A_110 {strides = array<i32>} : memref<4x8x128xi32, #tpu.memory_space<vmem>>, vector<16xi32>,
    %and3A_117 = arith.constant 1 : i32
    %and3A_118 = vector.broadcast %and3A_117 : i32 to vector<16xi32>
    %and3A_119 = arith.andi %get3A_107, %and3A_118 : vector<16xi32>
    %swap3A_120 = arith.constant 64 : index
    %swap3A_121 = tpu.vector_load %arg7[%swap3A_120] {strides = array<i32>} : memref<512xi32, #tpu.memory_space<vmem>>, vector<16xi32>,
    tpu.vector_store %arg7[%swap3A_120], %and3A_119 {strides = array<i32>} : memref<512xi32, #tpu.memory_space<vmem>>, vector<16xi32>,
    %get3A_122 = arith.constant 0 : i32
    %get3A_123 = arith.constant 0 : i32
    %get3A_124 = arith.index_cast %get3A_122 : i32 to index
    %get3A_125 = arith.index_cast %get3A_123 : i32 to index
    %get3A_126 = arith.constant 80 : index
    %get3A_127 = tpu.vector_load %arg5[%get3A_124, %get3A_125, %get3A_126] {strides = array<i32>} : memref<4x8x128xi32, #tpu.memory_space<vmem>>, vector<16xi32>,
    %shift_right_logical3A_128 = arith.constant 1 : i32
    %shift_right_logical3A_129 = vector.broadcast %shift_right_logical3A_128 : i32 to vector<16xi32>
    %shift_right_logical3A_130 = arith.shrui %get3A_127, %shift_right_logical3A_129 : vector<16xi32>
    %swap3A_131 = arith.constant 0 : i32
    %swap3A_132 = arith.constant 0 : i32
    %swap3A_133 = arith.index_cast %swap3A_131 : i32 to index
    %swap3A_134 = arith.index_cast %swap3A_132 : i32 to index
    %swap3A_135 = arith.constant 80 : index
    %swap3A_136 = tpu.vector_load %arg6[%swap3A_133, %swap3A_134, %swap3A_135] {strides = array<i32>} : memref<4x8x128xi32, #tpu.memory_space<vmem>>, vector<16xi32>,
    tpu.vector_store %arg6[%swap3A_133, %swap3A_134, %swap3A_135], %shift_right_logical3A_130 {strides = array<i32>} : memref<4x8x128xi32, #tpu.memory_space<vmem>>, vector<16xi32>,
    %and3A_137 = arith.constant 1 : i32
    %and3A_138 = vector.broadcast %and3A_137 : i32 to vector<16xi32>
    %and3A_139 = arith.andi %get3A_127, %and3A_138 : vector<16xi32>
    %swap3A_140 = arith.constant 80 : index
    %swap3A_141 = tpu.vector_load %arg7[%swap3A_140] {strides = array<i32>} : memref<512xi32, #tpu.memory_space<vmem>>, vector<16xi32>,
    tpu.vector_store %arg7[%swap3A_140], %and3A_139 {strides = array<i32>} : memref<512xi32, #tpu.memory_space<vmem>>, vector<16xi32>,
    %get3A_142 = arith.constant 0 : i32
    %get3A_143 = arith.constant 0 : i32
    %get3A_144 = arith.index_cast %get3A_142 : i32 to index
    %get3A_145 = arith.index_cast %get3A_143 : i32 to index
    %get3A_146 = arith.constant 96 : index
    %get3A_147 = tpu.vector_load %arg5[%get3A_144, %get3A_145, %get3A_146] {strides = array<i32>} : memref<4x8x128xi32, #tpu.memory_space<vmem>>, vector<16xi32>,
    %shift_right_logical3A_148 = arith.constant 1 : i32
    %shift_right_logical3A_149 = vector.broadcast %shift_right_logical3A_148 : i32 to vector<16xi32>
    %shift_right_logical3A_150 = arith.shrui %get3A_147, %shift_right_logical3A_149 : vector<16xi32>
    %swap3A_151 = arith.constant 0 : i32
    %swap3A_152 = arith.constant 0 : i32
    %swap3A_153 = arith.index_cast %swap3A_151 : i32 to index
    %swap3A_154 = arith.index_cast %swap3A_152 : i32 to index
    %swap3A_155 = arith.constant 96 : index
    %swap3A_156 = tpu.vector_load %arg6[%swap3A_153, %swap3A_154, %swap3A_155] {strides = array<i32>} : memref<4x8x128xi32, #tpu.memory_space<vmem>>, vector<16xi32>,
    tpu.vector_store %arg6[%swap3A_153, %swap3A_154, %swap3A_155], %shift_right_logical3A_150 {strides = array<i32>} : memref<4x8x128xi32, #tpu.memory_space<vmem>>, vector<16xi32>,
    %and3A_157 = arith.constant 1 : i32
    %and3A_158 = vector.broadcast %and3A_157 : i32 to vector<16xi32>
    %and3A_159 = arith.andi %get3A_147, %and3A_158 : vector<16xi32>
    %swap3A_160 = arith.constant 96 : index
    %swap3A_161 = tpu.vector_load %arg7[%swap3A_160] {strides = array<i32>} : memref<512xi32, #tpu.memory_space<vmem>>, vector<16xi32>,
    tpu.vector_store %arg7[%swap3A_160], %and3A_159 {strides = array<i32>} : memref<512xi32, #tpu.memory_space<vmem>>, vector<16xi32>,
    %get3A_162 = arith.constant 0 : i32
    %get3A_163 = arith.constant 0 : i32
    %get3A_164 = arith.index_cast %get3A_162 : i32 to index
    %get3A_165 = arith.index_cast %get3A_163 : i32 to index
    %get3A_166 = arith.constant 112 : index
    %get3A_167 = tpu.vector_load %arg5[%get3A_164, %get3A_165, %get3A_166] {strides = array<i32>} : memref<4x8x128xi32, #tpu.memory_space<vmem>>, vector<16xi32>,
    %shift_right_logical3A_168 = arith.constant 1 : i32
    %shift_right_logical3A_169 = vector.broadcast %shift_right_logical3A_168 : i32 to vector<16xi32>
    %shift_right_logical3A_170 = arith.shrui %get3A_167, %shift_right_logical3A_169 : vector<16xi32>
    %swap3A_171 = arith.constant 0 : i32
    %swap3A_172 = arith.constant 0 : i32
    %swap3A_173 = arith.index_cast %swap3A_171 : i32 to index
    %swap3A_174 = arith.index_cast %swap3A_172 : i32 to index
    %swap3A_175 = arith.constant 112 : index
    %swap3A_176 = tpu.vector_load %arg6[%swap3A_173, %swap3A_174, %swap3A_175] {strides = array<i32>} : memref<4x8x128xi32, #tpu.memory_space<vmem>>, vector<16xi32>,
    tpu.vector_store %arg6[%swap3A_173, %swap3A_174, %swap3A_175], %shift_right_logical3A_170 {strides = array<i32>} : memref<4x8x128xi32, #tpu.memory_space<vmem>>, vector<16xi32>,
    %and3A_177 = arith.constant 1 : i32
    %and3A_178 = vector.broadcast %and3A_177 : i32 to vector<16xi32>
    %and3A_179 = arith.andi %get3A_167, %and3A_178 : vector<16xi32>
    %swap3A_180 = arith.constant 112 : index
    %swap3A_181 = tpu.vector_load %arg7[%swap3A_180] {strides = array<i32>} : memref<512xi32, #tpu.memory_space<vmem>>, vector<16xi32>,
    tpu.vector_store %arg7[%swap3A_180], %and3A_179 {strides = array<i32>} : memref<512xi32, #tpu.memory_space<vmem>>, vector<16xi32>,
    %get3A_182 = arith.constant 1 : i32
    %get3A_183 = arith.constant 0 : i32
    %get3A_184 = arith.index_cast %get3A_182 : i32 to index
    %get3A_185 = arith.index_cast %get3A_183 : i32 to index
    %get3A_186 = arith.constant 0 : index
    %get3A_187 = tpu.vector_load %arg5[%get3A_184, %get3A_185, %get3A_186] {strides = array<i32>} : memref<4x8x128xi32, #tpu.memory_space<vmem>>, vector<16xi32>,
    %shift_right_logical3A_188 = arith.constant 1 : i32
    %shift_right_logical3A_189 = vector.broadcast %shift_right_logical3A_188 : i32 to vector<16xi32>
    %shift_right_logical3A_190 = arith.shrui %get3A_187, %shift_right_logical3A_189 : vector<16xi32>
    %swap3A_191 = arith.constant 1 : i32
    %swap3A_192 = arith.constant 0 : i32
    %swap3A_193 = arith.index_cast %swap3A_191 : i32 to index
    %swap3A_194 = arith.index_cast %swap3A_192 : i32 to index
    %swap3A_195 = arith.constant 0 : index
    %swap3A_196 = tpu.vector_load %arg6[%swap3A_193, %swap3A_194, %swap3A_195] {strides = array<i32>} : memref<4x8x128xi32, #tpu.memory_space<vmem>>, vector<16xi32>,
    tpu.vector_store %arg6[%swap3A_193, %swap3A_194, %swap3A_195], %shift_right_logical3A_190 {strides = array<i32>} : memref<4x8x128xi32, #tpu.memory_space<vmem>>, vector<16xi32>,
    %and3A_197 = arith.constant 1 : i32
    %and3A_198 = vector.broadcast %and3A_197 : i32 to vector<16xi32>
    %and3A_199 = arith.andi %get3A_187, %and3A_198 : vector<16xi32>
    %swap3A_200 = arith.constant 128 : index
    %swap3A_201 = tpu.vector_load %arg7[%swap3A_200] {strides = array<i32>} : memref<512xi32, #tpu.memory_space<vmem>>, vector<16xi32>,
    tpu.vector_store %arg7[%swap3A_200], %and3A_199 {strides = array<i32>} : memref<512xi32, #tpu.memory_space<vmem>>, vector<16xi32>,
    %get3A_202 = arith.constant 1 : i32
    %get3A_203 = arith.constant 0 : i32
    %get3A_204 = arith.index_cast %get3A_202 : i32 to index
    %get3A_205 = arith.index_cast %get3A_203 : i32 to index
    %get3A_206 = arith.constant 16 : index
    %get3A_207 = tpu.vector_load %arg5[%get3A_204, %get3A_205, %get3A_206] {strides = array<i32>} : memref<4x8x128xi32, #tpu.memory_space<vmem>>, vector<16xi32>,
    %shift_right_logical3A_208 = arith.constant 1 : i32
    %shift_right_logical3A_209 = vector.broadcast %shift_right_logical3A_208 : i32 to vector<16xi32>
    %shift_right_logical3A_210 = arith.shrui %get3A_207, %shift_right_logical3A_209 : vector<16xi32>
    %swap3A_211 = arith.constant 1 : i32
    %swap3A_212 = arith.constant 0 : i32
    %swap3A_213 = arith.index_cast %swap3A_211 : i32 to index
    %swap3A_214 = arith.index_cast %swap3A_212 : i32 to index
    %swap3A_215 = arith.constant 16 : index
    %swap3A_216 = tpu.vector_load %arg6[%swap3A_213, %swap3A_214, %swap3A_215] {strides = array<i32>} : memref<4x8x128xi32, #tpu.memory_space<vmem>>, vector<16xi32>,
    tpu.vector_store %arg6[%swap3A_213, %swap3A_214, %swap3A_215], %shift_right_logical3A_210 {strides = array<i32>} : memref<4x8x128xi32, #tpu.memory_space<vmem>>, vector<16xi32>,
    %and3A_217 = arith.constant 1 : i32
    %and3A_218 = vector.broadcast %and3A_217 : i32 to vector<16xi32>
    %and3A_219 = arith.andi %get3A_207, %and3A_218 : vector<16xi32>
    %swap3A_220 = arith.constant 144 : index
    %swap3A_221 = tpu.vector_load %arg7[%swap3A_220] {strides = array<i32>} : memref<512xi32, #tpu.memory_space<vmem>>, vector<16xi32>,
    tpu.vector_store %arg7[%swap3A_220], %and3A_219 {strides = array<i32>} : memref<512xi32, #tpu.memory_space<vmem>>, vector<16xi32>,
    %get3A_222 = arith.constant 1 : i32
    %get3A_223 = arith.constant 0 : i32
    %get3A_224 = arith.index_cast %get3A_222 : i32 to index
    %get3A_225 = arith.index_cast %get3A_223 : i32 to index
    %get3A_226 = arith.constant 32 : index
    %get3A_227 = tpu.vector_load %arg5[%get3A_224, %get3A_225, %get3A_226] {strides = array<i32>} : memref<4x8x128xi32, #tpu.memory_space<vmem>>, vector<16xi32>,
    %shift_right_logical3A_228 = arith.constant 1 : i32
    %shift_right_logical3A_229 = vector.broadcast %shift_right_logical3A_228 : i32 to vector<16xi32>
    %shift_right_logical3A_230 = arith.shrui %get3A_227, %shift_right_logical3A_229 : vector<16xi32>
    %swap3A_231 = arith.constant 1 : i32
    %swap3A_232 = arith.constant 0 : i32
    %swap3A_233 = arith.index_cast %swap3A_231 : i32 to index
    %swap3A_234 = arith.index_cast %swap3A_232 : i32 to index
    %swap3A_235 = arith.constant 32 : index
    %swap3A_236 = tpu.vector_load %arg6[%swap3A_233, %swap3A_234, %swap3A_235] {strides = array<i32>} : memref<4x8x128xi32, #tpu.memory_space<vmem>>, vector<16xi32>,
    tpu.vector_store %arg6[%swap3A_233, %swap3A_234, %swap3A_235], %shift_right_logical3A_230 {strides = array<i32>} : memref<4x8x128xi32, #tpu.memory_space<vmem>>, vector<16xi32>,
    %and3A_237 = arith.constant 1 : i32
    %and3A_238 = vector.broadcast %and3A_237 : i32 to vector<16xi32>
    %and3A_239 = arith.andi %get3A_227, %and3A_238 : vector<16xi32>
    %swap3A_240 = arith.constant 160 : index
    %swap3A_241 = tpu.vector_load %arg7[%swap3A_240] {strides = array<i32>} : memref<512xi32, #tpu.memory_space<vmem>>, vector<16xi32>,
    tpu.vector_store %arg7[%swap3A_240], %and3A_239 {strides = array<i32>} : memref<512xi32, #tpu.memory_space<vmem>>, vector<16xi32>,
    %get3A_242 = arith.constant 1 : i32
    %get3A_243 = arith.constant 0 : i32
    %get3A_244 = arith.index_cast %get3A_242 : i32 to index
    %get3A_245 = arith.index_cast %get3A_243 : i32 to index
    %get3A_246 = arith.constant 48 : index
    %get3A_247 = tpu.vector_load %arg5[%get3A_244, %get3A_245, %get3A_246] {strides = array<i32>} : memref<4x8x128xi32, #tpu.memory_space<vmem>>, vector<16xi32>,
    %shift_right_logical3A_248 = arith.constant 1 : i32
    %shift_right_logical3A_249 = vector.broadcast %shift_right_logical3A_248 : i32 to vector<16xi32>
    %shift_right_logical3A_250 = arith.shrui %get3A_247, %shift_right_logical3A_249 : vector<16xi32>
    %swap3A_251 = arith.constant 1 : i32
    %swap3A_252 = arith.constant 0 : i32
    %swap3A_253 = arith.index_cast %swap3A_251 : i32 to index
    %swap3A_254 = arith.index_cast %swap3A_252 : i32 to index
    %swap3A_255 = arith.constant 48 : index
    %swap3A_256 = tpu.vector_load %arg6[%swap3A_253, %swap3A_254, %swap3A_255] {strides = array<i32>} : memref<4x8x128xi32, #tpu.memory_space<vmem>>, vector<16xi32>,
    tpu.vector_store %arg6[%swap3A_253, %swap3A_254, %swap3A_255], %shift_right_logical3A_250 {strides = array<i32>} : memref<4x8x128xi32, #tpu.memory_space<vmem>>, vector<16xi32>,
    %and3A_257 = arith.constant 1 : i32
    %and3A_258 = vector.broadcast %and3A_257 : i32 to vector<16xi32>
    %and3A_259 = arith.andi %get3A_247, %and3A_258 : vector<16xi32>
    %swap3A_260 = arith.constant 176 : index
    %swap3A_261 = tpu.vector_load %arg7[%swap3A_260] {strides = array<i32>} : memref<512xi32, #tpu.memory_space<vmem>>, vector<16xi32>,
    tpu.vector_store %arg7[%swap3A_260], %and3A_259 {strides = array<i32>} : memref<512xi32, #tpu.memory_space<vmem>>, vector<16xi32>,
    %get3A_262 = arith.constant 1 : i32
    %get3A_263 = arith.constant 0 : i32
    %get3A_264 = arith.index_cast %get3A_262 : i32 to index
    %get3A_265 = arith.index_cast %get3A_263 : i32 to index
    %get3A_266 = arith.constant 64 : index
    %get3A_267 = tpu.vector_load %arg5[%get3A_264, %get3A_265, %get3A_266] {strides = array<i32>} : memref<4x8x128xi32, #tpu.memory_space<vmem>>, vector<16xi32>,
    %shift_right_logical3A_268 = arith.constant 1 : i32
    %shift_right_logical3A_269 = vector.broadcast %shift_right_logical3A_268 : i32 to vector<16xi32>
    %shift_right_logical3A_270 = arith.shrui %get3A_267, %shift_right_logical3A_269 : vector<16xi32>
    %swap3A_271 = arith.constant 1 : i32
    %swap3A_272 = arith.constant 0 : i32
    %swap3A_273 = arith.index_cast %swap3A_271 : i32 to index
    %swap3A_274 = arith.index_cast %swap3A_272 : i32 to index
    %swap3A_275 = arith.constant 64 : index
    %swap3A_276 = tpu.vector_load %arg6[%swap3A_273, %swap3A_274, %swap3A_275] {strides = array<i32>} : memref<4x8x128xi32, #tpu.memory_space<vmem>>, vector<16xi32>,
    tpu.vector_store %arg6[%swap3A_273, %swap3A_274, %swap3A_275], %shift_right_logical3A_270 {strides = array<i32>} : memref<4x8x128xi32, #tpu.memory_space<vmem>>, vector<16xi32>,
    %and3A_277 = arith.constant 1 : i32
    %and3A_278 = vector.broadcast %and3A_277 : i32 to vector<16xi32>
    %and3A_279 = arith.andi %get3A_267, %and3A_278 : vector<16xi32>
    %swap3A_280 = arith.constant 192 : index
    %swap3A_281 = tpu.vector_load %arg7[%swap3A_280] {strides = array<i32>} : memref<512xi32, #tpu.memory_space<vmem>>, vector<16xi32>,
    tpu.vector_store %arg7[%swap3A_280], %and3A_279 {strides = array<i32>} : memref<512xi32, #tpu.memory_space<vmem>>, vector<16xi32>,
    %get3A_282 = arith.constant 1 : i32
    %get3A_283 = arith.constant 0 : i32
    %get3A_284 = arith.index_cast %get3A_282 : i32 to index
    %get3A_285 = arith.index_cast %get3A_283 : i32 to index
    %get3A_286 = arith.constant 80 : index
    %get3A_287 = tpu.vector_load %arg5[%get3A_284, %get3A_285, %get3A_286] {strides = array<i32>} : memref<4x8x128xi32, #tpu.memory_space<vmem>>, vector<16xi32>,
    %shift_right_logical3A_288 = arith.constant 1 : i32
    %shift_right_logical3A_289 = vector.broadcast %shift_right_logical3A_288 : i32 to vector<16xi32>
    %shift_right_logical3A_290 = arith.shrui %get3A_287, %shift_right_logical3A_289 : vector<16xi32>
    %swap3A_291 = arith.constant 1 : i32
    %swap3A_292 = arith.constant 0 : i32
    %swap3A_293 = arith.index_cast %swap3A_291 : i32 to index
    %swap3A_294 = arith.index_cast %swap3A_292 : i32 to index
    %swap3A_295 = arith.constant 80 : index
    %swap3A_296 = tpu.vector_load %arg6[%swap3A_293, %swap3A_294, %swap3A_295] {strides = array<i32>} : memref<4x8x128xi32, #tpu.memory_space<vmem>>, vector<16xi32>,
    tpu.vector_store %arg6[%swap3A_293, %swap3A_294, %swap3A_295], %shift_right_logical3A_290 {strides = array<i32>} : memref<4x8x128xi32, #tpu.memory_space<vmem>>, vector<16xi32>,
    %and3A_297 = arith.constant 1 : i32
    %and3A_298 = vector.broadcast %and3A_297 : i32 to vector<16xi32>
    %and3A_299 = arith.andi %get3A_287, %and3A_298 : vector<16xi32>
    %swap3A_300 = arith.constant 208 : index
    %swap3A_301 = tpu.vector_load %arg7[%swap3A_300] {strides = array<i32>} : memref<512xi32, #tpu.memory_space<vmem>>, vector<16xi32>,
    tpu.vector_store %arg7[%swap3A_300], %and3A_299 {strides = array<i32>} : memref<512xi32, #tpu.memory_space<vmem>>, vector<16xi32>,
    %get3A_302 = arith.constant 1 : i32
    %get3A_303 = arith.constant 0 : i32
    %get3A_304 = arith.index_cast %get3A_302 : i32 to index
    %get3A_305 = arith.index_cast %get3A_303 : i32 to index
    %get3A_306 = arith.constant 96 : index
    %get3A_307 = tpu.vector_load %arg5[%get3A_304, %get3A_305, %get3A_306] {strides = array<i32>} : memref<4x8x128xi32, #tpu.memory_space<vmem>>, vector<16xi32>,
    %shift_right_logical3A_308 = arith.constant 1 : i32
    %shift_right_logical3A_309 = vector.broadcast %shift_right_logical3A_308 : i32 to vector<16xi32>
    %shift_right_logical3A_310 = arith.shrui %get3A_307, %shift_right_logical3A_309 : vector<16xi32>
    %swap3A_311 = arith.constant 1 : i32
    %swap3A_312 = arith.constant 0 : i32
    %swap3A_313 = arith.index_cast %swap3A_311 : i32 to index
    %swap3A_314 = arith.index_cast %swap3A_312 : i32 to index
    %swap3A_315 = arith.constant 96 : index
    %swap3A_316 = tpu.vector_load %arg6[%swap3A_313, %swap3A_314, %swap3A_315] {strides = array<i32>} : memref<4x8x128xi32, #tpu.memory_space<vmem>>, vector<16xi32>,
    tpu.vector_store %arg6[%swap3A_313, %swap3A_314, %swap3A_315], %shift_right_logical3A_310 {strides = array<i32>} : memref<4x8x128xi32, #tpu.memory_space<vmem>>, vector<16xi32>,
    %and3A_317 = arith.constant 1 : i32
    %and3A_318 = vector.broadcast %and3A_317 : i32 to vector<16xi32>
    %and3A_319 = arith.andi %get3A_307, %and3A_318 : vector<16xi32>
    %swap3A_320 = arith.constant 224 : index
    %swap3A_321 = tpu.vector_load %arg7[%swap3A_320] {strides = array<i32>} : memref<512xi32, #tpu.memory_space<vmem>>, vector<16xi32>,
    tpu.vector_store %arg7[%swap3A_320], %and3A_319 {strides = array<i32>} : memref<512xi32, #tpu.memory_space<vmem>>, vector<16xi32>,
    %get3A_322 = arith.constant 1 : i32
    %get3A_323 = arith.constant 0 : i32
    %get3A_324 = arith.index_cast %get3A_322 : i32 to index
    %get3A_325 = arith.index_cast %get3A_323 : i32 to index
    %get3A_326 = arith.constant 112 : index
    %get3A_327 = tpu.vector_load %arg5[%get3A_324, %get3A_325, %get3A_326] {strides = array<i32>} : memref<4x8x128xi32, #tpu.memory_space<vmem>>, vector<16xi32>,
    %shift_right_logical3A_328 = arith.constant 1 : i32
    %shift_right_logical3A_329 = vector.broadcast %shift_right_logical3A_328 : i32 to vector<16xi32>
    %shift_right_logical3A_330 = arith.shrui %get3A_327, %shift_right_logical3A_329 : vector<16xi32>
    %swap3A_331 = arith.constant 1 : i32
    %swap3A_332 = arith.constant 0 : i32
    %swap3A_333 = arith.index_cast %swap3A_331 : i32 to index
    %swap3A_334 = arith.index_cast %swap3A_332 : i32 to index
    %swap3A_335 = arith.constant 112 : index
    %swap3A_336 = tpu.vector_load %arg6[%swap3A_333, %swap3A_334, %swap3A_335] {strides = array<i32>} : memref<4x8x128xi32, #tpu.memory_space<vmem>>, vector<16xi32>,
    tpu.vector_store %arg6[%swap3A_333, %swap3A_334, %swap3A_335], %shift_right_logical3A_330 {strides = array<i32>} : memref<4x8x128xi32, #tpu.memory_space<vmem>>, vector<16xi32>,
    %and3A_337 = arith.constant 1 : i32
    %and3A_338 = vector.broadcast %and3A_337 : i32 to vector<16xi32>
    %and3A_339 = arith.andi %get3A_327, %and3A_338 : vector<16xi32>
    %swap3A_340 = arith.constant 240 : index
    %swap3A_341 = tpu.vector_load %arg7[%swap3A_340] {strides = array<i32>} : memref<512xi32, #tpu.memory_space<vmem>>, vector<16xi32>,
    tpu.vector_store %arg7[%swap3A_340], %and3A_339 {strides = array<i32>} : memref<512xi32, #tpu.memory_space<vmem>>, vector<16xi32>,
    %get3A_342 = arith.constant 2 : i32
    %get3A_343 = arith.constant 0 : i32
    %get3A_344 = arith.index_cast %get3A_342 : i32 to index
    %get3A_345 = arith.index_cast %get3A_343 : i32 to index
    %get3A_346 = arith.constant 0 : index
    %get3A_347 = tpu.vector_load %arg5[%get3A_344, %get3A_345, %get3A_346] {strides = array<i32>} : memref<4x8x128xi32, #tpu.memory_space<vmem>>, vector<16xi32>,
    %shift_right_logical3A_348 = arith.constant 1 : i32
    %shift_right_logical3A_349 = vector.broadcast %shift_right_logical3A_348 : i32 to vector<16xi32>
    %shift_right_logical3A_350 = arith.shrui %get3A_347, %shift_right_logical3A_349 : vector<16xi32>
    %swap3A_351 = arith.constant 2 : i32
    %swap3A_352 = arith.constant 0 : i32
    %swap3A_353 = arith.index_cast %swap3A_351 : i32 to index
    %swap3A_354 = arith.index_cast %swap3A_352 : i32 to index
    %swap3A_355 = arith.constant 0 : index
    %swap3A_356 = tpu.vector_load %arg6[%swap3A_353, %swap3A_354, %swap3A_355] {strides = array<i32>} : memref<4x8x128xi32, #tpu.memory_space<vmem>>, vector<16xi32>,
    tpu.vector_store %arg6[%swap3A_353, %swap3A_354, %swap3A_355], %shift_right_logical3A_350 {strides = array<i32>} : memref<4x8x128xi32, #tpu.memory_space<vmem>>, vector<16xi32>,
    %and3A_357 = arith.constant 1 : i32
    %and3A_358 = vector.broadcast %and3A_357 : i32 to vector<16xi32>
    %and3A_359 = arith.andi %get3A_347, %and3A_358 : vector<16xi32>
    %swap3A_360 = arith.constant 256 : index
    %swap3A_361 = tpu.vector_load %arg7[%swap3A_360] {strides = array<i32>} : memref<512xi32, #tpu.memory_space<vmem>>, vector<16xi32>,
    tpu.vector_store %arg7[%swap3A_360], %and3A_359 {strides = array<i32>} : memref<512xi32, #tpu.memory_space<vmem>>, vector<16xi32>,
    %get3A_362 = arith.constant 2 : i32
    %get3A_363 = arith.constant 0 : i32
    %get3A_364 = arith.index_cast %get3A_362 : i32 to index
    %get3A_365 = arith.index_cast %get3A_363 : i32 to index
    %get3A_366 = arith.constant 16 : index
    %get3A_367 = tpu.vector_load %arg5[%get3A_364, %get3A_365, %get3A_366] {strides = array<i32>} : memref<4x8x128xi32, #tpu.memory_space<vmem>>, vector<16xi32>,
    %shift_right_logical3A_368 = arith.constant 1 : i32
    %shift_right_logical3A_369 = vector.broadcast %shift_right_logical3A_368 : i32 to vector<16xi32>
    %shift_right_logical3A_370 = arith.shrui %get3A_367, %shift_right_logical3A_369 : vector<16xi32>
    %swap3A_371 = arith.constant 2 : i32
    %swap3A_372 = arith.constant 0 : i32
    %swap3A_373 = arith.index_cast %swap3A_371 : i32 to index
    %swap3A_374 = arith.index_cast %swap3A_372 : i32 to index
    %swap3A_375 = arith.constant 16 : index
    %swap3A_376 = tpu.vector_load %arg6[%swap3A_373, %swap3A_374, %swap3A_375] {strides = array<i32>} : memref<4x8x128xi32, #tpu.memory_space<vmem>>, vector<16xi32>,
    tpu.vector_store %arg6[%swap3A_373, %swap3A_374, %swap3A_375], %shift_right_logical3A_370 {strides = array<i32>} : memref<4x8x128xi32, #tpu.memory_space<vmem>>, vector<16xi32>,
    %and3A_377 = arith.constant 1 : i32
    %and3A_378 = vector.broadcast %and3A_377 : i32 to vector<16xi32>
    %and3A_379 = arith.andi %get3A_367, %and3A_378 : vector<16xi32>
    %swap3A_380 = arith.constant 272 : index
    %swap3A_381 = tpu.vector_load %arg7[%swap3A_380] {strides = array<i32>} : memref<512xi32, #tpu.memory_space<vmem>>, vector<16xi32>,
    tpu.vector_store %arg7[%swap3A_380], %and3A_379 {strides = array<i32>} : memref<512xi32, #tpu.memory_space<vmem>>, vector<16xi32>,
    %get3A_382 = arith.constant 2 : i32
    %get3A_383 = arith.constant 0 : i32
    %get3A_384 = arith.index_cast %get3A_382 : i32 to index
    %get3A_385 = arith.index_cast %get3A_383 : i32 to index
    %get3A_386 = arith.constant 32 : index
    %get3A_387 = tpu.vector_load %arg5[%get3A_384, %get3A_385, %get3A_386] {strides = array<i32>} : memref<4x8x128xi32, #tpu.memory_space<vmem>>, vector<16xi32>,
    %shift_right_logical3A_388 = arith.constant 1 : i32
    %shift_right_logical3A_389 = vector.broadcast %shift_right_logical3A_388 : i32 to vector<16xi32>
    %shift_right_logical3A_390 = arith.shrui %get3A_387, %shift_right_logical3A_389 : vector<16xi32>
    %swap3A_391 = arith.constant 2 : i32
    %swap3A_392 = arith.constant 0 : i32
    %swap3A_393 = arith.index_cast %swap3A_391 : i32 to index
    %swap3A_394 = arith.index_cast %swap3A_392 : i32 to index
    %swap3A_395 = arith.constant 32 : index
    %swap3A_396 = tpu.vector_load %arg6[%swap3A_393, %swap3A_394, %swap3A_395] {strides = array<i32>} : memref<4x8x128xi32, #tpu.memory_space<vmem>>, vector<16xi32>,
    tpu.vector_store %arg6[%swap3A_393, %swap3A_394, %swap3A_395], %shift_right_logical3A_390 {strides = array<i32>} : memref<4x8x128xi32, #tpu.memory_space<vmem>>, vector<16xi32>,
    %and3A_397 = arith.constant 1 : i32
    %and3A_398 = vector.broadcast %and3A_397 : i32 to vector<16xi32>
    %and3A_399 = arith.andi %get3A_387, %and3A_398 : vector<16xi32>
    %swap3A_400 = arith.constant 288 : index
    %swap3A_401 = tpu.vector_load %arg7[%swap3A_400] {strides = array<i32>} : memref<512xi32, #tpu.memory_space<vmem>>, vector<16xi32>,
    tpu.vector_store %arg7[%swap3A_400], %and3A_399 {strides = array<i32>} : memref<512xi32, #tpu.memory_space<vmem>>, vector<16xi32>,
    %get3A_402 = arith.constant 2 : i32
    %get3A_403 = arith.constant 0 : i32
    %get3A_404 = arith.index_cast %get3A_402 : i32 to index
    %get3A_405 = arith.index_cast %get3A_403 : i32 to index
    %get3A_406 = arith.constant 48 : index
    %get3A_407 = tpu.vector_load %arg5[%get3A_404, %get3A_405, %get3A_406] {strides = array<i32>} : memref<4x8x128xi32, #tpu.memory_space<vmem>>, vector<16xi32>,
    %shift_right_logical3A_408 = arith.constant 1 : i32
    %shift_right_logical3A_409 = vector.broadcast %shift_right_logical3A_408 : i32 to vector<16xi32>
    %shift_right_logical3A_410 = arith.shrui %get3A_407, %shift_right_logical3A_409 : vector<16xi32>
    %swap3A_411 = arith.constant 2 : i32
    %swap3A_412 = arith.constant 0 : i32
    %swap3A_413 = arith.index_cast %swap3A_411 : i32 to index
    %swap3A_414 = arith.index_cast %swap3A_412 : i32 to index
    %swap3A_415 = arith.constant 48 : index
    %swap3A_416 = tpu.vector_load %arg6[%swap3A_413, %swap3A_414, %swap3A_415] {strides = array<i32>} : memref<4x8x128xi32, #tpu.memory_space<vmem>>, vector<16xi32>,
    tpu.vector_store %arg6[%swap3A_413, %swap3A_414, %swap3A_415], %shift_right_logical3A_410 {strides = array<i32>} : memref<4x8x128xi32, #tpu.memory_space<vmem>>, vector<16xi32>,
    %and3A_417 = arith.constant 1 : i32
    %and3A_418 = vector.broadcast %and3A_417 : i32 to vector<16xi32>
    %and3A_419 = arith.andi %get3A_407, %and3A_418 : vector<16xi32>
    %swap3A_420 = arith.constant 304 : index
    %swap3A_421 = tpu.vector_load %arg7[%swap3A_420] {strides = array<i32>} : memref<512xi32, #tpu.memory_space<vmem>>, vector<16xi32>,
    tpu.vector_store %arg7[%swap3A_420], %and3A_419 {strides = array<i32>} : memref<512xi32, #tpu.memory_space<vmem>>, vector<16xi32>,
    %get3A_422 = arith.constant 2 : i32
    %get3A_423 = arith.constant 0 : i32
    %get3A_424 = arith.index_cast %get3A_422 : i32 to index
    %get3A_425 = arith.index_cast %get3A_423 : i32 to index
    %get3A_426 = arith.constant 64 : index
    %get3A_427 = tpu.vector_load %arg5[%get3A_424, %get3A_425, %get3A_426] {strides = array<i32>} : memref<4x8x128xi32, #tpu.memory_space<vmem>>, vector<16xi32>,
    %shift_right_logical3A_428 = arith.constant 1 : i32
    %shift_right_logical3A_429 = vector.broadcast %shift_right_logical3A_428 : i32 to vector<16xi32>
    %shift_right_logical3A_430 = arith.shrui %get3A_427, %shift_right_logical3A_429 : vector<16xi32>
    %swap3A_431 = arith.constant 2 : i32
    %swap3A_432 = arith.constant 0 : i32
    %swap3A_433 = arith.index_cast %swap3A_431 : i32 to index
    %swap3A_434 = arith.index_cast %swap3A_432 : i32 to index
    %swap3A_435 = arith.constant 64 : index
    %swap3A_436 = tpu.vector_load %arg6[%swap3A_433, %swap3A_434, %swap3A_435] {strides = array<i32>} : memref<4x8x128xi32, #tpu.memory_space<vmem>>, vector<16xi32>,
    tpu.vector_store %arg6[%swap3A_433, %swap3A_434, %swap3A_435], %shift_right_logical3A_430 {strides = array<i32>} : memref<4x8x128xi32, #tpu.memory_space<vmem>>, vector<16xi32>,
    %and3A_437 = arith.constant 1 : i32
    %and3A_438 = vector.broadcast %and3A_437 : i32 to vector<16xi32>
    %and3A_439 = arith.andi %get3A_427, %and3A_438 : vector<16xi32>
    %swap3A_440 = arith.constant 320 : index
    %swap3A_441 = tpu.vector_load %arg7[%swap3A_440] {strides = array<i32>} : memref<512xi32, #tpu.memory_space<vmem>>, vector<16xi32>,
    tpu.vector_store %arg7[%swap3A_440], %and3A_439 {strides = array<i32>} : memref<512xi32, #tpu.memory_space<vmem>>, vector<16xi32>,
    %get3A_442 = arith.constant 2 : i32
    %get3A_443 = arith.constant 0 : i32
    %get3A_444 = arith.index_cast %get3A_442 : i32 to index
    %get3A_445 = arith.index_cast %get3A_443 : i32 to index
    %get3A_446 = arith.constant 80 : index
    %get3A_447 = tpu.vector_load %arg5[%get3A_444, %get3A_445, %get3A_446] {strides = array<i32>} : memref<4x8x128xi32, #tpu.memory_space<vmem>>, vector<16xi32>,
    %shift_right_logical3A_448 = arith.constant 1 : i32
    %shift_right_logical3A_449 = vector.broadcast %shift_right_logical3A_448 : i32 to vector<16xi32>
    %shift_right_logical3A_450 = arith.shrui %get3A_447, %shift_right_logical3A_449 : vector<16xi32>
    %swap3A_451 = arith.constant 2 : i32
    %swap3A_452 = arith.constant 0 : i32
    %swap3A_453 = arith.index_cast %swap3A_451 : i32 to index
    %swap3A_454 = arith.index_cast %swap3A_452 : i32 to index
    %swap3A_455 = arith.constant 80 : index
    %swap3A_456 = tpu.vector_load %arg6[%swap3A_453, %swap3A_454, %swap3A_455] {strides = array<i32>} : memref<4x8x128xi32, #tpu.memory_space<vmem>>, vector<16xi32>,
    tpu.vector_store %arg6[%swap3A_453, %swap3A_454, %swap3A_455], %shift_right_logical3A_450 {strides = array<i32>} : memref<4x8x128xi32, #tpu.memory_space<vmem>>, vector<16xi32>,
    %and3A_457 = arith.constant 1 : i32
    %and3A_458 = vector.broadcast %and3A_457 : i32 to vector<16xi32>
    %and3A_459 = arith.andi %get3A_447, %and3A_458 : vector<16xi32>
    %swap3A_460 = arith.constant 336 : index
    %swap3A_461 = tpu.vector_load %arg7[%swap3A_460] {strides = array<i32>} : memref<512xi32, #tpu.memory_space<vmem>>, vector<16xi32>,
    tpu.vector_store %arg7[%swap3A_460], %and3A_459 {strides = array<i32>} : memref<512xi32, #tpu.memory_space<vmem>>, vector<16xi32>,
    %get3A_462 = arith.constant 2 : i32
    %get3A_463 = arith.constant 0 : i32
    %get3A_464 = arith.index_cast %get3A_462 : i32 to index
    %get3A_465 = arith.index_cast %get3A_463 : i32 to index
    %get3A_466 = arith.constant 96 : index
    %get3A_467 = tpu.vector_load %arg5[%get3A_464, %get3A_465, %get3A_466] {strides = array<i32>} : memref<4x8x128xi32, #tpu.memory_space<vmem>>, vector<16xi32>,
    %shift_right_logical3A_468 = arith.constant 1 : i32
    %shift_right_logical3A_469 = vector.broadcast %shift_right_logical3A_468 : i32 to vector<16xi32>
    %shift_right_logical3A_470 = arith.shrui %get3A_467, %shift_right_logical3A_469 : vector<16xi32>
    %swap3A_471 = arith.constant 2 : i32
    %swap3A_472 = arith.constant 0 : i32
    %swap3A_473 = arith.index_cast %swap3A_471 : i32 to index
    %swap3A_474 = arith.index_cast %swap3A_472 : i32 to index
    %swap3A_475 = arith.constant 96 : index
    %swap3A_476 = tpu.vector_load %arg6[%swap3A_473, %swap3A_474, %swap3A_475] {strides = array<i32>} : memref<4x8x128xi32, #tpu.memory_space<vmem>>, vector<16xi32>,
    tpu.vector_store %arg6[%swap3A_473, %swap3A_474, %swap3A_475], %shift_right_logical3A_470 {strides = array<i32>} : memref<4x8x128xi32, #tpu.memory_space<vmem>>, vector<16xi32>,
    %and3A_477 = arith.constant 1 : i32
    %and3A_478 = vector.broadcast %and3A_477 : i32 to vector<16xi32>
    %and3A_479 = arith.andi %get3A_467, %and3A_478 : vector<16xi32>
    %swap3A_480 = arith.constant 352 : index
    %swap3A_481 = tpu.vector_load %arg7[%swap3A_480] {strides = array<i32>} : memref<512xi32, #tpu.memory_space<vmem>>, vector<16xi32>,
    tpu.vector_store %arg7[%swap3A_480], %and3A_479 {strides = array<i32>} : memref<512xi32, #tpu.memory_space<vmem>>, vector<16xi32>,
    %get3A_482 = arith.constant 2 : i32
    %get3A_483 = arith.constant 0 : i32
    %get3A_484 = arith.index_cast %get3A_482 : i32 to index
    %get3A_485 = arith.index_cast %get3A_483 : i32 to index
    %get3A_486 = arith.constant 112 : index
    %get3A_487 = tpu.vector_load %arg5[%get3A_484, %get3A_485, %get3A_486] {strides = array<i32>} : memref<4x8x128xi32, #tpu.memory_space<vmem>>, vector<16xi32>,
    %shift_right_logical3A_488 = arith.constant 1 : i32
    %shift_right_logical3A_489 = vector.broadcast %shift_right_logical3A_488 : i32 to vector<16xi32>
    %shift_right_logical3A_490 = arith.shrui %get3A_487, %shift_right_logical3A_489 : vector<16xi32>
    %swap3A_491 = arith.constant 2 : i32
    %swap3A_492 = arith.constant 0 : i32
    %swap3A_493 = arith.index_cast %swap3A_491 : i32 to index
    %swap3A_494 = arith.index_cast %swap3A_492 : i32 to index
    %swap3A_495 = arith.constant 112 : index
    %swap3A_496 = tpu.vector_load %arg6[%swap3A_493, %swap3A_494, %swap3A_495] {strides = array<i32>} : memref<4x8x128xi32, #tpu.memory_space<vmem>>, vector<16xi32>,
    tpu.vector_store %arg6[%swap3A_493, %swap3A_494, %swap3A_495], %shift_right_logical3A_490 {strides = array<i32>} : memref<4x8x128xi32, #tpu.memory_space<vmem>>, vector<16xi32>,
    %and3A_497 = arith.constant 1 : i32
    %and3A_498 = vector.broadcast %and3A_497 : i32 to vector<16xi32>
    %and3A_499 = arith.andi %get3A_487, %and3A_498 : vector<16xi32>
    %swap3A_500 = arith.constant 368 : index
    %swap3A_501 = tpu.vector_load %arg7[%swap3A_500] {strides = array<i32>} : memref<512xi32, #tpu.memory_space<vmem>>, vector<16xi32>,
    tpu.vector_store %arg7[%swap3A_500], %and3A_499 {strides = array<i32>} : memref<512xi32, #tpu.memory_space<vmem>>, vector<16xi32>,
    %get3A_502 = arith.constant 3 : i32
    %get3A_503 = arith.constant 0 : i32
    %get3A_504 = arith.index_cast %get3A_502 : i32 to index
    %get3A_505 = arith.index_cast %get3A_503 : i32 to index
    %get3A_506 = arith.constant 0 : index
    %get3A_507 = tpu.vector_load %arg5[%get3A_504, %get3A_505, %get3A_506] {strides = array<i32>} : memref<4x8x128xi32, #tpu.memory_space<vmem>>, vector<16xi32>,
    %shift_right_logical3A_508 = arith.constant 1 : i32
    %shift_right_logical3A_509 = vector.broadcast %shift_right_logical3A_508 : i32 to vector<16xi32>
    %shift_right_logical3A_510 = arith.shrui %get3A_507, %shift_right_logical3A_509 : vector<16xi32>
    %swap3A_511 = arith.constant 3 : i32
    %swap3A_512 = arith.constant 0 : i32
    %swap3A_513 = arith.index_cast %swap3A_511 : i32 to index
    %swap3A_514 = arith.index_cast %swap3A_512 : i32 to index
    %swap3A_515 = arith.constant 0 : index
    %swap3A_516 = tpu.vector_load %arg6[%swap3A_513, %swap3A_514, %swap3A_515] {strides = array<i32>} : memref<4x8x128xi32, #tpu.memory_space<vmem>>, vector<16xi32>,
    tpu.vector_store %arg6[%swap3A_513, %swap3A_514, %swap3A_515], %shift_right_logical3A_510 {strides = array<i32>} : memref<4x8x128xi32, #tpu.memory_space<vmem>>, vector<16xi32>,
    %and3A_517 = arith.constant 1 : i32
    %and3A_518 = vector.broadcast %and3A_517 : i32 to vector<16xi32>
    %and3A_519 = arith.andi %get3A_507, %and3A_518 : vector<16xi32>
    %swap3A_520 = arith.constant 384 : index
    %swap3A_521 = tpu.vector_load %arg7[%swap3A_520] {strides = array<i32>} : memref<512xi32, #tpu.memory_space<vmem>>, vector<16xi32>,
    tpu.vector_store %arg7[%swap3A_520], %and3A_519 {strides = array<i32>} : memref<512xi32, #tpu.memory_space<vmem>>, vector<16xi32>,
    %get3A_522 = arith.constant 3 : i32
    %get3A_523 = arith.constant 0 : i32
    %get3A_524 = arith.index_cast %get3A_522 : i32 to index
    %get3A_525 = arith.index_cast %get3A_523 : i32 to index
    %get3A_526 = arith.constant 16 : index
    %get3A_527 = tpu.vector_load %arg5[%get3A_524, %get3A_525, %get3A_526] {strides = array<i32>} : memref<4x8x128xi32, #tpu.memory_space<vmem>>, vector<16xi32>,
    %shift_right_logical3A_528 = arith.constant 1 : i32
    %shift_right_logical3A_529 = vector.broadcast %shift_right_logical3A_528 : i32 to vector<16xi32>
    %shift_right_logical3A_530 = arith.shrui %get3A_527, %shift_right_logical3A_529 : vector<16xi32>
    %swap3A_531 = arith.constant 3 : i32
    %swap3A_532 = arith.constant 0 : i32
    %swap3A_533 = arith.index_cast %swap3A_531 : i32 to index
    %swap3A_534 = arith.index_cast %swap3A_532 : i32 to index
    %swap3A_535 = arith.constant 16 : index
    %swap3A_536 = tpu.vector_load %arg6[%swap3A_533, %swap3A_534, %swap3A_535] {strides = array<i32>} : memref<4x8x128xi32, #tpu.memory_space<vmem>>, vector<16xi32>,
    tpu.vector_store %arg6[%swap3A_533, %swap3A_534, %swap3A_535], %shift_right_logical3A_530 {strides = array<i32>} : memref<4x8x128xi32, #tpu.memory_space<vmem>>, vector<16xi32>,
    %and3A_537 = arith.constant 1 : i32
    %and3A_538 = vector.broadcast %and3A_537 : i32 to vector<16xi32>
    %and3A_539 = arith.andi %get3A_527, %and3A_538 : vector<16xi32>
    %swap3A_540 = arith.constant 400 : index
    %swap3A_541 = tpu.vector_load %arg7[%swap3A_540] {strides = array<i32>} : memref<512xi32, #tpu.memory_space<vmem>>, vector<16xi32>,
    tpu.vector_store %arg7[%swap3A_540], %and3A_539 {strides = array<i32>} : memref<512xi32, #tpu.memory_space<vmem>>, vector<16xi32>,
    %get3A_542 = arith.constant 3 : i32
    %get3A_543 = arith.constant 0 : i32
    %get3A_544 = arith.index_cast %get3A_542 : i32 to index
    %get3A_545 = arith.index_cast %get3A_543 : i32 to index
    %get3A_546 = arith.constant 32 : index
    %get3A_547 = tpu.vector_load %arg5[%get3A_544, %get3A_545, %get3A_546] {strides = array<i32>} : memref<4x8x128xi32, #tpu.memory_space<vmem>>, vector<16xi32>,
    %shift_right_logical3A_548 = arith.constant 1 : i32
    %shift_right_logical3A_549 = vector.broadcast %shift_right_logical3A_548 : i32 to vector<16xi32>
    %shift_right_logical3A_550 = arith.shrui %get3A_547, %shift_right_logical3A_549 : vector<16xi32>
    %swap3A_551 = arith.constant 3 : i32
    %swap3A_552 = arith.constant 0 : i32
    %swap3A_553 = arith.index_cast %swap3A_551 : i32 to index
    %swap3A_554 = arith.index_cast %swap3A_552 : i32 to index
    %swap3A_555 = arith.constant 32 : index
    %swap3A_556 = tpu.vector_load %arg6[%swap3A_553, %swap3A_554, %swap3A_555] {strides = array<i32>} : memref<4x8x128xi32, #tpu.memory_space<vmem>>, vector<16xi32>,
    tpu.vector_store %arg6[%swap3A_553, %swap3A_554, %swap3A_555], %shift_right_logical3A_550 {strides = array<i32>} : memref<4x8x128xi32, #tpu.memory_space<vmem>>, vector<16xi32>,
    %and3A_557 = arith.constant 1 : i32
    %and3A_558 = vector.broadcast %and3A_557 : i32 to vector<16xi32>
    %and3A_559 = arith.andi %get3A_547, %and3A_558 : vector<16xi32>
    %swap3A_560 = arith.constant 416 : index
    %swap3A_561 = tpu.vector_load %arg7[%swap3A_560] {strides = array<i32>} : memref<512xi32, #tpu.memory_space<vmem>>, vector<16xi32>,
    tpu.vector_store %arg7[%swap3A_560], %and3A_559 {strides = array<i32>} : memref<512xi32, #tpu.memory_space<vmem>>, vector<16xi32>,
    %get3A_562 = arith.constant 3 : i32
    %get3A_563 = arith.constant 0 : i32
    %get3A_564 = arith.index_cast %get3A_562 : i32 to index
    %get3A_565 = arith.index_cast %get3A_563 : i32 to index
    %get3A_566 = arith.constant 48 : index
    %get3A_567 = tpu.vector_load %arg5[%get3A_564, %get3A_565, %get3A_566] {strides = array<i32>} : memref<4x8x128xi32, #tpu.memory_space<vmem>>, vector<16xi32>,
    %shift_right_logical3A_568 = arith.constant 1 : i32
    %shift_right_logical3A_569 = vector.broadcast %shift_right_logical3A_568 : i32 to vector<16xi32>
    %shift_right_logical3A_570 = arith.shrui %get3A_567, %shift_right_logical3A_569 : vector<16xi32>
    %swap3A_571 = arith.constant 3 : i32
    %swap3A_572 = arith.constant 0 : i32
    %swap3A_573 = arith.index_cast %swap3A_571 : i32 to index
    %swap3A_574 = arith.index_cast %swap3A_572 : i32 to index
    %swap3A_575 = arith.constant 48 : index
    %swap3A_576 = tpu.vector_load %arg6[%swap3A_573, %swap3A_574, %swap3A_575] {strides = array<i32>} : memref<4x8x128xi32, #tpu.memory_space<vmem>>, vector<16xi32>,
    tpu.vector_store %arg6[%swap3A_573, %swap3A_574, %swap3A_575], %shift_right_logical3A_570 {strides = array<i32>} : memref<4x8x128xi32, #tpu.memory_space<vmem>>, vector<16xi32>,
    %and3A_577 = arith.constant 1 : i32
    %and3A_578 = vector.broadcast %and3A_577 : i32 to vector<16xi32>
    %and3A_579 = arith.andi %get3A_567, %and3A_578 : vector<16xi32>
    %swap3A_580 = arith.constant 432 : index
    %swap3A_581 = tpu.vector_load %arg7[%swap3A_580] {strides = array<i32>} : memref<512xi32, #tpu.memory_space<vmem>>, vector<16xi32>,
    tpu.vector_store %arg7[%swap3A_580], %and3A_579 {strides = array<i32>} : memref<512xi32, #tpu.memory_space<vmem>>, vector<16xi32>,
    %get3A_582 = arith.constant 3 : i32
    %get3A_583 = arith.constant 0 : i32
    %get3A_584 = arith.index_cast %get3A_582 : i32 to index
    %get3A_585 = arith.index_cast %get3A_583 : i32 to index
    %get3A_586 = arith.constant 64 : index
    %get3A_587 = tpu.vector_load %arg5[%get3A_584, %get3A_585, %get3A_586] {strides = array<i32>} : memref<4x8x128xi32, #tpu.memory_space<vmem>>, vector<16xi32>,
    %shift_right_logical3A_588 = arith.constant 1 : i32
    %shift_right_logical3A_589 = vector.broadcast %shift_right_logical3A_588 : i32 to vector<16xi32>
    %shift_right_logical3A_590 = arith.shrui %get3A_587, %shift_right_logical3A_589 : vector<16xi32>
    %swap3A_591 = arith.constant 3 : i32
    %swap3A_592 = arith.constant 0 : i32
    %swap3A_593 = arith.index_cast %swap3A_591 : i32 to index
    %swap3A_594 = arith.index_cast %swap3A_592 : i32 to index
    %swap3A_595 = arith.constant 64 : index
    %swap3A_596 = tpu.vector_load %arg6[%swap3A_593, %swap3A_594, %swap3A_595] {strides = array<i32>} : memref<4x8x128xi32, #tpu.memory_space<vmem>>, vector<16xi32>,
    tpu.vector_store %arg6[%swap3A_593, %swap3A_594, %swap3A_595], %shift_right_logical3A_590 {strides = array<i32>} : memref<4x8x128xi32, #tpu.memory_space<vmem>>, vector<16xi32>,
    %and3A_597 = arith.constant 1 : i32
    %and3A_598 = vector.broadcast %and3A_597 : i32 to vector<16xi32>
    %and3A_599 = arith.andi %get3A_587, %and3A_598 : vector<16xi32>
    %swap3A_600 = arith.constant 448 : index
    %swap3A_601 = tpu.vector_load %arg7[%swap3A_600] {strides = array<i32>} : memref<512xi32, #tpu.memory_space<vmem>>, vector<16xi32>,
    tpu.vector_store %arg7[%swap3A_600], %and3A_599 {strides = array<i32>} : memref<512xi32, #tpu.memory_space<vmem>>, vector<16xi32>,
    %get3A_602 = arith.constant 3 : i32
    %get3A_603 = arith.constant 0 : i32
    %get3A_604 = arith.index_cast %get3A_602 : i32 to index
    %get3A_605 = arith.index_cast %get3A_603 : i32 to index
    %get3A_606 = arith.constant 80 : index
    %get3A_607 = tpu.vector_load %arg5[%get3A_604, %get3A_605, %get3A_606] {strides = array<i32>} : memref<4x8x128xi32, #tpu.memory_space<vmem>>, vector<16xi32>,
    %shift_right_logical3A_608 = arith.constant 1 : i32
    %shift_right_logical3A_609 = vector.broadcast %shift_right_logical3A_608 : i32 to vector<16xi32>
    %shift_right_logical3A_610 = arith.shrui %get3A_607, %shift_right_logical3A_609 : vector<16xi32>
    %swap3A_611 = arith.constant 3 : i32
    %swap3A_612 = arith.constant 0 : i32
    %swap3A_613 = arith.index_cast %swap3A_611 : i32 to index
    %swap3A_614 = arith.index_cast %swap3A_612 : i32 to index
    %swap3A_615 = arith.constant 80 : index
    %swap3A_616 = tpu.vector_load %arg6[%swap3A_613, %swap3A_614, %swap3A_615] {strides = array<i32>} : memref<4x8x128xi32, #tpu.memory_space<vmem>>, vector<16xi32>,
    tpu.vector_store %arg6[%swap3A_613, %swap3A_614, %swap3A_615], %shift_right_logical3A_610 {strides = array<i32>} : memref<4x8x128xi32, #tpu.memory_space<vmem>>, vector<16xi32>,
    %and3A_617 = arith.constant 1 : i32
    %and3A_618 = vector.broadcast %and3A_617 : i32 to vector<16xi32>
    %and3A_619 = arith.andi %get3A_607, %and3A_618 : vector<16xi32>
    %swap3A_620 = arith.constant 464 : index
    %swap3A_621 = tpu.vector_load %arg7[%swap3A_620] {strides = array<i32>} : memref<512xi32, #tpu.memory_space<vmem>>, vector<16xi32>,
    tpu.vector_store %arg7[%swap3A_620], %and3A_619 {strides = array<i32>} : memref<512xi32, #tpu.memory_space<vmem>>, vector<16xi32>,
    %get3A_622 = arith.constant 3 : i32
    %get3A_623 = arith.constant 0 : i32
    %get3A_624 = arith.index_cast %get3A_622 : i32 to index
    %get3A_625 = arith.index_cast %get3A_623 : i32 to index
    %get3A_626 = arith.constant 96 : index
    %get3A_627 = tpu.vector_load %arg5[%get3A_624, %get3A_625, %get3A_626] {strides = array<i32>} : memref<4x8x128xi32, #tpu.memory_space<vmem>>, vector<16xi32>,
    %shift_right_logical3A_628 = arith.constant 1 : i32
    %shift_right_logical3A_629 = vector.broadcast %shift_right_logical3A_628 : i32 to vector<16xi32>
    %shift_right_logical3A_630 = arith.shrui %get3A_627, %shift_right_logical3A_629 : vector<16xi32>
    %swap3A_631 = arith.constant 3 : i32
    %swap3A_632 = arith.constant 0 : i32
    %swap3A_633 = arith.index_cast %swap3A_631 : i32 to index
    %swap3A_634 = arith.index_cast %swap3A_632 : i32 to index
    %swap3A_635 = arith.constant 96 : index
    %swap3A_636 = tpu.vector_load %arg6[%swap3A_633, %swap3A_634, %swap3A_635] {strides = array<i32>} : memref<4x8x128xi32, #tpu.memory_space<vmem>>, vector<16xi32>,
    tpu.vector_store %arg6[%swap3A_633, %swap3A_634, %swap3A_635], %shift_right_logical3A_630 {strides = array<i32>} : memref<4x8x128xi32, #tpu.memory_space<vmem>>, vector<16xi32>,
    %and3A_637 = arith.constant 1 : i32
    %and3A_638 = vector.broadcast %and3A_637 : i32 to vector<16xi32>
    %and3A_639 = arith.andi %get3A_627, %and3A_638 : vector<16xi32>
    %swap3A_640 = arith.constant 480 : index
    %swap3A_641 = tpu.vector_load %arg7[%swap3A_640] {strides = array<i32>} : memref<512xi32, #tpu.memory_space<vmem>>, vector<16xi32>,
    tpu.vector_store %arg7[%swap3A_640], %and3A_639 {strides = array<i32>} : memref<512xi32, #tpu.memory_space<vmem>>, vector<16xi32>,
    %get3A_642 = arith.constant 3 : i32
    %get3A_643 = arith.constant 0 : i32
    %get3A_644 = arith.index_cast %get3A_642 : i32 to index
    %get3A_645 = arith.index_cast %get3A_643 : i32 to index
    %get3A_646 = arith.constant 112 : index
    %get3A_647 = tpu.vector_load %arg5[%get3A_644, %get3A_645, %get3A_646] {strides = array<i32>} : memref<4x8x128xi32, #tpu.memory_space<vmem>>, vector<16xi32>,
    %shift_right_logical3A_648 = arith.constant 1 : i32
    %shift_right_logical3A_649 = vector.broadcast %shift_right_logical3A_648 : i32 to vector<16xi32>
    %shift_right_logical3A_650 = arith.shrui %get3A_647, %shift_right_logical3A_649 : vector<16xi32>
    %swap3A_651 = arith.constant 3 : i32
    %swap3A_652 = arith.constant 0 : i32
    %swap3A_653 = arith.index_cast %swap3A_651 : i32 to index
    %swap3A_654 = arith.index_cast %swap3A_652 : i32 to index
    %swap3A_655 = arith.constant 112 : index
    %swap3A_656 = tpu.vector_load %arg6[%swap3A_653, %swap3A_654, %swap3A_655] {strides = array<i32>} : memref<4x8x128xi32, #tpu.memory_space<vmem>>, vector<16xi32>,
    tpu.vector_store %arg6[%swap3A_653, %swap3A_654, %swap3A_655], %shift_right_logical3A_650 {strides = array<i32>} : memref<4x8x128xi32, #tpu.memory_space<vmem>>, vector<16xi32>,
    %and3A_657 = arith.constant 1 : i32
    %and3A_658 = vector.broadcast %and3A_657 : i32 to vector<16xi32>
    %and3A_659 = arith.andi %get3A_647, %and3A_658 : vector<16xi32>
    %swap3A_660 = arith.constant 496 : index
    %swap3A_661 = tpu.vector_load %arg7[%swap3A_660] {strides = array<i32>} : memref<512xi32, #tpu.memory_space<vmem>>, vector<16xi32>,
    tpu.vector_store %arg7[%swap3A_660], %and3A_659 {strides = array<i32>} : memref<512xi32, #tpu.memory_space<vmem>>, vector<16xi32>,
    %dma_start3A = arith.constant 0 : i32
    %dma_start3A_662 = arith.constant 0 : i32
    %dma_start3A_663 = arith.constant 0 : i32
    %dma_start3A_664 = arith.constant 0 : i32
    %dma_start3A_665 = tpu.memref_slice %arg8[%dma_start3A_663, %dma_start3A_664] : memref<512x128xf32, #tpu.memory_space<vmem>> -> memref<128x128xf32, #tpu.memory_space<vmem>>
    %dma_start3A_666 = arith.constant 0 : i32
    %dma_start3A_667 = tpu.memref_slice %arg6[%dma_start3A, %dma_start3A_662, %dma_start3A_666] : memref<4x8x128xi32, #tpu.memory_space<vmem>> -> memref<1x1x128xi32, #tpu.memory_space<vmem>>
    %dma_start3A_668 = tpu.memref_squeeze %dma_start3A_667 : memref<1x1x128xi32, #tpu.memory_space<vmem>> -> memref<128xi32, #tpu.memory_space<vmem>>
    %dma_start3A_669 = arith.constant 0 : i32
    %dma_start3A_670 = arith.constant 0 : i32
    %dma_start3A_671 = tpu.memref_slice %arg3[%dma_start3A_669, %dma_start3A_670] : memref<500000x128xf32, #tpu.memory_space<hbm>> -> memref<500000x128xf32, #tpu.memory_space<hbm>>
    tpu.enqueue_indirect_dma source(%dma_start3A_671 : memref<500000x128xf32, #tpu.memory_space<hbm>>) target(%dma_start3A_665 : memref<128x128xf32, #tpu.memory_space<vmem>>) offsets(%dma_start3A_668 : memref<128xi32, #tpu.memory_space<vmem>>) semaphore(%arg10 : memref<!tpu.dma_semaphore, #tpu.memory_space<semaphore_mem>>)
    %dma_start3A_672 = arith.constant 1 : i32
    %dma_start3A_673 = arith.constant 0 : i32
    %dma_start3A_674 = arith.constant 128 : i32
    %dma_start3A_675 = arith.constant 0 : i32
    %dma_start3A_676 = tpu.memref_slice %arg8[%dma_start3A_674, %dma_start3A_675] : memref<512x128xf32, #tpu.memory_space<vmem>> -> memref<128x128xf32, #tpu.memory_space<vmem>>
    %dma_start3A_677 = arith.constant 0 : i32
    %dma_start3A_678 = tpu.memref_slice %arg6[%dma_start3A_672, %dma_start3A_673, %dma_start3A_677] : memref<4x8x128xi32, #tpu.memory_space<vmem>> -> memref<1x1x128xi32, #tpu.memory_space<vmem>>
    %dma_start3A_679 = tpu.memref_squeeze %dma_start3A_678 : memref<1x1x128xi32, #tpu.memory_space<vmem>> -> memref<128xi32, #tpu.memory_space<vmem>>
    %dma_start3A_680 = arith.constant 0 : i32
    %dma_start3A_681 = arith.constant 0 : i32
    %dma_start3A_682 = tpu.memref_slice %arg3[%dma_start3A_680, %dma_start3A_681] : memref<500000x128xf32, #tpu.memory_space<hbm>> -> memref<500000x128xf32, #tpu.memory_space<hbm>>
    tpu.enqueue_indirect_dma source(%dma_start3A_682 : memref<500000x128xf32, #tpu.memory_space<hbm>>) target(%dma_start3A_676 : memref<128x128xf32, #tpu.memory_space<vmem>>) offsets(%dma_start3A_679 : memref<128xi32, #tpu.memory_space<vmem>>) semaphore(%arg10 : memref<!tpu.dma_semaphore, #tpu.memory_space<semaphore_mem>>)
    %dma_start3A_683 = arith.constant 2 : i32
    %dma_start3A_684 = arith.constant 0 : i32
    %dma_start3A_685 = arith.constant 256 : i32
    %dma_start3A_686 = arith.constant 0 : i32
    %dma_start3A_687 = tpu.memref_slice %arg8[%dma_start3A_685, %dma_start3A_686] : memref<512x128xf32, #tpu.memory_space<vmem>> -> memref<128x128xf32, #tpu.memory_space<vmem>>
    %dma_start3A_688 = arith.constant 0 : i32
    %dma_start3A_689 = tpu.memref_slice %arg6[%dma_start3A_683, %dma_start3A_684, %dma_start3A_688] : memref<4x8x128xi32, #tpu.memory_space<vmem>> -> memref<1x1x128xi32, #tpu.memory_space<vmem>>
    %dma_start3A_690 = tpu.memref_squeeze %dma_start3A_689 : memref<1x1x128xi32, #tpu.memory_space<vmem>> -> memref<128xi32, #tpu.memory_space<vmem>>
    %dma_start3A_691 = arith.constant 0 : i32
    %dma_start3A_692 = arith.constant 0 : i32
    %dma_start3A_693 = tpu.memref_slice %arg3[%dma_start3A_691, %dma_start3A_692] : memref<500000x128xf32, #tpu.memory_space<hbm>> -> memref<500000x128xf32, #tpu.memory_space<hbm>>
    tpu.enqueue_indirect_dma source(%dma_start3A_693 : memref<500000x128xf32, #tpu.memory_space<hbm>>) target(%dma_start3A_687 : memref<128x128xf32, #tpu.memory_space<vmem>>) offsets(%dma_start3A_690 : memref<128xi32, #tpu.memory_space<vmem>>) semaphore(%arg10 : memref<!tpu.dma_semaphore, #tpu.memory_space<semaphore_mem>>)
    %dma_start3A_694 = arith.constant 3 : i32
    %dma_start3A_695 = arith.constant 0 : i32
    %dma_start3A_696 = arith.constant 384 : i32
    %dma_start3A_697 = arith.constant 0 : i32
    %dma_start3A_698 = tpu.memref_slice %arg8[%dma_start3A_696, %dma_start3A_697] : memref<512x128xf32, #tpu.memory_space<vmem>> -> memref<128x128xf32, #tpu.memory_space<vmem>>
    %dma_start3A_699 = arith.constant 0 : i32
    %dma_start3A_700 = tpu.memref_slice %arg6[%dma_start3A_694, %dma_start3A_695, %dma_start3A_699] : memref<4x8x128xi32, #tpu.memory_space<vmem>> -> memref<1x1x128xi32, #tpu.memory_space<vmem>>
    %dma_start3A_701 = tpu.memref_squeeze %dma_start3A_700 : memref<1x1x128xi32, #tpu.memory_space<vmem>> -> memref<128xi32, #tpu.memory_space<vmem>>
    %dma_start3A_702 = arith.constant 0 : i32
    %dma_start3A_703 = arith.constant 0 : i32
    %dma_start3A_704 = tpu.memref_slice %arg3[%dma_start3A_702, %dma_start3A_703] : memref<500000x128xf32, #tpu.memory_space<hbm>> -> memref<500000x128xf32, #tpu.memory_space<hbm>>
    tpu.enqueue_indirect_dma source(%dma_start3A_704 : memref<500000x128xf32, #tpu.memory_space<hbm>>) target(%dma_start3A_698 : memref<128x128xf32, #tpu.memory_space<vmem>>) offsets(%dma_start3A_701 : memref<128xi32, #tpu.memory_space<vmem>>) semaphore(%arg10 : memref<!tpu.dma_semaphore, #tpu.memory_space<semaphore_mem>>)
    %dma_wait3A = arith.constant 0 : i32
    %dma_wait3A_705 = arith.constant 0 : i32
    %dma_wait3A_706 = arith.constant 0 : i32
    %dma_wait3A_707 = arith.constant 0 : i32
    %dma_wait3A_708 = tpu.memref_slice %arg8[%dma_wait3A_706, %dma_wait3A_707] : memref<512x128xf32, #tpu.memory_space<vmem>> -> memref<128x128xf32, #tpu.memory_space<vmem>>
    %dma_wait3A_709 = arith.constant 0 : i32
    %dma_wait3A_710 = tpu.memref_slice %arg6[%dma_wait3A, %dma_wait3A_705, %dma_wait3A_709] : memref<4x8x128xi32, #tpu.memory_space<vmem>> -> memref<1x1x128xi32, #tpu.memory_space<vmem>>
    %dma_wait3A_711 = tpu.memref_squeeze %dma_wait3A_710 : memref<1x1x128xi32, #tpu.memory_space<vmem>> -> memref<128xi32, #tpu.memory_space<vmem>>
    %dma_wait3A_712 = arith.constant 0 : i32
    %dma_wait3A_713 = arith.constant 0 : i32
    %dma_wait3A_714 = tpu.memref_slice %arg3[%dma_wait3A_712, %dma_wait3A_713] : memref<500000x128xf32, #tpu.memory_space<hbm>> -> memref<500000x128xf32, #tpu.memory_space<hbm>>
    tpu.wait_indirect_dma semaphore(%arg10 : memref<!tpu.dma_semaphore, #tpu.memory_space<semaphore_mem>>) src(%dma_wait3A_714 : memref<500000x128xf32, #tpu.memory_space<hbm>>) dst(%dma_wait3A_708 : memref<128x128xf32, #tpu.memory_space<vmem>>)
    %dma_wait3A_715 = arith.constant 1 : i32
    %dma_wait3A_716 = arith.constant 0 : i32
    %dma_wait3A_717 = arith.constant 128 : i32
    %dma_wait3A_718 = arith.constant 0 : i32
    %dma_wait3A_719 = tpu.memref_slice %arg8[%dma_wait3A_717, %dma_wait3A_718] : memref<512x128xf32, #tpu.memory_space<vmem>> -> memref<128x128xf32, #tpu.memory_space<vmem>>
    %dma_wait3A_720 = arith.constant 0 : i32
    %dma_wait3A_721 = tpu.memref_slice %arg6[%dma_wait3A_715, %dma_wait3A_716, %dma_wait3A_720] : memref<4x8x128xi32, #tpu.memory_space<vmem>> -> memref<1x1x128xi32, #tpu.memory_space<vmem>>
    %dma_wait3A_722 = tpu.memref_squeeze %dma_wait3A_721 : memref<1x1x128xi32, #tpu.memory_space<vmem>> -> memref<128xi32, #tpu.memory_space<vmem>>
    %dma_wait3A_723 = arith.constant 0 : i32
    %dma_wait3A_724 = arith.constant 0 : i32
    %dma_wait3A_725 = tpu.memref_slice %arg3[%dma_wait3A_723, %dma_wait3A_724] : memref<500000x128xf32, #tpu.memory_space<hbm>> -> memref<500000x128xf32, #tpu.memory_space<hbm>>
    tpu.wait_indirect_dma semaphore(%arg10 : memref<!tpu.dma_semaphore, #tpu.memory_space<semaphore_mem>>) src(%dma_wait3A_725 : memref<500000x128xf32, #tpu.memory_space<hbm>>) dst(%dma_wait3A_719 : memref<128x128xf32, #tpu.memory_space<vmem>>)
    %dma_wait3A_726 = arith.constant 2 : i32
    %dma_wait3A_727 = arith.constant 0 : i32
    %dma_wait3A_728 = arith.constant 256 : i32
    %dma_wait3A_729 = arith.constant 0 : i32
    %dma_wait3A_730 = tpu.memref_slice %arg8[%dma_wait3A_728, %dma_wait3A_729] : memref<512x128xf32, #tpu.memory_space<vmem>> -> memref<128x128xf32, #tpu.memory_space<vmem>>
    %dma_wait3A_731 = arith.constant 0 : i32
    %dma_wait3A_732 = tpu.memref_slice %arg6[%dma_wait3A_726, %dma_wait3A_727, %dma_wait3A_731] : memref<4x8x128xi32, #tpu.memory_space<vmem>> -> memref<1x1x128xi32, #tpu.memory_space<vmem>>
    %dma_wait3A_733 = tpu.memref_squeeze %dma_wait3A_732 : memref<1x1x128xi32, #tpu.memory_space<vmem>> -> memref<128xi32, #tpu.memory_space<vmem>>
    %dma_wait3A_734 = arith.constant 0 : i32
    %dma_wait3A_735 = arith.constant 0 : i32
    %dma_wait3A_736 = tpu.memref_slice %arg3[%dma_wait3A_734, %dma_wait3A_735] : memref<500000x128xf32, #tpu.memory_space<hbm>> -> memref<500000x128xf32, #tpu.memory_space<hbm>>
    tpu.wait_indirect_dma semaphore(%arg10 : memref<!tpu.dma_semaphore, #tpu.memory_space<semaphore_mem>>) src(%dma_wait3A_736 : memref<500000x128xf32, #tpu.memory_space<hbm>>) dst(%dma_wait3A_730 : memref<128x128xf32, #tpu.memory_space<vmem>>)
    %dma_wait3A_737 = arith.constant 3 : i32
    %dma_wait3A_738 = arith.constant 0 : i32
    %dma_wait3A_739 = arith.constant 384 : i32
    %dma_wait3A_740 = arith.constant 0 : i32
    %dma_wait3A_741 = tpu.memref_slice %arg8[%dma_wait3A_739, %dma_wait3A_740] : memref<512x128xf32, #tpu.memory_space<vmem>> -> memref<128x128xf32, #tpu.memory_space<vmem>>
    %dma_wait3A_742 = arith.constant 0 : i32
    %dma_wait3A_743 = tpu.memref_slice %arg6[%dma_wait3A_737, %dma_wait3A_738, %dma_wait3A_742] : memref<4x8x128xi32, #tpu.memory_space<vmem>> -> memref<1x1x128xi32, #tpu.memory_space<vmem>>
    %dma_wait3A_744 = tpu.memref_squeeze %dma_wait3A_743 : memref<1x1x128xi32, #tpu.memory_space<vmem>> -> memref<128xi32, #tpu.memory_space<vmem>>
    %dma_wait3A_745 = arith.constant 0 : i32
    %dma_wait3A_746 = arith.constant 0 : i32
    %dma_wait3A_747 = tpu.memref_slice %arg3[%dma_wait3A_745, %dma_wait3A_746] : memref<500000x128xf32, #tpu.memory_space<hbm>> -> memref<500000x128xf32, #tpu.memory_space<hbm>>
    tpu.wait_indirect_dma semaphore(%arg10 : memref<!tpu.dma_semaphore, #tpu.memory_space<semaphore_mem>>) src(%dma_wait3A_747 : memref<500000x128xf32, #tpu.memory_space<hbm>>) dst(%dma_wait3A_741 : memref<128x128xf32, #tpu.memory_space<vmem>>)
    %scan3A = arith.constant 0 : i32
    %scan3A_748 = arith.constant 0 : i32
    %scan3A_749 = arith.constant 32 : i32
    %scan3A_750 = arith.addi %scan3A_748, %scan3A_749 : i32
    %scan3A_751 = arith.constant 1 : i32
    scf.for %scan3A_761 = %scan3A_748 to %scan3A_750 step %scan3A_751  : i32 {
      %mul3A_762 = arith.constant 16 : i32
      %mul3A_763 = arith.muli %scan3A_761, %mul3A_762 : i32
      %add3A_764 = vector.broadcast %mul3A_763 : i32 to vector<16xi32>
      %add3A_765 = arith.addi %add3A_764, %iota3A : vector<16xi32>
      %mul3A_766 = arith.constant 16 : i32
      %mul3A_767 = arith.muli %scan3A_761, %mul3A_766 : i32
      %get3A_768 = arith.index_cast %mul3A_767 : i32 to index
      %get3A_769 = tpu.vector_load %arg7[%get3A_768] {strides = array<i32>} : memref<512xi32, #tpu.memory_space<vmem>>, vector<16xi32>,
      %mul3A_770 = arith.constant 64 : i32
      %mul3A_771 = vector.broadcast %mul3A_770 : i32 to vector<16xi32>
      %mul3A_772 = arith.muli %get3A_769, %mul3A_771 : vector<16xi32>
      %add3A_773 = arith.constant 0 : i32
      %add3A_774 = vector.broadcast %add3A_773 : i32 to vector<16xi32>
      %add3A_775 = arith.addi %mul3A_772, %add3A_774 : vector<16xi32>
      %gather3A = tpu.vector_load_idx %arg8[%add3A_765, %add3A_775] : memref<512x128xf32, #tpu.memory_space<vmem>>[vector<16xi32>, vector<16xi32>], vector<16xf32>,
      %mul3A_776 = arith.mulf %gather3A, %gather3A : vector<16xf32>
      %add3A_777 = arith.constant 1 : i32
      %add3A_778 = vector.broadcast %add3A_777 : i32 to vector<16xi32>
      %add3A_779 = arith.addi %mul3A_772, %add3A_778 : vector<16xi32>
      %gather3A_780 = tpu.vector_load_idx %arg8[%add3A_765, %add3A_779] : memref<512x128xf32, #tpu.memory_space<vmem>>[vector<16xi32>, vector<16xi32>], vector<16xf32>,
      %mul3A_781 = arith.mulf %gather3A_780, %gather3A_780 : vector<16xf32>
      %add3A_782 = arith.addf %mul3A_776, %mul3A_781 : vector<16xf32>
      %add3A_783 = arith.constant 2 : i32
      %add3A_784 = vector.broadcast %add3A_783 : i32 to vector<16xi32>
      %add3A_785 = arith.addi %mul3A_772, %add3A_784 : vector<16xi32>
      %gather3A_786 = tpu.vector_load_idx %arg8[%add3A_765, %add3A_785] : memref<512x128xf32, #tpu.memory_space<vmem>>[vector<16xi32>, vector<16xi32>], vector<16xf32>,
      %mul3A_787 = arith.mulf %gather3A_786, %gather3A_786 : vector<16xf32>
      %add3A_788 = arith.addf %add3A_782, %mul3A_787 : vector<16xf32>
      %add3A_789 = arith.constant 3 : i32
      %add3A_790 = vector.broadcast %add3A_789 : i32 to vector<16xi32>
      %add3A_791 = arith.addi %mul3A_772, %add3A_790 : vector<16xi32>
      %gather3A_792 = tpu.vector_load_idx %arg8[%add3A_765, %add3A_791] : memref<512x128xf32, #tpu.memory_space<vmem>>[vector<16xi32>, vector<16xi32>], vector<16xf32>,
      %mul3A_793 = arith.mulf %gather3A_792, %gather3A_792 : vector<16xf32>
      %add3A_794 = arith.addf %add3A_788, %mul3A_793 : vector<16xf32>
      %add3A_795 = arith.constant 4 : i32
      %add3A_796 = vector.broadcast %add3A_795 : i32 to vector<16xi32>
      %add3A_797 = arith.addi %mul3A_772, %add3A_796 : vector<16xi32>
      %gather3A_798 = tpu.vector_load_idx %arg8[%add3A_765, %add3A_797] : memref<512x128xf32, #tpu.memory_space<vmem>>[vector<16xi32>, vector<16xi32>], vector<16xf32>,
      %mul3A_799 = arith.mulf %gather3A_798, %gather3A_798 : vector<16xf32>
      %add3A_800 = arith.addf %add3A_794, %mul3A_799 : vector<16xf32>
      %add3A_801 = arith.constant 5 : i32
      %add3A_802 = vector.broadcast %add3A_801 : i32 to vector<16xi32>
      %add3A_803 = arith.addi %mul3A_772, %add3A_802 : vector<16xi32>
      %gather3A_804 = tpu.vector_load_idx %arg8[%add3A_765, %add3A_803] : memref<512x128xf32, #tpu.memory_space<vmem>>[vector<16xi32>, vector<16xi32>], vector<16xf32>,
      %mul3A_805 = arith.mulf %gather3A_804, %gather3A_804 : vector<16xf32>
      %add3A_806 = arith.addf %add3A_800, %mul3A_805 : vector<16xf32>
      %add3A_807 = arith.constant 6 : i32
      %add3A_808 = vector.broadcast %add3A_807 : i32 to vector<16xi32>
      %add3A_809 = arith.addi %mul3A_772, %add3A_808 : vector<16xi32>
      %gather3A_810 = tpu.vector_load_idx %arg8[%add3A_765, %add3A_809] : memref<512x128xf32, #tpu.memory_space<vmem>>[vector<16xi32>, vector<16xi32>], vector<16xf32>,
      %mul3A_811 = arith.mulf %gather3A_810, %gather3A_810 : vector<16xf32>
      %add3A_812 = arith.addf %add3A_806, %mul3A_811 : vector<16xf32>
      %add3A_813 = arith.constant 7 : i32
      %add3A_814 = vector.broadcast %add3A_813 : i32 to vector<16xi32>
      %add3A_815 = arith.addi %mul3A_772, %add3A_814 : vector<16xi32>
      %gather3A_816 = tpu.vector_load_idx %arg8[%add3A_765, %add3A_815] : memref<512x128xf32, #tpu.memory_space<vmem>>[vector<16xi32>, vector<16xi32>], vector<16xf32>,
      %mul3A_817 = arith.mulf %gather3A_816, %gather3A_816 : vector<16xf32>
      %add3A_818 = arith.addf %add3A_812, %mul3A_817 : vector<16xf32>
      %add3A_819 = arith.constant 8 : i32
      %add3A_820 = vector.broadcast %add3A_819 : i32 to vector<16xi32>
      %add3A_821 = arith.addi %mul3A_772, %add3A_820 : vector<16xi32>
      %gather3A_822 = tpu.vector_load_idx %arg8[%add3A_765, %add3A_821] : memref<512x128xf32, #tpu.memory_space<vmem>>[vector<16xi32>, vector<16xi32>], vector<16xf32>,
      %mul3A_823 = arith.mulf %gather3A_822, %gather3A_822 : vector<16xf32>
      %add3A_824 = arith.addf %add3A_818, %mul3A_823 : vector<16xf32>
      %add3A_825 = arith.constant 9 : i32
      %add3A_826 = vector.broadcast %add3A_825 : i32 to vector<16xi32>
      %add3A_827 = arith.addi %mul3A_772, %add3A_826 : vector<16xi32>
      %gather3A_828 = tpu.vector_load_idx %arg8[%add3A_765, %add3A_827] : memref<512x128xf32, #tpu.memory_space<vmem>>[vector<16xi32>, vector<16xi32>], vector<16xf32>,
      %mul3A_829 = arith.mulf %gather3A_828, %gather3A_828 : vector<16xf32>
      %add3A_830 = arith.addf %add3A_824, %mul3A_829 : vector<16xf32>
      %add3A_831 = arith.constant 10 : i32
      %add3A_832 = vector.broadcast %add3A_831 : i32 to vector<16xi32>
      %add3A_833 = arith.addi %mul3A_772, %add3A_832 : vector<16xi32>
      %gather3A_834 = tpu.vector_load_idx %arg8[%add3A_765, %add3A_833] : memref<512x128xf32, #tpu.memory_space<vmem>>[vector<16xi32>, vector<16xi32>], vector<16xf32>,
      %mul3A_835 = arith.mulf %gather3A_834, %gather3A_834 : vector<16xf32>
      %add3A_836 = arith.addf %add3A_830, %mul3A_835 : vector<16xf32>
      %add3A_837 = arith.constant 11 : i32
      %add3A_838 = vector.broadcast %add3A_837 : i32 to vector<16xi32>
      %add3A_839 = arith.addi %mul3A_772, %add3A_838 : vector<16xi32>
      %gather3A_840 = tpu.vector_load_idx %arg8[%add3A_765, %add3A_839] : memref<512x128xf32, #tpu.memory_space<vmem>>[vector<16xi32>, vector<16xi32>], vector<16xf32>,
      %mul3A_841 = arith.mulf %gather3A_840, %gather3A_840 : vector<16xf32>
      %add3A_842 = arith.addf %add3A_836, %mul3A_841 : vector<16xf32>
      %add3A_843 = arith.constant 12 : i32
      %add3A_844 = vector.broadcast %add3A_843 : i32 to vector<16xi32>
      %add3A_845 = arith.addi %mul3A_772, %add3A_844 : vector<16xi32>
      %gather3A_846 = tpu.vector_load_idx %arg8[%add3A_765, %add3A_845] : memref<512x128xf32, #tpu.memory_space<vmem>>[vector<16xi32>, vector<16xi32>], vector<16xf32>,
      %mul3A_847 = arith.mulf %gather3A_846, %gather3A_846 : vector<16xf32>
      %add3A_848 = arith.addf %add3A_842, %mul3A_847 : vector<16xf32>
      %add3A_849 = arith.constant 13 : i32
      %add3A_850 = vector.broadcast %add3A_849 : i32 to vector<16xi32>
      %add3A_851 = arith.addi %mul3A_772, %add3A_850 : vector<16xi32>
      %gather3A_852 = tpu.vector_load_idx %arg8[%add3A_765, %add3A_851] : memref<512x128xf32, #tpu.memory_space<vmem>>[vector<16xi32>, vector<16xi32>], vector<16xf32>,
      %mul3A_853 = arith.mulf %gather3A_852, %gather3A_852 : vector<16xf32>
      %add3A_854 = arith.addf %add3A_848, %mul3A_853 : vector<16xf32>
      %add3A_855 = arith.constant 14 : i32
      %add3A_856 = vector.broadcast %add3A_855 : i32 to vector<16xi32>
      %add3A_857 = arith.addi %mul3A_772, %add3A_856 : vector<16xi32>
      %gather3A_858 = tpu.vector_load_idx %arg8[%add3A_765, %add3A_857] : memref<512x128xf32, #tpu.memory_space<vmem>>[vector<16xi32>, vector<16xi32>], vector<16xf32>,
      %mul3A_859 = arith.mulf %gather3A_858, %gather3A_858 : vector<16xf32>
      %add3A_860 = arith.addf %add3A_854, %mul3A_859 : vector<16xf32>
      %add3A_861 = arith.constant 15 : i32
      %add3A_862 = vector.broadcast %add3A_861 : i32 to vector<16xi32>
      %add3A_863 = arith.addi %mul3A_772, %add3A_862 : vector<16xi32>
      %gather3A_864 = tpu.vector_load_idx %arg8[%add3A_765, %add3A_863] : memref<512x128xf32, #tpu.memory_space<vmem>>[vector<16xi32>, vector<16xi32>], vector<16xf32>,
      %mul3A_865 = arith.mulf %gather3A_864, %gather3A_864 : vector<16xf32>
      %add3A_866 = arith.addf %add3A_860, %mul3A_865 : vector<16xf32>
      %add3A_867 = arith.constant 16 : i32
      %add3A_868 = vector.broadcast %add3A_867 : i32 to vector<16xi32>
      %add3A_869 = arith.addi %mul3A_772, %add3A_868 : vector<16xi32>
      %gather3A_870 = tpu.vector_load_idx %arg8[%add3A_765, %add3A_869] : memref<512x128xf32, #tpu.memory_space<vmem>>[vector<16xi32>, vector<16xi32>], vector<16xf32>,
      %mul3A_871 = arith.mulf %gather3A_870, %gather3A_870 : vector<16xf32>
      %add3A_872 = arith.addf %add3A_866, %mul3A_871 : vector<16xf32>
      %add3A_873 = arith.constant 17 : i32
      %add3A_874 = vector.broadcast %add3A_873 : i32 to vector<16xi32>
      %add3A_875 = arith.addi %mul3A_772, %add3A_874 : vector<16xi32>
      %gather3A_876 = tpu.vector_load_idx %arg8[%add3A_765, %add3A_875] : memref<512x128xf32, #tpu.memory_space<vmem>>[vector<16xi32>, vector<16xi32>], vector<16xf32>,
      %mul3A_877 = arith.mulf %gather3A_876, %gather3A_876 : vector<16xf32>
      %add3A_878 = arith.addf %add3A_872, %mul3A_877 : vector<16xf32>
      %add3A_879 = arith.constant 18 : i32
      %add3A_880 = vector.broadcast %add3A_879 : i32 to vector<16xi32>
      %add3A_881 = arith.addi %mul3A_772, %add3A_880 : vector<16xi32>
      %gather3A_882 = tpu.vector_load_idx %arg8[%add3A_765, %add3A_881] : memref<512x128xf32, #tpu.memory_space<vmem>>[vector<16xi32>, vector<16xi32>], vector<16xf32>,
      %mul3A_883 = arith.mulf %gather3A_882, %gather3A_882 : vector<16xf32>
      %add3A_884 = arith.addf %add3A_878, %mul3A_883 : vector<16xf32>
      %add3A_885 = arith.constant 19 : i32
      %add3A_886 = vector.broadcast %add3A_885 : i32 to vector<16xi32>
      %add3A_887 = arith.addi %mul3A_772, %add3A_886 : vector<16xi32>
      %gather3A_888 = tpu.vector_load_idx %arg8[%add3A_765, %add3A_887] : memref<512x128xf32, #tpu.memory_space<vmem>>[vector<16xi32>, vector<16xi32>], vector<16xf32>,
      %mul3A_889 = arith.mulf %gather3A_888, %gather3A_888 : vector<16xf32>
      %add3A_890 = arith.addf %add3A_884, %mul3A_889 : vector<16xf32>
      %add3A_891 = arith.constant 20 : i32
      %add3A_892 = vector.broadcast %add3A_891 : i32 to vector<16xi32>
      %add3A_893 = arith.addi %mul3A_772, %add3A_892 : vector<16xi32>
      %gather3A_894 = tpu.vector_load_idx %arg8[%add3A_765, %add3A_893] : memref<512x128xf32, #tpu.memory_space<vmem>>[vector<16xi32>, vector<16xi32>], vector<16xf32>,
      %mul3A_895 = arith.mulf %gather3A_894, %gather3A_894 : vector<16xf32>
      %add3A_896 = arith.addf %add3A_890, %mul3A_895 : vector<16xf32>
      %add3A_897 = arith.constant 21 : i32
      %add3A_898 = vector.broadcast %add3A_897 : i32 to vector<16xi32>
      %add3A_899 = arith.addi %mul3A_772, %add3A_898 : vector<16xi32>
      %gather3A_900 = tpu.vector_load_idx %arg8[%add3A_765, %add3A_899] : memref<512x128xf32, #tpu.memory_space<vmem>>[vector<16xi32>, vector<16xi32>], vector<16xf32>,
      %mul3A_901 = arith.mulf %gather3A_900, %gather3A_900 : vector<16xf32>
      %add3A_902 = arith.addf %add3A_896, %mul3A_901 : vector<16xf32>
      %add3A_903 = arith.constant 22 : i32
      %add3A_904 = vector.broadcast %add3A_903 : i32 to vector<16xi32>
      %add3A_905 = arith.addi %mul3A_772, %add3A_904 : vector<16xi32>
      %gather3A_906 = tpu.vector_load_idx %arg8[%add3A_765, %add3A_905] : memref<512x128xf32, #tpu.memory_space<vmem>>[vector<16xi32>, vector<16xi32>], vector<16xf32>,
      %mul3A_907 = arith.mulf %gather3A_906, %gather3A_906 : vector<16xf32>
      %add3A_908 = arith.addf %add3A_902, %mul3A_907 : vector<16xf32>
      %add3A_909 = arith.constant 23 : i32
      %add3A_910 = vector.broadcast %add3A_909 : i32 to vector<16xi32>
      %add3A_911 = arith.addi %mul3A_772, %add3A_910 : vector<16xi32>
      %gather3A_912 = tpu.vector_load_idx %arg8[%add3A_765, %add3A_911] : memref<512x128xf32, #tpu.memory_space<vmem>>[vector<16xi32>, vector<16xi32>], vector<16xf32>,
      %mul3A_913 = arith.mulf %gather3A_912, %gather3A_912 : vector<16xf32>
      %add3A_914 = arith.addf %add3A_908, %mul3A_913 : vector<16xf32>
      %add3A_915 = arith.constant 24 : i32
      %add3A_916 = vector.broadcast %add3A_915 : i32 to vector<16xi32>
      %add3A_917 = arith.addi %mul3A_772, %add3A_916 : vector<16xi32>
      %gather3A_918 = tpu.vector_load_idx %arg8[%add3A_765, %add3A_917] : memref<512x128xf32, #tpu.memory_space<vmem>>[vector<16xi32>, vector<16xi32>], vector<16xf32>,
      %mul3A_919 = arith.mulf %gather3A_918, %gather3A_918 : vector<16xf32>
      %add3A_920 = arith.addf %add3A_914, %mul3A_919 : vector<16xf32>
      %add3A_921 = arith.constant 25 : i32
      %add3A_922 = vector.broadcast %add3A_921 : i32 to vector<16xi32>
      %add3A_923 = arith.addi %mul3A_772, %add3A_922 : vector<16xi32>
      %gather3A_924 = tpu.vector_load_idx %arg8[%add3A_765, %add3A_923] : memref<512x128xf32, #tpu.memory_space<vmem>>[vector<16xi32>, vector<16xi32>], vector<16xf32>,
      %mul3A_925 = arith.mulf %gather3A_924, %gather3A_924 : vector<16xf32>
      %add3A_926 = arith.addf %add3A_920, %mul3A_925 : vector<16xf32>
      %add3A_927 = arith.constant 26 : i32
      %add3A_928 = vector.broadcast %add3A_927 : i32 to vector<16xi32>
      %add3A_929 = arith.addi %mul3A_772, %add3A_928 : vector<16xi32>
      %gather3A_930 = tpu.vector_load_idx %arg8[%add3A_765, %add3A_929] : memref<512x128xf32, #tpu.memory_space<vmem>>[vector<16xi32>, vector<16xi32>], vector<16xf32>,
      %mul3A_931 = arith.mulf %gather3A_930, %gather3A_930 : vector<16xf32>
      %add3A_932 = arith.addf %add3A_926, %mul3A_931 : vector<16xf32>
      %add3A_933 = arith.constant 27 : i32
      %add3A_934 = vector.broadcast %add3A_933 : i32 to vector<16xi32>
      %add3A_935 = arith.addi %mul3A_772, %add3A_934 : vector<16xi32>
      %gather3A_936 = tpu.vector_load_idx %arg8[%add3A_765, %add3A_935] : memref<512x128xf32, #tpu.memory_space<vmem>>[vector<16xi32>, vector<16xi32>], vector<16xf32>,
      %mul3A_937 = arith.mulf %gather3A_936, %gather3A_936 : vector<16xf32>
      %add3A_938 = arith.addf %add3A_932, %mul3A_937 : vector<16xf32>
      %add3A_939 = arith.constant 28 : i32
      %add3A_940 = vector.broadcast %add3A_939 : i32 to vector<16xi32>
      %add3A_941 = arith.addi %mul3A_772, %add3A_940 : vector<16xi32>
      %gather3A_942 = tpu.vector_load_idx %arg8[%add3A_765, %add3A_941] : memref<512x128xf32, #tpu.memory_space<vmem>>[vector<16xi32>, vector<16xi32>], vector<16xf32>,
      %mul3A_943 = arith.mulf %gather3A_942, %gather3A_942 : vector<16xf32>
      %add3A_944 = arith.addf %add3A_938, %mul3A_943 : vector<16xf32>
      %add3A_945 = arith.constant 29 : i32
      %add3A_946 = vector.broadcast %add3A_945 : i32 to vector<16xi32>
      %add3A_947 = arith.addi %mul3A_772, %add3A_946 : vector<16xi32>
      %gather3A_948 = tpu.vector_load_idx %arg8[%add3A_765, %add3A_947] : memref<512x128xf32, #tpu.memory_space<vmem>>[vector<16xi32>, vector<16xi32>], vector<16xf32>,
      %mul3A_949 = arith.mulf %gather3A_948, %gather3A_948 : vector<16xf32>
      %add3A_950 = arith.addf %add3A_944, %mul3A_949 : vector<16xf32>
      %add3A_951 = arith.constant 30 : i32
      %add3A_952 = vector.broadcast %add3A_951 : i32 to vector<16xi32>
      %add3A_953 = arith.addi %mul3A_772, %add3A_952 : vector<16xi32>
      %gather3A_954 = tpu.vector_load_idx %arg8[%add3A_765, %add3A_953] : memref<512x128xf32, #tpu.memory_space<vmem>>[vector<16xi32>, vector<16xi32>], vector<16xf32>,
      %mul3A_955 = arith.mulf %gather3A_954, %gather3A_954 : vector<16xf32>
      %add3A_956 = arith.addf %add3A_950, %mul3A_955 : vector<16xf32>
      %add3A_957 = arith.constant 31 : i32
      %add3A_958 = vector.broadcast %add3A_957 : i32 to vector<16xi32>
      %add3A_959 = arith.addi %mul3A_772, %add3A_958 : vector<16xi32>
      %gather3A_960 = tpu.vector_load_idx %arg8[%add3A_765, %add3A_959] : memref<512x128xf32, #tpu.memory_space<vmem>>[vector<16xi32>, vector<16xi32>], vector<16xf32>,
      %mul3A_961 = arith.mulf %gather3A_960, %gather3A_960 : vector<16xf32>
      %add3A_962 = arith.addf %add3A_956, %mul3A_961 : vector<16xf32>
      %add3A_963 = arith.constant 32 : i32
      %add3A_964 = vector.broadcast %add3A_963 : i32 to vector<16xi32>
      %add3A_965 = arith.addi %mul3A_772, %add3A_964 : vector<16xi32>
      %gather3A_966 = tpu.vector_load_idx %arg8[%add3A_765, %add3A_965] : memref<512x128xf32, #tpu.memory_space<vmem>>[vector<16xi32>, vector<16xi32>], vector<16xf32>,
      %mul3A_967 = arith.mulf %gather3A_966, %gather3A_966 : vector<16xf32>
      %add3A_968 = arith.addf %add3A_962, %mul3A_967 : vector<16xf32>
      %add3A_969 = arith.constant 33 : i32
      %add3A_970 = vector.broadcast %add3A_969 : i32 to vector<16xi32>
      %add3A_971 = arith.addi %mul3A_772, %add3A_970 : vector<16xi32>
      %gather3A_972 = tpu.vector_load_idx %arg8[%add3A_765, %add3A_971] : memref<512x128xf32, #tpu.memory_space<vmem>>[vector<16xi32>, vector<16xi32>], vector<16xf32>,
      %mul3A_973 = arith.mulf %gather3A_972, %gather3A_972 : vector<16xf32>
      %add3A_974 = arith.addf %add3A_968, %mul3A_973 : vector<16xf32>
      %add3A_975 = arith.constant 34 : i32
      %add3A_976 = vector.broadcast %add3A_975 : i32 to vector<16xi32>
      %add3A_977 = arith.addi %mul3A_772, %add3A_976 : vector<16xi32>
      %gather3A_978 = tpu.vector_load_idx %arg8[%add3A_765, %add3A_977] : memref<512x128xf32, #tpu.memory_space<vmem>>[vector<16xi32>, vector<16xi32>], vector<16xf32>,
      %mul3A_979 = arith.mulf %gather3A_978, %gather3A_978 : vector<16xf32>
      %add3A_980 = arith.addf %add3A_974, %mul3A_979 : vector<16xf32>
      %add3A_981 = arith.constant 35 : i32
      %add3A_982 = vector.broadcast %add3A_981 : i32 to vector<16xi32>
      %add3A_983 = arith.addi %mul3A_772, %add3A_982 : vector<16xi32>
      %gather3A_984 = tpu.vector_load_idx %arg8[%add3A_765, %add3A_983] : memref<512x128xf32, #tpu.memory_space<vmem>>[vector<16xi32>, vector<16xi32>], vector<16xf32>,
      %mul3A_985 = arith.mulf %gather3A_984, %gather3A_984 : vector<16xf32>
      %add3A_986 = arith.addf %add3A_980, %mul3A_985 : vector<16xf32>
      %add3A_987 = arith.constant 36 : i32
      %add3A_988 = vector.broadcast %add3A_987 : i32 to vector<16xi32>
      %add3A_989 = arith.addi %mul3A_772, %add3A_988 : vector<16xi32>
      %gather3A_990 = tpu.vector_load_idx %arg8[%add3A_765, %add3A_989] : memref<512x128xf32, #tpu.memory_space<vmem>>[vector<16xi32>, vector<16xi32>], vector<16xf32>,
      %mul3A_991 = arith.mulf %gather3A_990, %gather3A_990 : vector<16xf32>
      %add3A_992 = arith.addf %add3A_986, %mul3A_991 : vector<16xf32>
      %add3A_993 = arith.constant 37 : i32
      %add3A_994 = vector.broadcast %add3A_993 : i32 to vector<16xi32>
      %add3A_995 = arith.addi %mul3A_772, %add3A_994 : vector<16xi32>
      %gather3A_996 = tpu.vector_load_idx %arg8[%add3A_765, %add3A_995] : memref<512x128xf32, #tpu.memory_space<vmem>>[vector<16xi32>, vector<16xi32>], vector<16xf32>,
      %mul3A_997 = arith.mulf %gather3A_996, %gather3A_996 : vector<16xf32>
      %add3A_998 = arith.addf %add3A_992, %mul3A_997 : vector<16xf32>
      %add3A_999 = arith.constant 38 : i32
      %add3A_1000 = vector.broadcast %add3A_999 : i32 to vector<16xi32>
      %add3A_1001 = arith.addi %mul3A_772, %add3A_1000 : vector<16xi32>
      %gather3A_1002 = tpu.vector_load_idx %arg8[%add3A_765, %add3A_1001] : memref<512x128xf32, #tpu.memory_space<vmem>>[vector<16xi32>, vector<16xi32>], vector<16xf32>,
      %mul3A_1003 = arith.mulf %gather3A_1002, %gather3A_1002 : vector<16xf32>
      %add3A_1004 = arith.addf %add3A_998, %mul3A_1003 : vector<16xf32>
      %add3A_1005 = arith.constant 39 : i32
      %add3A_1006 = vector.broadcast %add3A_1005 : i32 to vector<16xi32>
      %add3A_1007 = arith.addi %mul3A_772, %add3A_1006 : vector<16xi32>
      %gather3A_1008 = tpu.vector_load_idx %arg8[%add3A_765, %add3A_1007] : memref<512x128xf32, #tpu.memory_space<vmem>>[vector<16xi32>, vector<16xi32>], vector<16xf32>,
      %mul3A_1009 = arith.mulf %gather3A_1008, %gather3A_1008 : vector<16xf32>
      %add3A_1010 = arith.addf %add3A_1004, %mul3A_1009 : vector<16xf32>
      %add3A_1011 = arith.constant 40 : i32
      %add3A_1012 = vector.broadcast %add3A_1011 : i32 to vector<16xi32>
      %add3A_1013 = arith.addi %mul3A_772, %add3A_1012 : vector<16xi32>
      %gather3A_1014 = tpu.vector_load_idx %arg8[%add3A_765, %add3A_1013] : memref<512x128xf32, #tpu.memory_space<vmem>>[vector<16xi32>, vector<16xi32>], vector<16xf32>,
      %mul3A_1015 = arith.mulf %gather3A_1014, %gather3A_1014 : vector<16xf32>
      %add3A_1016 = arith.addf %add3A_1010, %mul3A_1015 : vector<16xf32>
      %add3A_1017 = arith.constant 41 : i32
      %add3A_1018 = vector.broadcast %add3A_1017 : i32 to vector<16xi32>
      %add3A_1019 = arith.addi %mul3A_772, %add3A_1018 : vector<16xi32>
      %gather3A_1020 = tpu.vector_load_idx %arg8[%add3A_765, %add3A_1019] : memref<512x128xf32, #tpu.memory_space<vmem>>[vector<16xi32>, vector<16xi32>], vector<16xf32>,
      %mul3A_1021 = arith.mulf %gather3A_1020, %gather3A_1020 : vector<16xf32>
      %add3A_1022 = arith.addf %add3A_1016, %mul3A_1021 : vector<16xf32>
      %add3A_1023 = arith.constant 42 : i32
      %add3A_1024 = vector.broadcast %add3A_1023 : i32 to vector<16xi32>
      %add3A_1025 = arith.addi %mul3A_772, %add3A_1024 : vector<16xi32>
      %gather3A_1026 = tpu.vector_load_idx %arg8[%add3A_765, %add3A_1025] : memref<512x128xf32, #tpu.memory_space<vmem>>[vector<16xi32>, vector<16xi32>], vector<16xf32>,
      %mul3A_1027 = arith.mulf %gather3A_1026, %gather3A_1026 : vector<16xf32>
      %add3A_1028 = arith.addf %add3A_1022, %mul3A_1027 : vector<16xf32>
      %add3A_1029 = arith.constant 43 : i32
      %add3A_1030 = vector.broadcast %add3A_1029 : i32 to vector<16xi32>
      %add3A_1031 = arith.addi %mul3A_772, %add3A_1030 : vector<16xi32>
      %gather3A_1032 = tpu.vector_load_idx %arg8[%add3A_765, %add3A_1031] : memref<512x128xf32, #tpu.memory_space<vmem>>[vector<16xi32>, vector<16xi32>], vector<16xf32>,
      %mul3A_1033 = arith.mulf %gather3A_1032, %gather3A_1032 : vector<16xf32>
      %add3A_1034 = arith.addf %add3A_1028, %mul3A_1033 : vector<16xf32>
      %add3A_1035 = arith.constant 44 : i32
      %add3A_1036 = vector.broadcast %add3A_1035 : i32 to vector<16xi32>
      %add3A_1037 = arith.addi %mul3A_772, %add3A_1036 : vector<16xi32>
      %gather3A_1038 = tpu.vector_load_idx %arg8[%add3A_765, %add3A_1037] : memref<512x128xf32, #tpu.memory_space<vmem>>[vector<16xi32>, vector<16xi32>], vector<16xf32>,
      %mul3A_1039 = arith.mulf %gather3A_1038, %gather3A_1038 : vector<16xf32>
      %add3A_1040 = arith.addf %add3A_1034, %mul3A_1039 : vector<16xf32>
      %add3A_1041 = arith.constant 45 : i32
      %add3A_1042 = vector.broadcast %add3A_1041 : i32 to vector<16xi32>
      %add3A_1043 = arith.addi %mul3A_772, %add3A_1042 : vector<16xi32>
      %gather3A_1044 = tpu.vector_load_idx %arg8[%add3A_765, %add3A_1043] : memref<512x128xf32, #tpu.memory_space<vmem>>[vector<16xi32>, vector<16xi32>], vector<16xf32>,
      %mul3A_1045 = arith.mulf %gather3A_1044, %gather3A_1044 : vector<16xf32>
      %add3A_1046 = arith.addf %add3A_1040, %mul3A_1045 : vector<16xf32>
      %add3A_1047 = arith.constant 46 : i32
      %add3A_1048 = vector.broadcast %add3A_1047 : i32 to vector<16xi32>
      %add3A_1049 = arith.addi %mul3A_772, %add3A_1048 : vector<16xi32>
      %gather3A_1050 = tpu.vector_load_idx %arg8[%add3A_765, %add3A_1049] : memref<512x128xf32, #tpu.memory_space<vmem>>[vector<16xi32>, vector<16xi32>], vector<16xf32>,
      %mul3A_1051 = arith.mulf %gather3A_1050, %gather3A_1050 : vector<16xf32>
      %add3A_1052 = arith.addf %add3A_1046, %mul3A_1051 : vector<16xf32>
      %add3A_1053 = arith.constant 47 : i32
      %add3A_1054 = vector.broadcast %add3A_1053 : i32 to vector<16xi32>
      %add3A_1055 = arith.addi %mul3A_772, %add3A_1054 : vector<16xi32>
      %gather3A_1056 = tpu.vector_load_idx %arg8[%add3A_765, %add3A_1055] : memref<512x128xf32, #tpu.memory_space<vmem>>[vector<16xi32>, vector<16xi32>], vector<16xf32>,
      %mul3A_1057 = arith.mulf %gather3A_1056, %gather3A_1056 : vector<16xf32>
      %add3A_1058 = arith.addf %add3A_1052, %mul3A_1057 : vector<16xf32>
      %add3A_1059 = arith.constant 48 : i32
      %add3A_1060 = vector.broadcast %add3A_1059 : i32 to vector<16xi32>
      %add3A_1061 = arith.addi %mul3A_772, %add3A_1060 : vector<16xi32>
      %gather3A_1062 = tpu.vector_load_idx %arg8[%add3A_765, %add3A_1061] : memref<512x128xf32, #tpu.memory_space<vmem>>[vector<16xi32>, vector<16xi32>], vector<16xf32>,
      %mul3A_1063 = arith.mulf %gather3A_1062, %gather3A_1062 : vector<16xf32>
      %add3A_1064 = arith.addf %add3A_1058, %mul3A_1063 : vector<16xf32>
      %add3A_1065 = arith.constant 49 : i32
      %add3A_1066 = vector.broadcast %add3A_1065 : i32 to vector<16xi32>
      %add3A_1067 = arith.addi %mul3A_772, %add3A_1066 : vector<16xi32>
      %gather3A_1068 = tpu.vector_load_idx %arg8[%add3A_765, %add3A_1067] : memref<512x128xf32, #tpu.memory_space<vmem>>[vector<16xi32>, vector<16xi32>], vector<16xf32>,
      %mul3A_1069 = arith.mulf %gather3A_1068, %gather3A_1068 : vector<16xf32>
      %add3A_1070 = arith.addf %add3A_1064, %mul3A_1069 : vector<16xf32>
      %add3A_1071 = arith.constant 50 : i32
      %add3A_1072 = vector.broadcast %add3A_1071 : i32 to vector<16xi32>
      %add3A_1073 = arith.addi %mul3A_772, %add3A_1072 : vector<16xi32>
      %gather3A_1074 = tpu.vector_load_idx %arg8[%add3A_765, %add3A_1073] : memref<512x128xf32, #tpu.memory_space<vmem>>[vector<16xi32>, vector<16xi32>], vector<16xf32>,
      %mul3A_1075 = arith.mulf %gather3A_1074, %gather3A_1074 : vector<16xf32>
      %add3A_1076 = arith.addf %add3A_1070, %mul3A_1075 : vector<16xf32>
      %add3A_1077 = arith.constant 51 : i32
      %add3A_1078 = vector.broadcast %add3A_1077 : i32 to vector<16xi32>
      %add3A_1079 = arith.addi %mul3A_772, %add3A_1078 : vector<16xi32>
      %gather3A_1080 = tpu.vector_load_idx %arg8[%add3A_765, %add3A_1079] : memref<512x128xf32, #tpu.memory_space<vmem>>[vector<16xi32>, vector<16xi32>], vector<16xf32>,
      %mul3A_1081 = arith.mulf %gather3A_1080, %gather3A_1080 : vector<16xf32>
      %add3A_1082 = arith.addf %add3A_1076, %mul3A_1081 : vector<16xf32>
      %add3A_1083 = arith.constant 52 : i32
      %add3A_1084 = vector.broadcast %add3A_1083 : i32 to vector<16xi32>
      %add3A_1085 = arith.addi %mul3A_772, %add3A_1084 : vector<16xi32>
      %gather3A_1086 = tpu.vector_load_idx %arg8[%add3A_765, %add3A_1085] : memref<512x128xf32, #tpu.memory_space<vmem>>[vector<16xi32>, vector<16xi32>], vector<16xf32>,
      %mul3A_1087 = arith.mulf %gather3A_1086, %gather3A_1086 : vector<16xf32>
      %add3A_1088 = arith.addf %add3A_1082, %mul3A_1087 : vector<16xf32>
      %add3A_1089 = arith.constant 53 : i32
      %add3A_1090 = vector.broadcast %add3A_1089 : i32 to vector<16xi32>
      %add3A_1091 = arith.addi %mul3A_772, %add3A_1090 : vector<16xi32>
      %gather3A_1092 = tpu.vector_load_idx %arg8[%add3A_765, %add3A_1091] : memref<512x128xf32, #tpu.memory_space<vmem>>[vector<16xi32>, vector<16xi32>], vector<16xf32>,
      %mul3A_1093 = arith.mulf %gather3A_1092, %gather3A_1092 : vector<16xf32>
      %add3A_1094 = arith.addf %add3A_1088, %mul3A_1093 : vector<16xf32>
      %add3A_1095 = arith.constant 54 : i32
      %add3A_1096 = vector.broadcast %add3A_1095 : i32 to vector<16xi32>
      %add3A_1097 = arith.addi %mul3A_772, %add3A_1096 : vector<16xi32>
      %gather3A_1098 = tpu.vector_load_idx %arg8[%add3A_765, %add3A_1097] : memref<512x128xf32, #tpu.memory_space<vmem>>[vector<16xi32>, vector<16xi32>], vector<16xf32>,
      %mul3A_1099 = arith.mulf %gather3A_1098, %gather3A_1098 : vector<16xf32>
      %add3A_1100 = arith.addf %add3A_1094, %mul3A_1099 : vector<16xf32>
      %add3A_1101 = arith.constant 55 : i32
      %add3A_1102 = vector.broadcast %add3A_1101 : i32 to vector<16xi32>
      %add3A_1103 = arith.addi %mul3A_772, %add3A_1102 : vector<16xi32>
      %gather3A_1104 = tpu.vector_load_idx %arg8[%add3A_765, %add3A_1103] : memref<512x128xf32, #tpu.memory_space<vmem>>[vector<16xi32>, vector<16xi32>], vector<16xf32>,
      %mul3A_1105 = arith.mulf %gather3A_1104, %gather3A_1104 : vector<16xf32>
      %add3A_1106 = arith.addf %add3A_1100, %mul3A_1105 : vector<16xf32>
      %add3A_1107 = arith.constant 56 : i32
      %add3A_1108 = vector.broadcast %add3A_1107 : i32 to vector<16xi32>
      %add3A_1109 = arith.addi %mul3A_772, %add3A_1108 : vector<16xi32>
      %gather3A_1110 = tpu.vector_load_idx %arg8[%add3A_765, %add3A_1109] : memref<512x128xf32, #tpu.memory_space<vmem>>[vector<16xi32>, vector<16xi32>], vector<16xf32>,
      %mul3A_1111 = arith.mulf %gather3A_1110, %gather3A_1110 : vector<16xf32>
      %add3A_1112 = arith.addf %add3A_1106, %mul3A_1111 : vector<16xf32>
      %add3A_1113 = arith.constant 57 : i32
      %add3A_1114 = vector.broadcast %add3A_1113 : i32 to vector<16xi32>
      %add3A_1115 = arith.addi %mul3A_772, %add3A_1114 : vector<16xi32>
      %gather3A_1116 = tpu.vector_load_idx %arg8[%add3A_765, %add3A_1115] : memref<512x128xf32, #tpu.memory_space<vmem>>[vector<16xi32>, vector<16xi32>], vector<16xf32>,
      %mul3A_1117 = arith.mulf %gather3A_1116, %gather3A_1116 : vector<16xf32>
      %add3A_1118 = arith.addf %add3A_1112, %mul3A_1117 : vector<16xf32>
      %add3A_1119 = arith.constant 58 : i32
      %add3A_1120 = vector.broadcast %add3A_1119 : i32 to vector<16xi32>
      %add3A_1121 = arith.addi %mul3A_772, %add3A_1120 : vector<16xi32>
      %gather3A_1122 = tpu.vector_load_idx %arg8[%add3A_765, %add3A_1121] : memref<512x128xf32, #tpu.memory_space<vmem>>[vector<16xi32>, vector<16xi32>], vector<16xf32>,
      %mul3A_1123 = arith.mulf %gather3A_1122, %gather3A_1122 : vector<16xf32>
      %add3A_1124 = arith.addf %add3A_1118, %mul3A_1123 : vector<16xf32>
      %add3A_1125 = arith.constant 59 : i32
      %add3A_1126 = vector.broadcast %add3A_1125 : i32 to vector<16xi32>
      %add3A_1127 = arith.addi %mul3A_772, %add3A_1126 : vector<16xi32>
      %gather3A_1128 = tpu.vector_load_idx %arg8[%add3A_765, %add3A_1127] : memref<512x128xf32, #tpu.memory_space<vmem>>[vector<16xi32>, vector<16xi32>], vector<16xf32>,
      %mul3A_1129 = arith.mulf %gather3A_1128, %gather3A_1128 : vector<16xf32>
      %add3A_1130 = arith.addf %add3A_1124, %mul3A_1129 : vector<16xf32>
      %add3A_1131 = arith.constant 60 : i32
      %add3A_1132 = vector.broadcast %add3A_1131 : i32 to vector<16xi32>
      %add3A_1133 = arith.addi %mul3A_772, %add3A_1132 : vector<16xi32>
      %gather3A_1134 = tpu.vector_load_idx %arg8[%add3A_765, %add3A_1133] : memref<512x128xf32, #tpu.memory_space<vmem>>[vector<16xi32>, vector<16xi32>], vector<16xf32>,
      %mul3A_1135 = arith.mulf %gather3A_1134, %gather3A_1134 : vector<16xf32>
      %add3A_1136 = arith.addf %add3A_1130, %mul3A_1135 : vector<16xf32>
      %add3A_1137 = arith.constant 61 : i32
      %add3A_1138 = vector.broadcast %add3A_1137 : i32 to vector<16xi32>
      %add3A_1139 = arith.addi %mul3A_772, %add3A_1138 : vector<16xi32>
      %gather3A_1140 = tpu.vector_load_idx %arg8[%add3A_765, %add3A_1139] : memref<512x128xf32, #tpu.memory_space<vmem>>[vector<16xi32>, vector<16xi32>], vector<16xf32>,
      %mul3A_1141 = arith.mulf %gather3A_1140, %gather3A_1140 : vector<16xf32>
      %add3A_1142 = arith.addf %add3A_1136, %mul3A_1141 : vector<16xf32>
      %add3A_1143 = arith.constant 62 : i32
      %add3A_1144 = vector.broadcast %add3A_1143 : i32 to vector<16xi32>
      %add3A_1145 = arith.addi %mul3A_772, %add3A_1144 : vector<16xi32>
      %gather3A_1146 = tpu.vector_load_idx %arg8[%add3A_765, %add3A_1145] : memref<512x128xf32, #tpu.memory_space<vmem>>[vector<16xi32>, vector<16xi32>], vector<16xf32>,
      %mul3A_1147 = arith.mulf %gather3A_1146, %gather3A_1146 : vector<16xf32>
      %add3A_1148 = arith.addf %add3A_1142, %mul3A_1147 : vector<16xf32>
      %add3A_1149 = arith.constant 63 : i32
      %add3A_1150 = vector.broadcast %add3A_1149 : i32 to vector<16xi32>
      %add3A_1151 = arith.addi %mul3A_772, %add3A_1150 : vector<16xi32>
      %gather3A_1152 = tpu.vector_load_idx %arg8[%add3A_765, %add3A_1151] : memref<512x128xf32, #tpu.memory_space<vmem>>[vector<16xi32>, vector<16xi32>], vector<16xf32>,
      %mul3A_1153 = arith.mulf %gather3A_1152, %gather3A_1152 : vector<16xf32>
      %add3A_1154 = arith.addf %add3A_1148, %mul3A_1153 : vector<16xf32>
      %max3A = arith.constant 1.000000e-24 : f32
      %max3A_1155 = vector.broadcast %max3A : f32 to vector<16xf32>
      %max3A_1156 = arith.maximumf %add3A_1154, %max3A_1155 : vector<16xf32>
      %mul3A_1157 = arith.constant 5.000000e-01 : f32
      %mul3A_1158 = vector.broadcast %mul3A_1157 : f32 to vector<16xf32>
      %mul3A_1159 = arith.mulf %max3A_1156, %mul3A_1158 : vector<16xf32>
      %bitcast3A = vector.bitcast %max3A_1156 : vector<16xf32> to vector<16xi32>
      %shift_right_logical3A_1160 = arith.constant 1 : i32
      %shift_right_logical3A_1161 = vector.broadcast %shift_right_logical3A_1160 : i32 to vector<16xi32>
      %shift_right_logical3A_1162 = arith.shrui %bitcast3A, %shift_right_logical3A_1161 : vector<16xi32>
      %sub3A = arith.constant 1597463007 : i32
      %sub3A_1163 = vector.broadcast %sub3A : i32 to vector<16xi32>
      %sub3A_1164 = arith.subi %sub3A_1163, %shift_right_logical3A_1162 : vector<16xi32>
      %bitcast3A_1165 = vector.bitcast %sub3A_1164 : vector<16xi32> to vector<16xf32>
      %mul3A_1166 = arith.mulf %mul3A_1159, %bitcast3A_1165 : vector<16xf32>
      %mul3A_1167 = arith.mulf %mul3A_1166, %bitcast3A_1165 : vector<16xf32>
      %sub3A_1168 = arith.constant 1.500000e+00 : f32
      %sub3A_1169 = vector.broadcast %sub3A_1168 : f32 to vector<16xf32>
      %sub3A_1170 = arith.subf %sub3A_1169, %mul3A_1167 : vector<16xf32>
      %mul3A_1171 = arith.mulf %bitcast3A_1165, %sub3A_1170 : vector<16xf32>
      %mul3A_1172 = arith.mulf %mul3A_1159, %mul3A_1171 : vector<16xf32>
      %mul3A_1173 = arith.mulf %mul3A_1172, %mul3A_1171 : vector<16xf32>
      %sub3A_1174 = arith.constant 1.500000e+00 : f32
      %sub3A_1175 = vector.broadcast %sub3A_1174 : f32 to vector<16xf32>
      %sub3A_1176 = arith.subf %sub3A_1175, %mul3A_1173 : vector<16xf32>
      %mul3A_1177 = arith.mulf %mul3A_1171, %sub3A_1176 : vector<16xf32>
      %mul3A_1178 = arith.mulf %mul3A_1159, %mul3A_1177 : vector<16xf32>
      %mul3A_1179 = arith.mulf %mul3A_1178, %mul3A_1177 : vector<16xf32>
      %sub3A_1180 = arith.constant 1.500000e+00 : f32
      %sub3A_1181 = vector.broadcast %sub3A_1180 : f32 to vector<16xf32>
      %sub3A_1182 = arith.subf %sub3A_1181, %mul3A_1179 : vector<16xf32>
      %mul3A_1183 = arith.mulf %mul3A_1177, %sub3A_1182 : vector<16xf32>
      %mul3A_1184 = arith.constant 16 : i32
      %mul3A_1185 = arith.muli %scan3A_761, %mul3A_1184 : i32
      %add3A_1186 = vector.broadcast %mul3A_1185 : i32 to vector<16xi32>
      %add3A_1187 = arith.addi %add3A_1186, %iota3A : vector<16xi32>
      %mul3A_1188 = arith.constant 64 : i32
      %mul3A_1189 = vector.broadcast %mul3A_1188 : i32 to vector<16xi32>
      %mul3A_1190 = arith.muli %add3A_1187, %mul3A_1189 : vector<16xi32>
      %add3A_1191 = arith.constant 0 : i32
      %add3A_1192 = vector.broadcast %add3A_1191 : i32 to vector<16xi32>
      %add3A_1193 = arith.addi %mul3A_1190, %add3A_1192 : vector<16xi32>
      %mul3A_1194 = arith.mulf %gather3A, %mul3A_1183 : vector<16xf32>
      tpu.vector_store_idx %arg9[%add3A_1193], %mul3A_1194 : memref<32768xf32, #tpu.memory_space<vmem>>[vector<16xi32>], vector<16xf32>,
      %add3A_1195 = arith.constant 1 : i32
      %add3A_1196 = vector.broadcast %add3A_1195 : i32 to vector<16xi32>
      %add3A_1197 = arith.addi %mul3A_1190, %add3A_1196 : vector<16xi32>
      %mul3A_1198 = arith.mulf %gather3A_780, %mul3A_1183 : vector<16xf32>
      tpu.vector_store_idx %arg9[%add3A_1197], %mul3A_1198 : memref<32768xf32, #tpu.memory_space<vmem>>[vector<16xi32>], vector<16xf32>,
      %add3A_1199 = arith.constant 2 : i32
      %add3A_1200 = vector.broadcast %add3A_1199 : i32 to vector<16xi32>
      %add3A_1201 = arith.addi %mul3A_1190, %add3A_1200 : vector<16xi32>
      %mul3A_1202 = arith.mulf %gather3A_786, %mul3A_1183 : vector<16xf32>
      tpu.vector_store_idx %arg9[%add3A_1201], %mul3A_1202 : memref<32768xf32, #tpu.memory_space<vmem>>[vector<16xi32>], vector<16xf32>,
      %add3A_1203 = arith.constant 3 : i32
      %add3A_1204 = vector.broadcast %add3A_1203 : i32 to vector<16xi32>
      %add3A_1205 = arith.addi %mul3A_1190, %add3A_1204 : vector<16xi32>
      %mul3A_1206 = arith.mulf %gather3A_792, %mul3A_1183 : vector<16xf32>
      tpu.vector_store_idx %arg9[%add3A_1205], %mul3A_1206 : memref<32768xf32, #tpu.memory_space<vmem>>[vector<16xi32>], vector<16xf32>,
      %add3A_1207 = arith.constant 4 : i32
      %add3A_1208 = vector.broadcast %add3A_1207 : i32 to vector<16xi32>
      %add3A_1209 = arith.addi %mul3A_1190, %add3A_1208 : vector<16xi32>
      %mul3A_1210 = arith.mulf %gather3A_798, %mul3A_1183 : vector<16xf32>
      tpu.vector_store_idx %arg9[%add3A_1209], %mul3A_1210 : memref<32768xf32, #tpu.memory_space<vmem>>[vector<16xi32>], vector<16xf32>,
      %add3A_1211 = arith.constant 5 : i32
      %add3A_1212 = vector.broadcast %add3A_1211 : i32 to vector<16xi32>
      %add3A_1213 = arith.addi %mul3A_1190, %add3A_1212 : vector<16xi32>
      %mul3A_1214 = arith.mulf %gather3A_804, %mul3A_1183 : vector<16xf32>
      tpu.vector_store_idx %arg9[%add3A_1213], %mul3A_1214 : memref<32768xf32, #tpu.memory_space<vmem>>[vector<16xi32>], vector<16xf32>,
      %add3A_1215 = arith.constant 6 : i32
      %add3A_1216 = vector.broadcast %add3A_1215 : i32 to vector<16xi32>
      %add3A_1217 = arith.addi %mul3A_1190, %add3A_1216 : vector<16xi32>
      %mul3A_1218 = arith.mulf %gather3A_810, %mul3A_1183 : vector<16xf32>
      tpu.vector_store_idx %arg9[%add3A_1217], %mul3A_1218 : memref<32768xf32, #tpu.memory_space<vmem>>[vector<16xi32>], vector<16xf32>,
      %add3A_1219 = arith.constant 7 : i32
      %add3A_1220 = vector.broadcast %add3A_1219 : i32 to vector<16xi32>
      %add3A_1221 = arith.addi %mul3A_1190, %add3A_1220 : vector<16xi32>
      %mul3A_1222 = arith.mulf %gather3A_816, %mul3A_1183 : vector<16xf32>
      tpu.vector_store_idx %arg9[%add3A_1221], %mul3A_1222 : memref<32768xf32, #tpu.memory_space<vmem>>[vector<16xi32>], vector<16xf32>,
      %add3A_1223 = arith.constant 8 : i32
      %add3A_1224 = vector.broadcast %add3A_1223 : i32 to vector<16xi32>
      %add3A_1225 = arith.addi %mul3A_1190, %add3A_1224 : vector<16xi32>
      %mul3A_1226 = arith.mulf %gather3A_822, %mul3A_1183 : vector<16xf32>
      tpu.vector_store_idx %arg9[%add3A_1225], %mul3A_1226 : memref<32768xf32, #tpu.memory_space<vmem>>[vector<16xi32>], vector<16xf32>,
      %add3A_1227 = arith.constant 9 : i32
      %add3A_1228 = vector.broadcast %add3A_1227 : i32 to vector<16xi32>
      %add3A_1229 = arith.addi %mul3A_1190, %add3A_1228 : vector<16xi32>
      %mul3A_1230 = arith.mulf %gather3A_828, %mul3A_1183 : vector<16xf32>
      tpu.vector_store_idx %arg9[%add3A_1229], %mul3A_1230 : memref<32768xf32, #tpu.memory_space<vmem>>[vector<16xi32>], vector<16xf32>,
      %add3A_1231 = arith.constant 10 : i32
      %add3A_1232 = vector.broadcast %add3A_1231 : i32 to vector<16xi32>
      %add3A_1233 = arith.addi %mul3A_1190, %add3A_1232 : vector<16xi32>
      %mul3A_1234 = arith.mulf %gather3A_834, %mul3A_1183 : vector<16xf32>
      tpu.vector_store_idx %arg9[%add3A_1233], %mul3A_1234 : memref<32768xf32, #tpu.memory_space<vmem>>[vector<16xi32>], vector<16xf32>,
      %add3A_1235 = arith.constant 11 : i32
      %add3A_1236 = vector.broadcast %add3A_1235 : i32 to vector<16xi32>
      %add3A_1237 = arith.addi %mul3A_1190, %add3A_1236 : vector<16xi32>
      %mul3A_1238 = arith.mulf %gather3A_840, %mul3A_1183 : vector<16xf32>
      tpu.vector_store_idx %arg9[%add3A_1237], %mul3A_1238 : memref<32768xf32, #tpu.memory_space<vmem>>[vector<16xi32>], vector<16xf32>,
      %add3A_1239 = arith.constant 12 : i32
      %add3A_1240 = vector.broadcast %add3A_1239 : i32 to vector<16xi32>
      %add3A_1241 = arith.addi %mul3A_1190, %add3A_1240 : vector<16xi32>
      %mul3A_1242 = arith.mulf %gather3A_846, %mul3A_1183 : vector<16xf32>
      tpu.vector_store_idx %arg9[%add3A_1241], %mul3A_1242 : memref<32768xf32, #tpu.memory_space<vmem>>[vector<16xi32>], vector<16xf32>,
      %add3A_1243 = arith.constant 13 : i32
      %add3A_1244 = vector.broadcast %add3A_1243 : i32 to vector<16xi32>
      %add3A_1245 = arith.addi %mul3A_1190, %add3A_1244 : vector<16xi32>
      %mul3A_1246 = arith.mulf %gather3A_852, %mul3A_1183 : vector<16xf32>
      tpu.vector_store_idx %arg9[%add3A_1245], %mul3A_1246 : memref<32768xf32, #tpu.memory_space<vmem>>[vector<16xi32>], vector<16xf32>,
      %add3A_1247 = arith.constant 14 : i32
      %add3A_1248 = vector.broadcast %add3A_1247 : i32 to vector<16xi32>
      %add3A_1249 = arith.addi %mul3A_1190, %add3A_1248 : vector<16xi32>
      %mul3A_1250 = arith.mulf %gather3A_858, %mul3A_1183 : vector<16xf32>
      tpu.vector_store_idx %arg9[%add3A_1249], %mul3A_1250 : memref<32768xf32, #tpu.memory_space<vmem>>[vector<16xi32>], vector<16xf32>,
      %add3A_1251 = arith.constant 15 : i32
      %add3A_1252 = vector.broadcast %add3A_1251 : i32 to vector<16xi32>
      %add3A_1253 = arith.addi %mul3A_1190, %add3A_1252 : vector<16xi32>
      %mul3A_1254 = arith.mulf %gather3A_864, %mul3A_1183 : vector<16xf32>
      tpu.vector_store_idx %arg9[%add3A_1253], %mul3A_1254 : memref<32768xf32, #tpu.memory_space<vmem>>[vector<16xi32>], vector<16xf32>,
      %add3A_1255 = arith.constant 16 : i32
      %add3A_1256 = vector.broadcast %add3A_1255 : i32 to vector<16xi32>
      %add3A_1257 = arith.addi %mul3A_1190, %add3A_1256 : vector<16xi32>
      %mul3A_1258 = arith.mulf %gather3A_870, %mul3A_1183 : vector<16xf32>
      tpu.vector_store_idx %arg9[%add3A_1257], %mul3A_1258 : memref<32768xf32, #tpu.memory_space<vmem>>[vector<16xi32>], vector<16xf32>,
      %add3A_1259 = arith.constant 17 : i32
      %add3A_1260 = vector.broadcast %add3A_1259 : i32 to vector<16xi32>
      %add3A_1261 = arith.addi %mul3A_1190, %add3A_1260 : vector<16xi32>
      %mul3A_1262 = arith.mulf %gather3A_876, %mul3A_1183 : vector<16xf32>
      tpu.vector_store_idx %arg9[%add3A_1261], %mul3A_1262 : memref<32768xf32, #tpu.memory_space<vmem>>[vector<16xi32>], vector<16xf32>,
      %add3A_1263 = arith.constant 18 : i32
      %add3A_1264 = vector.broadcast %add3A_1263 : i32 to vector<16xi32>
      %add3A_1265 = arith.addi %mul3A_1190, %add3A_1264 : vector<16xi32>
      %mul3A_1266 = arith.mulf %gather3A_882, %mul3A_1183 : vector<16xf32>
      tpu.vector_store_idx %arg9[%add3A_1265], %mul3A_1266 : memref<32768xf32, #tpu.memory_space<vmem>>[vector<16xi32>], vector<16xf32>,
      %add3A_1267 = arith.constant 19 : i32
      %add3A_1268 = vector.broadcast %add3A_1267 : i32 to vector<16xi32>
      %add3A_1269 = arith.addi %mul3A_1190, %add3A_1268 : vector<16xi32>
      %mul3A_1270 = arith.mulf %gather3A_888, %mul3A_1183 : vector<16xf32>
      tpu.vector_store_idx %arg9[%add3A_1269], %mul3A_1270 : memref<32768xf32, #tpu.memory_space<vmem>>[vector<16xi32>], vector<16xf32>,
      %add3A_1271 = arith.constant 20 : i32
      %add3A_1272 = vector.broadcast %add3A_1271 : i32 to vector<16xi32>
      %add3A_1273 = arith.addi %mul3A_1190, %add3A_1272 : vector<16xi32>
      %mul3A_1274 = arith.mulf %gather3A_894, %mul3A_1183 : vector<16xf32>
      tpu.vector_store_idx %arg9[%add3A_1273], %mul3A_1274 : memref<32768xf32, #tpu.memory_space<vmem>>[vector<16xi32>], vector<16xf32>,
      %add3A_1275 = arith.constant 21 : i32
      %add3A_1276 = vector.broadcast %add3A_1275 : i32 to vector<16xi32>
      %add3A_1277 = arith.addi %mul3A_1190, %add3A_1276 : vector<16xi32>
      %mul3A_1278 = arith.mulf %gather3A_900, %mul3A_1183 : vector<16xf32>
      tpu.vector_store_idx %arg9[%add3A_1277], %mul3A_1278 : memref<32768xf32, #tpu.memory_space<vmem>>[vector<16xi32>], vector<16xf32>,
      %add3A_1279 = arith.constant 22 : i32
      %add3A_1280 = vector.broadcast %add3A_1279 : i32 to vector<16xi32>
      %add3A_1281 = arith.addi %mul3A_1190, %add3A_1280 : vector<16xi32>
      %mul3A_1282 = arith.mulf %gather3A_906, %mul3A_1183 : vector<16xf32>
      tpu.vector_store_idx %arg9[%add3A_1281], %mul3A_1282 : memref<32768xf32, #tpu.memory_space<vmem>>[vector<16xi32>], vector<16xf32>,
      %add3A_1283 = arith.constant 23 : i32
      %add3A_1284 = vector.broadcast %add3A_1283 : i32 to vector<16xi32>
      %add3A_1285 = arith.addi %mul3A_1190, %add3A_1284 : vector<16xi32>
      %mul3A_1286 = arith.mulf %gather3A_912, %mul3A_1183 : vector<16xf32>
      tpu.vector_store_idx %arg9[%add3A_1285], %mul3A_1286 : memref<32768xf32, #tpu.memory_space<vmem>>[vector<16xi32>], vector<16xf32>,
      %add3A_1287 = arith.constant 24 : i32
      %add3A_1288 = vector.broadcast %add3A_1287 : i32 to vector<16xi32>
      %add3A_1289 = arith.addi %mul3A_1190, %add3A_1288 : vector<16xi32>
      %mul3A_1290 = arith.mulf %gather3A_918, %mul3A_1183 : vector<16xf32>
      tpu.vector_store_idx %arg9[%add3A_1289], %mul3A_1290 : memref<32768xf32, #tpu.memory_space<vmem>>[vector<16xi32>], vector<16xf32>,
      %add3A_1291 = arith.constant 25 : i32
      %add3A_1292 = vector.broadcast %add3A_1291 : i32 to vector<16xi32>
      %add3A_1293 = arith.addi %mul3A_1190, %add3A_1292 : vector<16xi32>
      %mul3A_1294 = arith.mulf %gather3A_924, %mul3A_1183 : vector<16xf32>
      tpu.vector_store_idx %arg9[%add3A_1293], %mul3A_1294 : memref<32768xf32, #tpu.memory_space<vmem>>[vector<16xi32>], vector<16xf32>,
      %add3A_1295 = arith.constant 26 : i32
      %add3A_1296 = vector.broadcast %add3A_1295 : i32 to vector<16xi32>
      %add3A_1297 = arith.addi %mul3A_1190, %add3A_1296 : vector<16xi32>
      %mul3A_1298 = arith.mulf %gather3A_930, %mul3A_1183 : vector<16xf32>
      tpu.vector_store_idx %arg9[%add3A_1297], %mul3A_1298 : memref<32768xf32, #tpu.memory_space<vmem>>[vector<16xi32>], vector<16xf32>,
      %add3A_1299 = arith.constant 27 : i32
      %add3A_1300 = vector.broadcast %add3A_1299 : i32 to vector<16xi32>
      %add3A_1301 = arith.addi %mul3A_1190, %add3A_1300 : vector<16xi32>
      %mul3A_1302 = arith.mulf %gather3A_936, %mul3A_1183 : vector<16xf32>
      tpu.vector_store_idx %arg9[%add3A_1301], %mul3A_1302 : memref<32768xf32, #tpu.memory_space<vmem>>[vector<16xi32>], vector<16xf32>,
      %add3A_1303 = arith.constant 28 : i32
      %add3A_1304 = vector.broadcast %add3A_1303 : i32 to vector<16xi32>
      %add3A_1305 = arith.addi %mul3A_1190, %add3A_1304 : vector<16xi32>
      %mul3A_1306 = arith.mulf %gather3A_942, %mul3A_1183 : vector<16xf32>
      tpu.vector_store_idx %arg9[%add3A_1305], %mul3A_1306 : memref<32768xf32, #tpu.memory_space<vmem>>[vector<16xi32>], vector<16xf32>,
      %add3A_1307 = arith.constant 29 : i32
      %add3A_1308 = vector.broadcast %add3A_1307 : i32 to vector<16xi32>
      %add3A_1309 = arith.addi %mul3A_1190, %add3A_1308 : vector<16xi32>
      %mul3A_1310 = arith.mulf %gather3A_948, %mul3A_1183 : vector<16xf32>
      tpu.vector_store_idx %arg9[%add3A_1309], %mul3A_1310 : memref<32768xf32, #tpu.memory_space<vmem>>[vector<16xi32>], vector<16xf32>,
      %add3A_1311 = arith.constant 30 : i32
      %add3A_1312 = vector.broadcast %add3A_1311 : i32 to vector<16xi32>
      %add3A_1313 = arith.addi %mul3A_1190, %add3A_1312 : vector<16xi32>
      %mul3A_1314 = arith.mulf %gather3A_954, %mul3A_1183 : vector<16xf32>
      tpu.vector_store_idx %arg9[%add3A_1313], %mul3A_1314 : memref<32768xf32, #tpu.memory_space<vmem>>[vector<16xi32>], vector<16xf32>,
      %add3A_1315 = arith.constant 31 : i32
      %add3A_1316 = vector.broadcast %add3A_1315 : i32 to vector<16xi32>
      %add3A_1317 = arith.addi %mul3A_1190, %add3A_1316 : vector<16xi32>
      %mul3A_1318 = arith.mulf %gather3A_960, %mul3A_1183 : vector<16xf32>
      tpu.vector_store_idx %arg9[%add3A_1317], %mul3A_1318 : memref<32768xf32, #tpu.memory_space<vmem>>[vector<16xi32>], vector<16xf32>,
      %add3A_1319 = arith.constant 32 : i32
      %add3A_1320 = vector.broadcast %add3A_1319 : i32 to vector<16xi32>
      %add3A_1321 = arith.addi %mul3A_1190, %add3A_1320 : vector<16xi32>
      %mul3A_1322 = arith.mulf %gather3A_966, %mul3A_1183 : vector<16xf32>
      tpu.vector_store_idx %arg9[%add3A_1321], %mul3A_1322 : memref<32768xf32, #tpu.memory_space<vmem>>[vector<16xi32>], vector<16xf32>,
      %add3A_1323 = arith.constant 33 : i32
      %add3A_1324 = vector.broadcast %add3A_1323 : i32 to vector<16xi32>
      %add3A_1325 = arith.addi %mul3A_1190, %add3A_1324 : vector<16xi32>
      %mul3A_1326 = arith.mulf %gather3A_972, %mul3A_1183 : vector<16xf32>
      tpu.vector_store_idx %arg9[%add3A_1325], %mul3A_1326 : memref<32768xf32, #tpu.memory_space<vmem>>[vector<16xi32>], vector<16xf32>,
      %add3A_1327 = arith.constant 34 : i32
      %add3A_1328 = vector.broadcast %add3A_1327 : i32 to vector<16xi32>
      %add3A_1329 = arith.addi %mul3A_1190, %add3A_1328 : vector<16xi32>
      %mul3A_1330 = arith.mulf %gather3A_978, %mul3A_1183 : vector<16xf32>
      tpu.vector_store_idx %arg9[%add3A_1329], %mul3A_1330 : memref<32768xf32, #tpu.memory_space<vmem>>[vector<16xi32>], vector<16xf32>,
      %add3A_1331 = arith.constant 35 : i32
      %add3A_1332 = vector.broadcast %add3A_1331 : i32 to vector<16xi32>
      %add3A_1333 = arith.addi %mul3A_1190, %add3A_1332 : vector<16xi32>
      %mul3A_1334 = arith.mulf %gather3A_984, %mul3A_1183 : vector<16xf32>
      tpu.vector_store_idx %arg9[%add3A_1333], %mul3A_1334 : memref<32768xf32, #tpu.memory_space<vmem>>[vector<16xi32>], vector<16xf32>,
      %add3A_1335 = arith.constant 36 : i32
      %add3A_1336 = vector.broadcast %add3A_1335 : i32 to vector<16xi32>
      %add3A_1337 = arith.addi %mul3A_1190, %add3A_1336 : vector<16xi32>
      %mul3A_1338 = arith.mulf %gather3A_990, %mul3A_1183 : vector<16xf32>
      tpu.vector_store_idx %arg9[%add3A_1337], %mul3A_1338 : memref<32768xf32, #tpu.memory_space<vmem>>[vector<16xi32>], vector<16xf32>,
      %add3A_1339 = arith.constant 37 : i32
      %add3A_1340 = vector.broadcast %add3A_1339 : i32 to vector<16xi32>
      %add3A_1341 = arith.addi %mul3A_1190, %add3A_1340 : vector<16xi32>
      %mul3A_1342 = arith.mulf %gather3A_996, %mul3A_1183 : vector<16xf32>
      tpu.vector_store_idx %arg9[%add3A_1341], %mul3A_1342 : memref<32768xf32, #tpu.memory_space<vmem>>[vector<16xi32>], vector<16xf32>,
      %add3A_1343 = arith.constant 38 : i32
      %add3A_1344 = vector.broadcast %add3A_1343 : i32 to vector<16xi32>
      %add3A_1345 = arith.addi %mul3A_1190, %add3A_1344 : vector<16xi32>
      %mul3A_1346 = arith.mulf %gather3A_1002, %mul3A_1183 : vector<16xf32>
      tpu.vector_store_idx %arg9[%add3A_1345], %mul3A_1346 : memref<32768xf32, #tpu.memory_space<vmem>>[vector<16xi32>], vector<16xf32>,
      %add3A_1347 = arith.constant 39 : i32
      %add3A_1348 = vector.broadcast %add3A_1347 : i32 to vector<16xi32>
      %add3A_1349 = arith.addi %mul3A_1190, %add3A_1348 : vector<16xi32>
      %mul3A_1350 = arith.mulf %gather3A_1008, %mul3A_1183 : vector<16xf32>
      tpu.vector_store_idx %arg9[%add3A_1349], %mul3A_1350 : memref<32768xf32, #tpu.memory_space<vmem>>[vector<16xi32>], vector<16xf32>,
      %add3A_1351 = arith.constant 40 : i32
      %add3A_1352 = vector.broadcast %add3A_1351 : i32 to vector<16xi32>
      %add3A_1353 = arith.addi %mul3A_1190, %add3A_1352 : vector<16xi32>
      %mul3A_1354 = arith.mulf %gather3A_1014, %mul3A_1183 : vector<16xf32>
      tpu.vector_store_idx %arg9[%add3A_1353], %mul3A_1354 : memref<32768xf32, #tpu.memory_space<vmem>>[vector<16xi32>], vector<16xf32>,
      %add3A_1355 = arith.constant 41 : i32
      %add3A_1356 = vector.broadcast %add3A_1355 : i32 to vector<16xi32>
      %add3A_1357 = arith.addi %mul3A_1190, %add3A_1356 : vector<16xi32>
      %mul3A_1358 = arith.mulf %gather3A_1020, %mul3A_1183 : vector<16xf32>
      tpu.vector_store_idx %arg9[%add3A_1357], %mul3A_1358 : memref<32768xf32, #tpu.memory_space<vmem>>[vector<16xi32>], vector<16xf32>,
      %add3A_1359 = arith.constant 42 : i32
      %add3A_1360 = vector.broadcast %add3A_1359 : i32 to vector<16xi32>
      %add3A_1361 = arith.addi %mul3A_1190, %add3A_1360 : vector<16xi32>
      %mul3A_1362 = arith.mulf %gather3A_1026, %mul3A_1183 : vector<16xf32>
      tpu.vector_store_idx %arg9[%add3A_1361], %mul3A_1362 : memref<32768xf32, #tpu.memory_space<vmem>>[vector<16xi32>], vector<16xf32>,
      %add3A_1363 = arith.constant 43 : i32
      %add3A_1364 = vector.broadcast %add3A_1363 : i32 to vector<16xi32>
      %add3A_1365 = arith.addi %mul3A_1190, %add3A_1364 : vector<16xi32>
      %mul3A_1366 = arith.mulf %gather3A_1032, %mul3A_1183 : vector<16xf32>
      tpu.vector_store_idx %arg9[%add3A_1365], %mul3A_1366 : memref<32768xf32, #tpu.memory_space<vmem>>[vector<16xi32>], vector<16xf32>,
      %add3A_1367 = arith.constant 44 : i32
      %add3A_1368 = vector.broadcast %add3A_1367 : i32 to vector<16xi32>
      %add3A_1369 = arith.addi %mul3A_1190, %add3A_1368 : vector<16xi32>
      %mul3A_1370 = arith.mulf %gather3A_1038, %mul3A_1183 : vector<16xf32>
      tpu.vector_store_idx %arg9[%add3A_1369], %mul3A_1370 : memref<32768xf32, #tpu.memory_space<vmem>>[vector<16xi32>], vector<16xf32>,
      %add3A_1371 = arith.constant 45 : i32
      %add3A_1372 = vector.broadcast %add3A_1371 : i32 to vector<16xi32>
      %add3A_1373 = arith.addi %mul3A_1190, %add3A_1372 : vector<16xi32>
      %mul3A_1374 = arith.mulf %gather3A_1044, %mul3A_1183 : vector<16xf32>
      tpu.vector_store_idx %arg9[%add3A_1373], %mul3A_1374 : memref<32768xf32, #tpu.memory_space<vmem>>[vector<16xi32>], vector<16xf32>,
      %add3A_1375 = arith.constant 46 : i32
      %add3A_1376 = vector.broadcast %add3A_1375 : i32 to vector<16xi32>
      %add3A_1377 = arith.addi %mul3A_1190, %add3A_1376 : vector<16xi32>
      %mul3A_1378 = arith.mulf %gather3A_1050, %mul3A_1183 : vector<16xf32>
      tpu.vector_store_idx %arg9[%add3A_1377], %mul3A_1378 : memref<32768xf32, #tpu.memory_space<vmem>>[vector<16xi32>], vector<16xf32>,
      %add3A_1379 = arith.constant 47 : i32
      %add3A_1380 = vector.broadcast %add3A_1379 : i32 to vector<16xi32>
      %add3A_1381 = arith.addi %mul3A_1190, %add3A_1380 : vector<16xi32>
      %mul3A_1382 = arith.mulf %gather3A_1056, %mul3A_1183 : vector<16xf32>
      tpu.vector_store_idx %arg9[%add3A_1381], %mul3A_1382 : memref<32768xf32, #tpu.memory_space<vmem>>[vector<16xi32>], vector<16xf32>,
      %add3A_1383 = arith.constant 48 : i32
      %add3A_1384 = vector.broadcast %add3A_1383 : i32 to vector<16xi32>
      %add3A_1385 = arith.addi %mul3A_1190, %add3A_1384 : vector<16xi32>
      %mul3A_1386 = arith.mulf %gather3A_1062, %mul3A_1183 : vector<16xf32>
      tpu.vector_store_idx %arg9[%add3A_1385], %mul3A_1386 : memref<32768xf32, #tpu.memory_space<vmem>>[vector<16xi32>], vector<16xf32>,
      %add3A_1387 = arith.constant 49 : i32
      %add3A_1388 = vector.broadcast %add3A_1387 : i32 to vector<16xi32>
      %add3A_1389 = arith.addi %mul3A_1190, %add3A_1388 : vector<16xi32>
      %mul3A_1390 = arith.mulf %gather3A_1068, %mul3A_1183 : vector<16xf32>
      tpu.vector_store_idx %arg9[%add3A_1389], %mul3A_1390 : memref<32768xf32, #tpu.memory_space<vmem>>[vector<16xi32>], vector<16xf32>,
      %add3A_1391 = arith.constant 50 : i32
      %add3A_1392 = vector.broadcast %add3A_1391 : i32 to vector<16xi32>
      %add3A_1393 = arith.addi %mul3A_1190, %add3A_1392 : vector<16xi32>
      %mul3A_1394 = arith.mulf %gather3A_1074, %mul3A_1183 : vector<16xf32>
      tpu.vector_store_idx %arg9[%add3A_1393], %mul3A_1394 : memref<32768xf32, #tpu.memory_space<vmem>>[vector<16xi32>], vector<16xf32>,
      %add3A_1395 = arith.constant 51 : i32
      %add3A_1396 = vector.broadcast %add3A_1395 : i32 to vector<16xi32>
      %add3A_1397 = arith.addi %mul3A_1190, %add3A_1396 : vector<16xi32>
      %mul3A_1398 = arith.mulf %gather3A_1080, %mul3A_1183 : vector<16xf32>
      tpu.vector_store_idx %arg9[%add3A_1397], %mul3A_1398 : memref<32768xf32, #tpu.memory_space<vmem>>[vector<16xi32>], vector<16xf32>,
      %add3A_1399 = arith.constant 52 : i32
      %add3A_1400 = vector.broadcast %add3A_1399 : i32 to vector<16xi32>
      %add3A_1401 = arith.addi %mul3A_1190, %add3A_1400 : vector<16xi32>
      %mul3A_1402 = arith.mulf %gather3A_1086, %mul3A_1183 : vector<16xf32>
      tpu.vector_store_idx %arg9[%add3A_1401], %mul3A_1402 : memref<32768xf32, #tpu.memory_space<vmem>>[vector<16xi32>], vector<16xf32>,
      %add3A_1403 = arith.constant 53 : i32
      %add3A_1404 = vector.broadcast %add3A_1403 : i32 to vector<16xi32>
      %add3A_1405 = arith.addi %mul3A_1190, %add3A_1404 : vector<16xi32>
      %mul3A_1406 = arith.mulf %gather3A_1092, %mul3A_1183 : vector<16xf32>
      tpu.vector_store_idx %arg9[%add3A_1405], %mul3A_1406 : memref<32768xf32, #tpu.memory_space<vmem>>[vector<16xi32>], vector<16xf32>,
      %add3A_1407 = arith.constant 54 : i32
      %add3A_1408 = vector.broadcast %add3A_1407 : i32 to vector<16xi32>
      %add3A_1409 = arith.addi %mul3A_1190, %add3A_1408 : vector<16xi32>
      %mul3A_1410 = arith.mulf %gather3A_1098, %mul3A_1183 : vector<16xf32>
      tpu.vector_store_idx %arg9[%add3A_1409], %mul3A_1410 : memref<32768xf32, #tpu.memory_space<vmem>>[vector<16xi32>], vector<16xf32>,
      %add3A_1411 = arith.constant 55 : i32
      %add3A_1412 = vector.broadcast %add3A_1411 : i32 to vector<16xi32>
      %add3A_1413 = arith.addi %mul3A_1190, %add3A_1412 : vector<16xi32>
      %mul3A_1414 = arith.mulf %gather3A_1104, %mul3A_1183 : vector<16xf32>
      tpu.vector_store_idx %arg9[%add3A_1413], %mul3A_1414 : memref<32768xf32, #tpu.memory_space<vmem>>[vector<16xi32>], vector<16xf32>,
      %add3A_1415 = arith.constant 56 : i32
      %add3A_1416 = vector.broadcast %add3A_1415 : i32 to vector<16xi32>
      %add3A_1417 = arith.addi %mul3A_1190, %add3A_1416 : vector<16xi32>
      %mul3A_1418 = arith.mulf %gather3A_1110, %mul3A_1183 : vector<16xf32>
      tpu.vector_store_idx %arg9[%add3A_1417], %mul3A_1418 : memref<32768xf32, #tpu.memory_space<vmem>>[vector<16xi32>], vector<16xf32>,
      %add3A_1419 = arith.constant 57 : i32
      %add3A_1420 = vector.broadcast %add3A_1419 : i32 to vector<16xi32>
      %add3A_1421 = arith.addi %mul3A_1190, %add3A_1420 : vector<16xi32>
      %mul3A_1422 = arith.mulf %gather3A_1116, %mul3A_1183 : vector<16xf32>
      tpu.vector_store_idx %arg9[%add3A_1421], %mul3A_1422 : memref<32768xf32, #tpu.memory_space<vmem>>[vector<16xi32>], vector<16xf32>,
      %add3A_1423 = arith.constant 58 : i32
      %add3A_1424 = vector.broadcast %add3A_1423 : i32 to vector<16xi32>
      %add3A_1425 = arith.addi %mul3A_1190, %add3A_1424 : vector<16xi32>
      %mul3A_1426 = arith.mulf %gather3A_1122, %mul3A_1183 : vector<16xf32>
      tpu.vector_store_idx %arg9[%add3A_1425], %mul3A_1426 : memref<32768xf32, #tpu.memory_space<vmem>>[vector<16xi32>], vector<16xf32>,
      %add3A_1427 = arith.constant 59 : i32
      %add3A_1428 = vector.broadcast %add3A_1427 : i32 to vector<16xi32>
      %add3A_1429 = arith.addi %mul3A_1190, %add3A_1428 : vector<16xi32>
      %mul3A_1430 = arith.mulf %gather3A_1128, %mul3A_1183 : vector<16xf32>
      tpu.vector_store_idx %arg9[%add3A_1429], %mul3A_1430 : memref<32768xf32, #tpu.memory_space<vmem>>[vector<16xi32>], vector<16xf32>,
      %add3A_1431 = arith.constant 60 : i32
      %add3A_1432 = vector.broadcast %add3A_1431 : i32 to vector<16xi32>
      %add3A_1433 = arith.addi %mul3A_1190, %add3A_1432 : vector<16xi32>
      %mul3A_1434 = arith.mulf %gather3A_1134, %mul3A_1183 : vector<16xf32>
      tpu.vector_store_idx %arg9[%add3A_1433], %mul3A_1434 : memref<32768xf32, #tpu.memory_space<vmem>>[vector<16xi32>], vector<16xf32>,
      %add3A_1435 = arith.constant 61 : i32
      %add3A_1436 = vector.broadcast %add3A_1435 : i32 to vector<16xi32>
      %add3A_1437 = arith.addi %mul3A_1190, %add3A_1436 : vector<16xi32>
      %mul3A_1438 = arith.mulf %gather3A_1140, %mul3A_1183 : vector<16xf32>
      tpu.vector_store_idx %arg9[%add3A_1437], %mul3A_1438 : memref<32768xf32, #tpu.memory_space<vmem>>[vector<16xi32>], vector<16xf32>,
      %add3A_1439 = arith.constant 62 : i32
      %add3A_1440 = vector.broadcast %add3A_1439 : i32 to vector<16xi32>
      %add3A_1441 = arith.addi %mul3A_1190, %add3A_1440 : vector<16xi32>
      %mul3A_1442 = arith.mulf %gather3A_1146, %mul3A_1183 : vector<16xf32>
      tpu.vector_store_idx %arg9[%add3A_1441], %mul3A_1442 : memref<32768xf32, #tpu.memory_space<vmem>>[vector<16xi32>], vector<16xf32>,
      %add3A_1443 = arith.constant 63 : i32
      %add3A_1444 = vector.broadcast %add3A_1443 : i32 to vector<16xi32>
      %add3A_1445 = arith.addi %mul3A_1190, %add3A_1444 : vector<16xi32>
      %mul3A_1446 = arith.mulf %gather3A_1152, %mul3A_1183 : vector<16xf32>
      tpu.vector_store_idx %arg9[%add3A_1445], %mul3A_1446 : memref<32768xf32, #tpu.memory_space<vmem>>[vector<16xi32>], vector<16xf32>,
    }
    %scan3A_752 = arith.constant 32 : i32
    %mul3A_753 = arith.constant 64 : i32
    %mul3A_754 = arith.muli %mul3A_2, %mul3A_753 : i32
    %dma_start3A_755 = tpu.memref_slice %arg4[%mul3A_754] : memref<1048576xf32, #tpu.memory_space<hbm>> -> memref<32768xf32, #tpu.memory_space<hbm>>
    %dma_start3A_756 = tpu.memref_slice %arg4[%mul3A_754] : memref<1048576xf32, #tpu.memory_space<hbm>> -> memref<32768xf32, #tpu.memory_space<hbm>>
    tpu.enqueue_dma source(%arg9 : memref<32768xf32, #tpu.memory_space<vmem>>) target(%dma_start3A_756 : memref<32768xf32, #tpu.memory_space<hbm>>) target_semaphore(%arg11 : memref<!tpu.dma_semaphore, #tpu.memory_space<semaphore_mem>>)
    %mul3A_757 = arith.constant 64 : i32
    %mul3A_758 = arith.muli %mul3A_2, %mul3A_757 : i32
    %dma_wait3A_759 = tpu.memref_slice %arg4[%mul3A_758] : memref<1048576xf32, #tpu.memory_space<hbm>> -> memref<32768xf32, #tpu.memory_space<hbm>>
    %dma_wait3A_760 = tpu.memref_slice %arg4[%mul3A_758] : memref<1048576xf32, #tpu.memory_space<hbm>> -> memref<32768xf32, #tpu.memory_space<hbm>>
    tpu.wait_dma2 semaphore(%arg11 : memref<!tpu.dma_semaphore, #tpu.memory_space<semaphore_mem>>) src(%arg9 : memref<32768xf32, #tpu.memory_space<vmem>>) dst(%dma_wait3A_760 : memref<32768xf32, #tpu.memory_space<hbm>>)
    return
  }
}

</mosaic_0001>

<sc_bundles>
// kernel: kernel.3.cloned.1.call-start
scs
__scs_entry_jumppad:
0x0: {  	(pc) =	sbr.rel $0x88, $3  }
0x1: {  	(tag) =	ssettag $0x0;
	lr =	simm.s32 $0x1  }
0x2: {  	[smem:$0x3F9F] =	sst lr;
	_ =	strace $0xD0000000  }
0x3: {  	_ = 	snop  }
0x4: {  	_ = 	snop  }
0x5: {  	_ = 	snop  }
0x6: {  	_ = 	snop  }
0x7: {  	_ = 	snop  }
__scs_overlays_trampoline_lowered:
0x8: {  	[smem:$0x3FAE] =	sst s0  }
0x9: {  	[smem:$0x3FAF] =	sst s1  }
0xa: {  	[smem:$0x3FB0] =	sst s2  }
0xb: {  	[smem:$0x3FB1] =	sst s3  }
0xc: {  	[smem:$0x3FB2] =	sst s4  }
0xd: {  	[smem:$0x3FB3] =	sst s5  }
0xe: {  	[smem:$0x3FB4] =	sst s6  }
0xf: {  	[smem:$0x3FB5] =	sst s7  }
0x10: {  	[smem:$0x3FB6] =	sst s8  }
0x11: {  	[smem:$0x3FB7] =	sst s9;
	s0 =	simm.s32 @!p0 $0x0  }
0x12: {  	s1 =	sld [smem:$0x3F9D];
	s0 =	simm.s32 @p0 $0x1  }
0x13: {  	[smem:$0x3FB8] =	sst s0;
	s0 =	simm.s32 @!p1 $0x0  }
0x14: {  	s2 =	sld [smem:$0x3F9C];
	s0 =	simm.s32 @p1 $0x1  }
0x15: {  	[smem:$0x3FB9] =	sst s0;
	s0 =	simm.s32 @!p2 $0x0  }
0x16: {  	s3 =	sld [smem:$0x3FDB];
	s0 =	simm.s32 @p2 $0x1  }
0x17: {  	s4 =	simm.s32 $0x1BF5;
	[smem:$0x3FBB] =	sst s0  }
0x18: {  	s0 =	sld [smem:$0x3F9E];
	_ =	swait.ge [sflag:s4], $0x0  }
0x19: {  	s7 =	sld [smem:$0x3F9F]  }
0x1a: {  	s8 =	sadd.s32 $0xFFFFE003, lr  }
0x1b: {  	s9 =	sadd.s32 $0xFFFFFEF7, lr;
	s5 =	simm.s32 $0xFFFFFFFF;
	p2 =	slt.u32 s8, $0xFFFFF086  }
0x1c: {  	p1 =	slt.u32 s9, $0xF7A;
	s5 =	simm.s32 @!p2 $0x0  }
0x1d: {  	s5 =	simm.s32 @p1 $0x1;
	p0 =	seq.s32 s7, s2  }
0x1e: {  	s7 =	smul.u32 @!p0 $0xF7A, s2;
	p2 =	seq.s32 @!p0 s5, $0x0  }
0x1f: {  	s9 =	smul.u32 $0xF7A, s1;
	s8 =	simm.s32 @!p0 $0x1BF5;
	p2 =	por !p2, p0  }
0x20: {  	[sflag:s8] =	ssyncset.s32 @!p0 $0xFFFFF086;
	s6 =	sadd.s32 @!p0 s3, s7;
	s7 =	simm.s32 @!p0 $0x108  }
0x21: {  	s3 =	sadd.s32 s3, s9;
	s6 =	sadd.s32 @!p0 $0x88, s6;
	s7 =	simm.s32 @p2 $0x1082  }
0x22: {  	[simem:s7], [sflag:s8] =	dma.local @!p0 [hbm:s6], $0xF7A  }
0x23: {  	s9 =	sor.u32 $0xD0000000, s2;
	s6 =	simm.s32 $0x108;
	_ =	swait.ge @!p0 [sflag:s8], $0x0  }
0x24: {  	s3 =	sadd.s32 $0x88, s3;
	s6 =	simm.s32 @!p1 $0x1082;
	[sflag:s4] =	ssyncset.s32 $0xFFFFF086  }
0x25: {  	[simem:s6], [sflag:s4] =	dma.local [hbm:s3], $0xF7A  }
0x26: {  	[smem:$0x3F9F] =	sst s1;
	(tag) =	ssettag s2;
	_ =	strace s9  }
0x27: {  	s1 =	sld [smem:$0x3FAF]  }
0x28: {  	s2 =	sld [smem:$0x3FB0]  }
0x29: {  	s4 =	sld [smem:$0x3FB2]  }
0x2a: {  	p0 =	seq.s32 s5, $0x0;
	s5 =	sld [smem:$0x3FB3]  }
0x2b: {  	s6 =	sld [smem:$0x3FB4]  }
0x2c: {  	s7 =	sld [smem:$0x3FB5]  }
0x2d: {  	s3 =	simm.s32 $0x108;
	s8 =	sld [smem:$0x3FB6]  }
0x2e: {  	s3 =	simm.s32 @!p0 $0x1082;
	s9 =	sld [smem:$0x3FB7]  }
0x2f: {  	lr =	sadd.s32 s0, s3;
	s0 =	sld [smem:$0x3FAE]  }
0x30: {  	s3 =	sld [smem:$0x3FB1]  }
0x31: {  	[smem:$0x3FBA] =	sst s10  }
0x32: {  	s10 =	sld [smem:$0x3FB8];
	_ =	sdelay $0x3  }
0x33: {  	p0 =	seq.s32 s10, $0x1;
	s10 =	sld [smem:$0x3FBA];
	_ =	sdelay $0x3  }
0x34: {  	[smem:$0x3FBA] =	sst s10  }
0x35: {  	s10 =	sld [smem:$0x3FB9];
	_ =	sdelay $0x3  }
0x36: {  	p1 =	seq.s32 s10, $0x1;
	s10 =	sld [smem:$0x3FBA];
	_ =	sdelay $0x3  }
0x37: {  	[smem:$0x3FBA] =	sst s10  }
0x38: {  	s10 =	sld [smem:$0x3FBB]  }
0x39: {  	_ = 	snop;
	(pc) =	sbr.ind lr, $3  }
0x3a: {  	_ = 	snop  }
0x3b: {  	_ = 	snop  }
0x3c: {  	p2 =	seq.s32 s10, $0x1;
	s10 =	sld [smem:$0x3FBA]  }
0x3d: {  	_ =	shalt  }
0x3e: {  	_ =	shalt  }
0x3f: {  	_ =	shalt  }
0x40: {  	_ =	shalt  }
0x41: {  	_ =	shalt  }
0x42: {  	_ =	shalt  }
0x43: {  	_ =	shalt  }
0x44: {  	_ =	shalt  }
0x45: {  	_ =	shalt  }
0x46: {  	_ =	shalt  }
0x47: {  	_ =	shalt  }
0x48: {  	_ =	shalt  }
0x49: {  	_ =	shalt  }
0x4a: {  	_ =	shalt  }
0x4b: {  	_ =	shalt  }
0x4c: {  	_ =	shalt  }
0x4d: {  	_ =	shalt  }
0x4e: {  	_ =	shalt  }
0x4f: {  	_ =	shalt  }
0x50: {  	_ =	shalt  }
0x51: {  	_ =	shalt  }
0x52: {  	_ =	shalt  }
0x53: {  	_ =	shalt  }
0x54: {  	_ =	shalt  }
0x55: {  	_ =	shalt  }
0x56: {  	_ =	shalt  }
0x57: {  	_ =	shalt  }
0x58: {  	_ =	shalt  }
0x59: {  	_ =	shalt  }
0x5a: {  	_ =	shalt  }
0x5b: {  	_ =	shalt  }
0x5c: {  	_ =	shalt  }
0x5d: {  	_ =	shalt  }
0x5e: {  	_ =	shalt  }
0x5f: {  	_ =	shalt  }
0x60: {  	_ =	shalt  }
0x61: {  	_ =	shalt  }
0x62: {  	_ =	shalt  }
0x63: {  	_ =	shalt  }
0x64: {  	_ =	shalt  }
0x65: {  	_ =	shalt  }
0x66: {  	_ =	shalt  }
0x67: {  	_ =	shalt  }
0x68: {  	_ =	shalt  }
0x69: {  	_ =	shalt  }
0x6a: {  	_ =	shalt  }
0x6b: {  	_ =	shalt  }
0x6c: {  	_ =	shalt  }
0x6d: {  	_ =	shalt  }
0x6e: {  	_ =	shalt  }
0x6f: {  	_ =	shalt  }
0x70: {  	_ =	shalt  }
0x71: {  	_ =	shalt  }
0x72: {  	_ =	shalt  }
0x73: {  	_ =	shalt  }
0x74: {  	_ =	shalt  }
0x75: {  	_ =	shalt  }
0x76: {  	_ =	shalt  }
0x77: {  	_ =	shalt  }
0x78: {  	_ =	shalt  }
0x79: {  	_ =	shalt  }
0x7a: {  	_ =	shalt  }
0x7b: {  	_ =	shalt  }
0x7c: {  	_ =	shalt  }
0x7d: {  	_ =	shalt  }
0x7e: {  	_ =	shalt  }
0x7f: {  	_ =	shalt  }
0x80: {  	_ =	shalt  }
0x81: {  	_ =	shalt  }
0x82: {  	_ =	shalt  }
0x83: {  	_ =	shalt  }
0x84: {  	_ =	shalt  }
0x85: {  	_ =	shalt  }
0x86: {  	_ =	shalt  }
0x87: {  	_ =	shalt  }
.Lfunc_end0:
.L_simem_size_0:
called_computation_lowered:
.L_overlay_start_0:
0x88: {  	s2 =	sld [smem:$0x3FD9]  }
0x89: {  	s3 =	sld [smem:$0x3FFE];
	_ =	sdelay $0x1  }
0x8a: {  	s1 =	srdreg.scid  }
0x8b: {  	s0 =	sand.u32 $0x1, s1  }
0x8c: {  	s17 =	sshll.u32 s0, $0xA;
	s2 =	sadd.s32 s3, s2  }
0x8d: {  	s2 =	sadd.s32 s2, s17  }
0x8e: {  	[smem:$0x3FC6] =	sst s2  }
0x8f: {  	_ = 	snop  }
0x90: {  	s2 =	sld [smem:$0x3FC9]  }
0x91: {  	s18 =	sld [smem:$0x3FD0];
	(tm) =	ssettm $0x1  }
0x92: {  	s4 =	sld [smem:$0x3FFB];
	_ =	sdelay $0x3  }
0x93: {  	_ =	strace s4  }
0x94: {  	s4 =	sld [smem:$0x3FFC];
	_ =	sdelay $0x3  }
0x95: {  	_ =	strace s4  }
0x96: {  	s4 =	sld [smem:$0x3FFD];
	_ =	sdelay $0x3  }
0x97: {  	_ =	strace s4  }
0x98: {  	_ =	strace $0x8FFFFFFF  }
0x99: {  	s19 =	sld [smem:$0x3FDB];
	_ =	sdelay $0x1  }
0x9a: {  	s5 =	simm.s32 $_scs_section_size  }
0x9b: {  	s6 =	simm.s32 $_size__tile_overlayer_lowered;
	s7 =	simm.s32 $_tile_overlayer_lowered  }
0x9c: {  	s22 =	simm.s32 $0x1BFF;
	s21 =	sshll.u32 s7, $0x1;
	s4 =	sadd.s32 s5, s19  }
0x9d: {  	s8 =	simm.s32 $0x0;
	s20 =	sshll.u32 s6, $0x1;
	s6 =	sadd.s32 s21, s4  }
0x9e: {  	[timem:s8], [sflag:s22] =	dma.local [hbm:s6], s20  }
0x9f: {  	_ =	swait.ge [sflag:s22], s20  }
0xa0: {  	s5 =	ssub.s32 $0x0, s20;
	[sflag:s22] =	ssyncset.done $0x0  }
0xa1: {  	[sflag:s22] =	ssyncadd.s32 s5;
	_ =	sdelay $0x1  }
0xa2: {  	s23 =	simm.s32 $0x1B8B  }
0xa3: {  	_ =	swait.ge [sflag:s23], $0x1  }
0xa4: {  	[sflag:s23] =	ssyncset.done $0x0  }
0xa5: {  	s25 =	simm.s32 $0x1B8E;
	s24 =	sld [smem:$0x3FFE];
	[sflag:s23] =	ssyncadd.s32 $0xFFFFFFFF  }
0xa6: {  	s26 =	simm.s32 $execute0_lowered;
	[smem:$0x3FD2] =	sst s25  }
0xa7: {  	s6 =	sshll.u32 s26, $0x1;
	_ =	strace $0x80000046;
	[dreg:$0x1] =	wrdreg $0xFFFFFFFF  }
0xa8: {  	s28 =	simm.s32 $_size_execute0_lowered;
	s4 =	sadd.s32 s4, s6;
	[dreg:$0x0] =	wrdreg $0x0  }
0xa9: {  	s6 =	sshll.u32 s28, $0x1;
	[dreg:$0x2] =	wrdreg s4  }
0xaa: {  	[dreg:$0x3] =	wrdreg s6  }
0xab: {  	[dreg:$0x4] =	wrdreg $0xC0  }
0xac: {  	_ =	task [dreg:s8], $0x5FFFF  }
0xad: {  	[dreg:$0x1] =	wrdreg $0xFFFFFFFF  }
0xae: {  	[dreg:$0x0] =	wrdreg $0x60  }
0xaf: {  	[dreg:$0x2] =	wrdreg s2  }
0xb0: {  	[dreg:$0x3] =	wrdreg s24  }
0xb1: {  	[dreg:$0x4] =	wrdreg s18  }
0xb2: {  	[dreg:$0x5] =	wrdreg $0x9  }
0xb3: {  	_ =	task.clear_ibuf [dreg:s8], $0x6FFFF;
	_ =	strace $0x90000046  }
0xb4: {  	s29 =	simm.s32 $0x9;
	_ =	strace $0x80000048  }
0xb5: {  	_ =	swait.ge [sflag:s29], $0x1  }
0xb6: {  	[sflag:s29] =	ssyncadd.s32 $0xFFFFFFFF  }
0xb7: {  	_ =	strace $0x90000048  }
0xb8: {  	_ =	sfence  }
0xb9: {  	s30 =	sld [smem:$0x0];
	_ =	sdelay $0x2  }
0xba: {  	s31 =	sshll.u32 s1, $0xD;
	s1 =	sshrl.u32 s1, $0x2  }
0xbb: {  	s3 =	sand.u32 $0x4000, s31;
	s1 =	sadd.s32 s1, s30  }
0xbc: {  	s0 =	sor.u32 s3, s0;
	s1 =	sshll.u32 s1, $0x11  }
0xbd: {  	s0 =	sor.u32 s1, s0  }
0xbe: {  	s0 =	sadd.s32 $0x8F2B, s0  }
0xbf: {  	[sflag:s0] =	ssyncadd.remote.s32 $0x1  }
0xc0: {  	_ =	sfence.sel $0xFFFF  }
0xc1: {  	[dreg:$0x0] =	wrdreg $0xFFFFFFFF;
	(pc) =	sbr.abs _section_cstart, $3  }
0xc2: {  	[dreg:$0x1] =	wrdreg $0xFFFFFFFF  }
0xc3: {  	_ =	task.clear_ibuf [dreg:s8], $0x2FFFF;
	_ =	strace $0x9FFFFFFF  }
0xc4: {  	(tm) =	ssettm $0x7FFFFFFF  }
0xc5: {  	_ =	shalt  }
tec
execute0_lowered:
.L_overlay_start_1:
0x0: {  	(tag) =	ssettag $0x1  }
0x1: {  	s4 =	rddreg [dreg:$0x0]  }
0x2: {  	s3 =	rddreg [dreg:$0x1]  }
0x3: {  	s6 =	rddreg [dreg:$0x2]  }
0x4: {  	s0 =	rddreg [dreg:$0x3]  }
0x5: {  	s2 =	simm.s32 $0x0;
	s5 =	srdreg.scid;
	s1 =	stileid.u32  }
0x6: {  	s11 =	simm.s32 $0x400;
	s12 =	simm.s32 $0x800;
	s13 =	simm.s32 $0xC00  }
0x7: {  	s14 =	simm.s32 $0x80;
	s15 =	simm.s32 $0x1000;
	s16 =	simm.s32 $0x2200  }
0x8: {  	s17 =	simm.s32 $0x1400;
	s18 =	simm.s32 $0x6200;
	s19 =	simm.s32 $0x1800  }
0x9: {  	s20 =	simm.s32 $0xA200;
	s21 =	simm.s32 $0x1C00;
	s22 =	simm.s32 $0xE200  }
0xa: {  	s23 =	simm.s32 $0x1;
	s24 =	simm.s32 $0x12200;
	s25 =	simm.s32 $0x2  }
0xb: {  	s26 =	simm.s32 $0x0;
	[smem:$0x7FF] =	sst s2;
	s5 =	sand.u32 $0x1, s5  }
0xc: {  	s9 =	sshll.u32 s1, $0x7;
	s3 =	sadd.s32 $0xF42800, s3;
	s30 =	sshll.u32 s1, $0xD  }
0xd: {  	_ =	strace $0x80000047;
	s7 =	ssub.s32 $0x2, s5;
	s8 =	sshll.u32 s5, $0x6  }
0xe: {  	s29 =	sshll.u32 s5, $0xC;
	s10 =	sshrl.u32 s7, $0x1;
	s8 =	sor.u32 s8, s9  }
0xf: {  	s31 =	sadd.s32 s6, s29;
	s28 =	ssub.s32 s7, s10;
	s4 =	sadd.s32 s4, s8  }
0x10: {  	s8 =	sadd.s32 s30, s31;
	s10 =	simm.s32 $0x3;
	s5 =	sadd.s32 $0x10, s4  }
0x11: {  	v4 =	vlaneseq.u32;
	s6 =	sadd.s32 $0x20, s4;
	s7 =	sadd.s32 $0x30, s4;
	s9 =	smax.u32 s28, $0x1  }
.LBB2_1:
0x12: {  	[tilespmem:s2], [sflag:$0x3] =	stream.linear.gather [hbm4b:s4+s2], $0x80, $0x38;
	[tilespmem:$0x1A200] =	vst v63  }
0x13: {  	_ =	swait.ge [sflag:s10], $0x80  }
0x14: {  	[sflag:s10] =	ssyncset.done $0x0  }
0x15: {  	[sflag:s10] =	ssyncadd.s32 $0xFFFFFF80  }
0x16: {  	[tilespmem:s11], [sflag:$0x3] =	stream.linear.gather [hbm4b:s5+s2], $0x80, $0x38;
	[tilespmem:$0x1A200] =	vst v63  }
0x17: {  	_ =	swait.ge [sflag:s10], $0x80  }
0x18: {  	[sflag:s10] =	ssyncset.done $0x0  }
0x19: {  	[sflag:s10] =	ssyncadd.s32 $0xFFFFFF80  }
0x1a: {  	[tilespmem:s12], [sflag:$0x3] =	stream.linear.gather [hbm4b:s6+s2], $0x80, $0x38;
	[tilespmem:$0x1A200] =	vst v63  }
0x1b: {  	_ =	swait.ge [sflag:s10], $0x80  }
0x1c: {  	[sflag:s10] =	ssyncset.done $0x0  }
0x1d: {  	[sflag:s10] =	ssyncadd.s32 $0xFFFFFF80  }
0x1e: {  	[tilespmem:s13], [sflag:$0x3] =	stream.linear.gather [hbm4b:s7+s2], $0x80, $0x38;
	[tilespmem:$0x1A200] =	vst v63  }
0x1f: {  	_ =	swait.ge [sflag:s10], $0x80  }
0x20: {  	[sflag:s10] =	ssyncset.done $0x0  }
0x21: {  	[sflag:s10] =	ssyncadd.s32 $0xFFFFFF80  }
0x22: {  	v0 =	vld [tilespmem:$0x0];
	_ =	sdelay $0x1  }
0x23: {  	v1 =	vld [tilespmem:$0x10];
	_ =	sdelay $0x1  }
0x24: {  	v2 =	vld [tilespmem:$0x20]  }
0x25: {  	v3 =	vshrl.u32 v0, $0x1  }
0x26: {  	v0 =	vand.u32 $0x1, v0;
	[tilespmem:$0x1000] =	vst v3;
	v3 =	vld [tilespmem:$0x30]  }
0x27: {  	[tilespmem:$0x2000] =	vst v0;
	v0 =	vshrl.u32 v1, $0x1  }
0x28: {  	[tilespmem:$0x1010] =	vst v0;
	v0 =	vand.u32 $0x1, v1;
	v1 =	vld [tilespmem:$0x40]  }
0x29: {  	[tilespmem:$0x2010] =	vst v0;
	v0 =	vshrl.u32 v2, $0x1  }
0x2a: {  	[tilespmem:$0x1020] =	vst v0;
	v0 =	vand.u32 $0x1, v2;
	v2 =	vld [tilespmem:$0x50]  }
0x2b: {  	[tilespmem:$0x2020] =	vst v0;
	v0 =	vshrl.u32 v3, $0x1  }
0x2c: {  	[tilespmem:$0x1030] =	vst v0;
	v0 =	vand.u32 $0x1, v3;
	v3 =	vld [tilespmem:$0x60]  }
0x2d: {  	[tilespmem:$0x2030] =	vst v0;
	v0 =	vshrl.u32 v1, $0x1  }
0x2e: {  	[tilespmem:$0x1040] =	vst v0;
	v0 =	vand.u32 $0x1, v1;
	v1 =	vld [tilespmem:$0x70]  }
0x2f: {  	[tilespmem:$0x2040] =	vst v0;
	v0 =	vshrl.u32 v2, $0x1  }
0x30: {  	[tilespmem:$0x1050] =	vst v0;
	v0 =	vand.u32 $0x1, v2;
	v2 =	vld [tilespmem:$0x400]  }
0x31: {  	[tilespmem:$0x2050] =	vst v0;
	v0 =	vshrl.u32 v3, $0x1  }
0x32: {  	[tilespmem:$0x1060] =	vst v0;
	v0 =	vand.u32 $0x1, v3;
	v3 =	vld [tilespmem:$0x410]  }
0x33: {  	[tilespmem:$0x2060] =	vst v0;
	v0 =	vshrl.u32 v1, $0x1  }
0x34: {  	[tilespmem:$0x1070] =	vst v0;
	v0 =	vand.u32 $0x1, v1;
	v1 =	vld [tilespmem:$0x420]  }
0x35: {  	[tilespmem:$0x2070] =	vst v0;
	v0 =	vshrl.u32 v2, $0x1  }
0x36: {  	[tilespmem:$0x1400] =	vst v0;
	v0 =	vand.u32 $0x1, v2;
	v2 =	vld [tilespmem:$0x430]  }
0x37: {  	[tilespmem:$0x2080] =	vst v0;
	v0 =	vshrl.u32 v3, $0x1  }
0x38: {  	[tilespmem:$0x1410] =	vst v0;
	v0 =	vand.u32 $0x1, v3;
	v3 =	vld [tilespmem:$0x440]  }
0x39: {  	[tilespmem:$0x2090] =	vst v0;
	v0 =	vshrl.u32 v1, $0x1  }
0x3a: {  	[tilespmem:$0x1420] =	vst v0;
	v0 =	vand.u32 $0x1, v1;
	v1 =	vld [tilespmem:$0x450]  }
0x3b: {  	[tilespmem:$0x20A0] =	vst v0;
	v0 =	vshrl.u32 v2, $0x1  }
0x3c: {  	[tilespmem:$0x1430] =	vst v0;
	v0 =	vand.u32 $0x1, v2;
	v2 =	vld [tilespmem:$0x460]  }
0x3d: {  	[tilespmem:$0x20B0] =	vst v0;
	v0 =	vshrl.u32 v3, $0x1  }
0x3e: {  	[tilespmem:$0x1440] =	vst v0;
	v0 =	vand.u32 $0x1, v3;
	v3 =	vld [tilespmem:$0x470]  }
0x3f: {  	[tilespmem:$0x20C0] =	vst v0;
	v0 =	vshrl.u32 v1, $0x1  }
0x40: {  	[tilespmem:$0x1450] =	vst v0;
	v0 =	vand.u32 $0x1, v1;
	v1 =	vld [tilespmem:$0x800]  }
0x41: {  	[tilespmem:$0x20D0] =	vst v0;
	v0 =	vshrl.u32 v2, $0x1  }
0x42: {  	[tilespmem:$0x1460] =	vst v0;
	v0 =	vand.u32 $0x1, v2;
	v2 =	vld [tilespmem:$0x810]  }
0x43: {  	[tilespmem:$0x20E0] =	vst v0;
	v0 =	vshrl.u32 v3, $0x1  }
0x44: {  	[tilespmem:$0x1470] =	vst v0;
	v0 =	vand.u32 $0x1, v3;
	v3 =	vld [tilespmem:$0x820]  }
0x45: {  	[tilespmem:$0x20F0] =	vst v0;
	v0 =	vshrl.u32 v1, $0x1  }
0x46: {  	[tilespmem:$0x1800] =	vst v0;
	v0 =	vand.u32 $0x1, v1;
	v1 =	vld [tilespmem:$0x830]  }
0x47: {  	[tilespmem:$0x2100] =	vst v0;
	v0 =	vshrl.u32 v2, $0x1  }
0x48: {  	[tilespmem:$0x1810] =	vst v0;
	v0 =	vand.u32 $0x1, v2;
	v2 =	vld [tilespmem:$0x840]  }
0x49: {  	[tilespmem:$0x2110] =	vst v0;
	v0 =	vshrl.u32 v3, $0x1  }
0x4a: {  	[tilespmem:$0x1820] =	vst v0;
	v0 =	vand.u32 $0x1, v3;
	v3 =	vld [tilespmem:$0x850]  }
0x4b: {  	[tilespmem:$0x2120] =	vst v0;
	v0 =	vshrl.u32 v1, $0x1  }
0x4c: {  	[tilespmem:$0x1830] =	vst v0;
	v0 =	vand.u32 $0x1, v1;
	v1 =	vld [tilespmem:$0x860]  }
0x4d: {  	[tilespmem:$0x2130] =	vst v0;
	v0 =	vshrl.u32 v2, $0x1  }
0x4e: {  	[tilespmem:$0x1840] =	vst v0;
	v0 =	vand.u32 $0x1, v2;
	v2 =	vld [tilespmem:$0x870]  }
0x4f: {  	[tilespmem:$0x2140] =	vst v0;
	v0 =	vshrl.u32 v3, $0x1  }
0x50: {  	[tilespmem:$0x1850] =	vst v0;
	v0 =	vand.u32 $0x1, v3;
	v3 =	vld [tilespmem:$0xC00]  }
0x51: {  	[tilespmem:$0x2150] =	vst v0;
	v0 =	vshrl.u32 v1, $0x1  }
0x52: {  	[tilespmem:$0x1860] =	vst v0;
	v0 =	vand.u32 $0x1, v1;
	v1 =	vld [tilespmem:$0xC10]  }
0x53: {  	[tilespmem:$0x2160] =	vst v0;
	v0 =	vshrl.u32 v2, $0x1  }
0x54: {  	[tilespmem:$0x1870] =	vst v0;
	v0 =	vand.u32 $0x1, v2;
	v2 =	vld [tilespmem:$0xC20]  }
0x55: {  	[tilespmem:$0x2170] =	vst v0;
	v0 =	vshrl.u32 v3, $0x1  }
0x56: {  	[tilespmem:$0x1C00] =	vst v0;
	v0 =	vand.u32 $0x1, v3;
	v3 =	vld [tilespmem:$0xC30]  }
0x57: {  	[tilespmem:$0x2180] =	vst v0;
	v0 =	vshrl.u32 v1, $0x1  }
0x58: {  	[tilespmem:$0x1C10] =	vst v0;
	v0 =	vand.u32 $0x1, v1;
	v1 =	vld [tilespmem:$0xC40]  }
0x59: {  	[tilespmem:$0x2190] =	vst v0;
	v0 =	vshrl.u32 v2, $0x1  }
0x5a: {  	[tilespmem:$0x1C20] =	vst v0;
	v0 =	vand.u32 $0x1, v2;
	v2 =	vld [tilespmem:$0xC50]  }
0x5b: {  	[tilespmem:$0x21A0] =	vst v0;
	v0 =	vshrl.u32 v3, $0x1  }
0x5c: {  	[tilespmem:$0x1C30] =	vst v0;
	v0 =	vand.u32 $0x1, v3;
	v3 =	vld [tilespmem:$0xC60]  }
0x5d: {  	[tilespmem:$0x21B0] =	vst v0;
	v0 =	vshrl.u32 v1, $0x1  }
0x5e: {  	[tilespmem:$0x1C40] =	vst v0;
	v0 =	vand.u32 $0x1, v1;
	v1 =	vld [tilespmem:$0xC70]  }
0x5f: {  	[tilespmem:$0x21C0] =	vst v0;
	v0 =	vshrl.u32 v2, $0x1  }
0x60: {  	[tilespmem:$0x1C50] =	vst v0;
	v0 =	vand.u32 $0x1, v2  }
0x61: {  	[tilespmem:$0x21D0] =	vst v0;
	v0 =	vshrl.u32 v3, $0x1  }
0x62: {  	[tilespmem:$0x1C60] =	vst v0;
	v0 =	vand.u32 $0x1, v3  }
0x63: {  	[tilespmem:$0x21E0] =	vst v0;
	v0 =	vshrl.u32 v1, $0x1  }
0x64: {  	[tilespmem:$0x1C70] =	vst v0;
	v0 =	vand.u32 $0x1, v1  }
0x65: {  	[tilespmem:$0x21F0] =	vst v0  }
0x66: {  	[tilespmem:s16], [sflag:$0x1] =	stream.indirect.gather [hbm4b:s3+s14], $0x80, s15, s14, $0xb8;
	[tilespmem:$0x1A200] =	vst v63  }
0x67: {  	_ = 	snop  }
0x68: {  	[tilespmem:s18], [sflag:$0x1] =	stream.indirect.gather [hbm4b:s3+s14], $0x80, s17, s14, $0xb8;
	[tilespmem:$0x1A200] =	vst v63  }
0x69: {  	_ = 	snop  }
0x6a: {  	[tilespmem:s20], [sflag:$0x1] =	stream.indirect.gather [hbm4b:s3+s14], $0x80, s19, s14, $0xb8;
	[tilespmem:$0x1A200] =	vst v63  }
0x6b: {  	_ = 	snop  }
0x6c: {  	[tilespmem:s22], [sflag:$0x1] =	stream.indirect.gather [hbm4b:s3+s14], $0x80, s21, s14, $0xb8;
	[tilespmem:$0x1A200] =	vst v63  }
0x6d: {  	_ =	swait.ge [sflag:s23], $0x4000  }
0x6e: {  	[sflag:s23] =	ssyncset.done $0x0  }
0x6f: {  	[sflag:s23] =	ssyncadd.s32 $0xFFFFC000  }
0x70: {  	_ =	swait.ge [sflag:s23], $0x4000  }
0x71: {  	[sflag:s23] =	ssyncset.done $0x0  }
0x72: {  	[sflag:s23] =	ssyncadd.s32 $0xFFFFC000  }
0x73: {  	_ =	swait.ge [sflag:s23], $0x4000  }
0x74: {  	[sflag:s23] =	ssyncset.done $0x0  }
0x75: {  	[sflag:s23] =	ssyncadd.s32 $0xFFFFC000  }
0x76: {  	_ =	swait.ge [sflag:s23], $0x4000  }
0x77: {  	[sflag:s23] =	ssyncset.done $0x0  }
0x78: {  	s28 =	simm.s32 $0x2000;
	[sflag:s23] =	ssyncadd.s32 $0xFFFFC000  }
0x79: {  	v0 =	vld [tilespmem:s28+$0x0];
	_ =	sdelay $0x4  }
0x7a: {  	v4 =	vor.u32 s2, v4;
	v0 =	vshll.u32 v0, $0x6  }
0x7b: {  	v2 =	vshll.u32 v4, $0x7;
	v1 =	vand.u32 $0xFFFFFF80, v0  }
0x7c: {  	v0 =	vand.u32 $0x40, v0;
	v1 =	vadd.s32 v2, v1  }
0x7d: {  	v38 =	vor.u32 v0, v1  }
0x7e: {  	v0 =	vor.u32 $0x1, v38;
	_ =	sdelay $0x1  }
0x7f: {  	v1 =	vor.u32 $0x2, v38;
	_ =	sdelay $0x1  }
0x80: {  	v2 =	vor.u32 $0x3, v38;
	v6 =	vld.idx.msk [tilespmem:v38+s16+$0x0], $0xffff  }
0x81: {  	v7 =	vld.idx.msk [tilespmem:v0+s16+$0x0], $0xffff  }
0x82: {  	v0 =	vor.u32 $0x4, v38  }
0x83: {  	v8 =	vld.idx.msk [tilespmem:v1+s16+$0x0], $0xffff  }
0x84: {  	v1 =	vor.u32 $0x5, v38  }
0x85: {  	v3 =	vld.idx.msk [tilespmem:v2+s16+$0x0], $0xffff  }
0x86: {  	v2 =	vor.u32 $0x6, v38;
	v5 =	vmul.f32 v6, v6;
	[tilespmem:$0x1FF80] =	vst v7;
	v7 =	vmul.f32 v7, v7  }
0x87: {  	v10 =	vld.idx.msk [tilespmem:v0+s16+$0x0], $0xffff  }
0x88: {  	[tilespmem:$0x1FF90] =	vst v8;
	v0 =	vor.u32 $0x7, v38;
	v8 =	vmul.f32 v8, v8;
	v7 =	vadd.f32 v7, v5  }
0x89: {  	v61 =	vld.idx.msk [tilespmem:v1+s16+$0x0], $0xffff  }
0x8a: {  	v1 =	vor.u32 $0x8, v38;
	v9 =	vmul.f32 v3, v3;
	v8 =	vadd.f32 v8, v7  }
0x8b: {  	[tilespmem:$0x1FFA0] =	vst v3;
	v3 =	vld.idx.msk [tilespmem:v2+s16+$0x0], $0xffff  }
0x8c: {  	v2 =	vor.u32 $0x9, v38;
	[tilespmem:$0x1FFB0] =	vst v10;
	v10 =	vmul.f32 v10, v10;
	v9 =	vadd.f32 v9, v8  }
0x8d: {  	v62 =	vld.idx.msk [tilespmem:v0+s16+$0x0], $0xffff  }
0x8e: {  	v0 =	vor.u32 $0xA, v38;
	v11 =	vmul.f32 v61, v61;
	v10 =	vadd.f32 v10, v9  }
0x8f: {  	v63 =	vld.idx.msk [tilespmem:v1+s16+$0x0], $0xffff  }
0x90: {  	v1 =	vor.u32 $0xB, v38;
	v12 =	vmul.f32 v3, v3;
	v11 =	vadd.f32 v11, v10  }
0x91: {  	v10 =	vld.idx.msk [tilespmem:v2+s16+$0x0], $0xffff  }
0x92: {  	v2 =	vor.u32 $0xC, v38;
	v13 =	vmul.f32 v62, v62;
	v12 =	vadd.f32 v12, v11  }
0x93: {  	v11 =	vld.idx.msk [tilespmem:v0+s16+$0x0], $0xffff  }
0x94: {  	v14 =	vmul.f32 v63, v63;
	v0 =	vor.u32 $0xD, v38;
	v13 =	vadd.f32 v13, v12  }
0x95: {  	v12 =	vld.idx.msk [tilespmem:v1+s16+$0x0], $0xffff  }
0x96: {  	v1 =	vor.u32 $0xE, v38;
	v15 =	vmul.f32 v10, v10;
	v14 =	vadd.f32 v14, v13  }
0x97: {  	v13 =	vld.idx.msk [tilespmem:v2+s16+$0x0], $0xffff  }
0x98: {  	v2 =	vor.u32 $0xF, v38;
	v16 =	vmul.f32 v11, v11;
	v15 =	vadd.f32 v15, v14  }
0x99: {  	v14 =	vld.idx.msk [tilespmem:v0+s16+$0x0], $0xffff  }
0x9a: {  	v0 =	vor.u32 $0x10, v38;
	v17 =	vmul.f32 v12, v12;
	v16 =	vadd.f32 v16, v15  }
0x9b: {  	v15 =	vld.idx.msk [tilespmem:v1+s16+$0x0], $0xffff  }
0x9c: {  	v1 =	vor.u32 $0x11, v38;
	v18 =	vmul.f32 v13, v13;
	v17 =	vadd.f32 v17, v16  }
0x9d: {  	v16 =	vld.idx.msk [tilespmem:v2+s16+$0x0], $0xffff  }
0x9e: {  	v2 =	vor.u32 $0x12, v38;
	v19 =	vmul.f32 v14, v14;
	v18 =	vadd.f32 v18, v17  }
0x9f: {  	v17 =	vld.idx.msk [tilespmem:v0+s16+$0x0], $0xffff  }
0xa0: {  	v0 =	vor.u32 $0x13, v38;
	v20 =	vmul.f32 v15, v15;
	v19 =	vadd.f32 v19, v18  }
0xa1: {  	v18 =	vld.idx.msk [tilespmem:v1+s16+$0x0], $0xffff  }
0xa2: {  	v1 =	vor.u32 $0x14, v38;
	v21 =	vmul.f32 v16, v16;
	v20 =	vadd.f32 v20, v19  }
0xa3: {  	v19 =	vld.idx.msk [tilespmem:v2+s16+$0x0], $0xffff  }
0xa4: {  	v2 =	vor.u32 $0x15, v38;
	v22 =	vmul.f32 v17, v17;
	v21 =	vadd.f32 v21, v20  }
0xa5: {  	v20 =	vld.idx.msk [tilespmem:v0+s16+$0x0], $0xffff  }
0xa6: {  	v0 =	vor.u32 $0x16, v38;
	v23 =	vmul.f32 v18, v18;
	v22 =	vadd.f32 v22, v21  }
0xa7: {  	v21 =	vld.idx.msk [tilespmem:v1+s16+$0x0], $0xffff  }
0xa8: {  	v1 =	vor.u32 $0x17, v38;
	v24 =	vmul.f32 v19, v19;
	v23 =	vadd.f32 v23, v22  }
0xa9: {  	v22 =	vld.idx.msk [tilespmem:v2+s16+$0x0], $0xffff  }
0xaa: {  	v2 =	vor.u32 $0x18, v38;
	v25 =	vmul.f32 v20, v20;
	v24 =	vadd.f32 v24, v23  }
0xab: {  	v23 =	vld.idx.msk [tilespmem:v0+s16+$0x0], $0xffff  }
0xac: {  	v0 =	vor.u32 $0x19, v38;
	v26 =	vmul.f32 v21, v21;
	v25 =	vadd.f32 v25, v24  }
0xad: {  	v24 =	vld.idx.msk [tilespmem:v1+s16+$0x0], $0xffff  }
0xae: {  	v1 =	vor.u32 $0x1A, v38;
	v27 =	vmul.f32 v22, v22;
	v26 =	vadd.f32 v26, v25  }
0xaf: {  	v25 =	vld.idx.msk [tilespmem:v2+s16+$0x0], $0xffff  }
0xb0: {  	v2 =	vor.u32 $0x1B, v38;
	v28 =	vmul.f32 v23, v23;
	v27 =	vadd.f32 v27, v26  }
0xb1: {  	v26 =	vld.idx.msk [tilespmem:v0+s16+$0x0], $0xffff  }
0xb2: {  	v0 =	vor.u32 $0x1C, v38;
	v29 =	vmul.f32 v24, v24;
	v28 =	vadd.f32 v28, v27  }
0xb3: {  	v27 =	vld.idx.msk [tilespmem:v1+s16+$0x0], $0xffff  }
0xb4: {  	v1 =	vor.u32 $0x1D, v38;
	v30 =	vmul.f32 v25, v25;
	v29 =	vadd.f32 v29, v28  }
0xb5: {  	v28 =	vld.idx.msk [tilespmem:v2+s16+$0x0], $0xffff  }
0xb6: {  	v2 =	vor.u32 $0x1E, v38;
	v31 =	vmul.f32 v26, v26;
	v30 =	vadd.f32 v30, v29  }
0xb7: {  	v29 =	vld.idx.msk [tilespmem:v0+s16+$0x0], $0xffff  }
0xb8: {  	v0 =	vor.u32 $0x1F, v38;
	v32 =	vmul.f32 v27, v27;
	v31 =	vadd.f32 v31, v30  }
0xb9: {  	v30 =	vld.idx.msk [tilespmem:v1+s16+$0x0], $0xffff  }
0xba: {  	v1 =	vor.u32 $0x20, v38;
	v33 =	vmul.f32 v28, v28;
	v32 =	vadd.f32 v32, v31  }
0xbb: {  	v31 =	vld.idx.msk [tilespmem:v2+s16+$0x0], $0xffff  }
0xbc: {  	v2 =	vor.u32 $0x21, v38;
	v34 =	vmul.f32 v29, v29;
	v33 =	vadd.f32 v33, v32  }
0xbd: {  	v32 =	vld.idx.msk [tilespmem:v0+s16+$0x0], $0xffff  }
0xbe: {  	v0 =	vor.u32 $0x22, v38;
	v35 =	vmul.f32 v30, v30;
	v34 =	vadd.f32 v34, v33  }
0xbf: {  	v33 =	vld.idx.msk [tilespmem:v1+s16+$0x0], $0xffff  }
0xc0: {  	v1 =	vor.u32 $0x23, v38;
	v36 =	vmul.f32 v31, v31;
	v35 =	vadd.f32 v35, v34  }
0xc1: {  	v34 =	vld.idx.msk [tilespmem:v2+s16+$0x0], $0xffff  }
0xc2: {  	v2 =	vor.u32 $0x24, v38;
	v37 =	vmul.f32 v32, v32;
	v36 =	vadd.f32 v36, v35  }
0xc3: {  	v35 =	vld.idx.msk [tilespmem:v0+s16+$0x0], $0xffff  }
0xc4: {  	v0 =	vor.u32 $0x25, v38;
	v39 =	vmul.f32 v33, v33;
	v37 =	vadd.f32 v37, v36  }
0xc5: {  	v36 =	vld.idx.msk [tilespmem:v1+s16+$0x0], $0xffff  }
0xc6: {  	v1 =	vor.u32 $0x26, v38;
	v40 =	vmul.f32 v34, v34;
	v39 =	vadd.f32 v39, v37  }
0xc7: {  	v37 =	vld.idx.msk [tilespmem:v2+s16+$0x0], $0xffff  }
0xc8: {  	v2 =	vor.u32 $0x27, v38;
	v41 =	vmul.f32 v35, v35;
	v40 =	vadd.f32 v40, v39  }
0xc9: {  	v39 =	vld.idx.msk [tilespmem:v0+s16+$0x0], $0xffff  }
0xca: {  	v0 =	vor.u32 $0x28, v38;
	v42 =	vmul.f32 v36, v36;
	v41 =	vadd.f32 v41, v40  }
0xcb: {  	v40 =	vld.idx.msk [tilespmem:v1+s16+$0x0], $0xffff  }
0xcc: {  	v1 =	vor.u32 $0x29, v38;
	v43 =	vmul.f32 v37, v37;
	v42 =	vadd.f32 v42, v41  }
0xcd: {  	v41 =	vld.idx.msk [tilespmem:v2+s16+$0x0], $0xffff  }
0xce: {  	v2 =	vor.u32 $0x2A, v38;
	v44 =	vmul.f32 v39, v39;
	v43 =	vadd.f32 v43, v42  }
0xcf: {  	v42 =	vld.idx.msk [tilespmem:v0+s16+$0x0], $0xffff  }
0xd0: {  	v0 =	vor.u32 $0x2B, v38;
	v45 =	vmul.f32 v40, v40;
	v44 =	vadd.f32 v44, v43  }
0xd1: {  	v43 =	vld.idx.msk [tilespmem:v1+s16+$0x0], $0xffff  }
0xd2: {  	v1 =	vor.u32 $0x2C, v38;
	v46 =	vmul.f32 v41, v41;
	v45 =	vadd.f32 v45, v44  }
0xd3: {  	v44 =	vld.idx.msk [tilespmem:v2+s16+$0x0], $0xffff  }
0xd4: {  	v2 =	vor.u32 $0x2D, v38;
	v47 =	vmul.f32 v42, v42;
	v46 =	vadd.f32 v46, v45  }
0xd5: {  	v45 =	vld.idx.msk [tilespmem:v0+s16+$0x0], $0xffff  }
0xd6: {  	v0 =	vor.u32 $0x2E, v38;
	v48 =	vmul.f32 v43, v43;
	v47 =	vadd.f32 v47, v46  }
0xd7: {  	v46 =	vld.idx.msk [tilespmem:v1+s16+$0x0], $0xffff  }
0xd8: {  	v1 =	vor.u32 $0x2F, v38;
	v49 =	vmul.f32 v44, v44;
	v48 =	vadd.f32 v48, v47  }
0xd9: {  	v47 =	vld.idx.msk [tilespmem:v2+s16+$0x0], $0xffff  }
0xda: {  	v2 =	vor.u32 $0x30, v38;
	v50 =	vmul.f32 v45, v45;
	v49 =	vadd.f32 v49, v48  }
0xdb: {  	v48 =	vld.idx.msk [tilespmem:v0+s16+$0x0], $0xffff  }
0xdc: {  	v0 =	vor.u32 $0x31, v38;
	v51 =	vmul.f32 v46, v46;
	v50 =	vadd.f32 v50, v49  }
0xdd: {  	v49 =	vld.idx.msk [tilespmem:v1+s16+$0x0], $0xffff  }
0xde: {  	v1 =	vor.u32 $0x32, v38;
	v52 =	vmul.f32 v47, v47;
	v51 =	vadd.f32 v51, v50  }
0xdf: {  	v50 =	vld.idx.msk [tilespmem:v2+s16+$0x0], $0xffff  }
0xe0: {  	v2 =	vor.u32 $0x33, v38;
	v53 =	vmul.f32 v48, v48;
	v52 =	vadd.f32 v52, v51  }
0xe1: {  	v51 =	vld.idx.msk [tilespmem:v0+s16+$0x0], $0xffff  }
0xe2: {  	v0 =	vor.u32 $0x34, v38;
	v54 =	vmul.f32 v49, v49;
	v53 =	vadd.f32 v53, v52  }
0xe3: {  	v52 =	vld.idx.msk [tilespmem:v1+s16+$0x0], $0xffff  }
0xe4: {  	v1 =	vor.u32 $0x35, v38;
	v55 =	vmul.f32 v50, v50;
	v54 =	vadd.f32 v54, v53  }
0xe5: {  	v53 =	vld.idx.msk [tilespmem:v2+s16+$0x0], $0xffff  }
0xe6: {  	v2 =	vor.u32 $0x36, v38;
	v56 =	vmul.f32 v51, v51;
	v55 =	vadd.f32 v55, v54  }
0xe7: {  	v54 =	vld.idx.msk [tilespmem:v0+s16+$0x0], $0xffff  }
0xe8: {  	v0 =	vor.u32 $0x37, v38;
	v57 =	vmul.f32 v52, v52;
	v56 =	vadd.f32 v56, v55  }
0xe9: {  	v55 =	vld.idx.msk [tilespmem:v1+s16+$0x0], $0xffff  }
0xea: {  	v1 =	vor.u32 $0x38, v38;
	v58 =	vmul.f32 v53, v53;
	v57 =	vadd.f32 v57, v56  }
0xeb: {  	v56 =	vld.idx.msk [tilespmem:v2+s16+$0x0], $0xffff  }
0xec: {  	v2 =	vor.u32 $0x39, v38;
	v59 =	vmul.f32 v54, v54;
	v58 =	vadd.f32 v58, v57  }
0xed: {  	v57 =	vld.idx.msk [tilespmem:v0+s16+$0x0], $0xffff  }
0xee: {  	v0 =	vor.u32 $0x3A, v38;
	v60 =	vmul.f32 v55, v55;
	v59 =	vadd.f32 v59, v58  }
0xef: {  	v58 =	vld.idx.msk [tilespmem:v1+s16+$0x0], $0xffff  }
0xf0: {  	[tilespmem:$0x1FFC0] =	vst v61;
	v1 =	vor.u32 $0x3B, v38;
	v61 =	vmul.f32 v56, v56;
	v60 =	vadd.f32 v60, v59  }
0xf1: {  	v59 =	vld.idx.msk [tilespmem:v2+s16+$0x0], $0xffff  }
0xf2: {  	[tilespmem:$0x1FFE0] =	vst v62;
	v62 =	vor.u32 $0x3C, v38;
	v7 =	vmul.f32 v57, v57;
	v2 =	vadd.f32 v61, v60  }
0xf3: {  	[tilespmem:$0x1FFD0] =	vst v3;
	v60 =	vld.idx.msk [tilespmem:v0+s16+$0x0], $0xffff  }
0xf4: {  	v3 =	vor.u32 $0x3D, v38;
	[tilespmem:$0x1FFF0] =	vst v63;
	v63 =	vmul.f32 v58, v58;
	v0 =	vadd.f32 v7, v2  }
0xf5: {  	v61 =	vld.idx.msk [tilespmem:v1+s16+$0x0], $0xffff  }
0xf6: {  	v2 =	vor.u32 $0x3E, v38;
	v8 =	vmul.f32 v59, v59;
	v0 =	vadd.f32 v63, v0  }
0xf7: {  	v62 =	vld.idx.msk [tilespmem:v62+s16+$0x0], $0xffff  }
0xf8: {  	v1 =	vor.u32 $0x3F, v38;
	v9 =	vmul.f32 v60, v60;
	v0 =	vadd.f32 v8, v0  }
0xf9: {  	v38 =	vld.idx.msk [tilespmem:v3+s16+$0x0], $0xffff  }
0xfa: {  	v3 =	vmul.f32 v61, v61;
	v0 =	vadd.f32 v9, v0  }
0xfb: {  	v63 =	vld.idx.msk [tilespmem:v2+s16+$0x0], $0xffff  }
0xfc: {  	v0 =	vadd.f32 v3, v0;
	v3 =	vmul.f32 v62, v62  }
0xfd: {  	v9 =	vld.idx.msk [tilespmem:v1+s16+$0x0], $0xffff  }
0xfe: {  	v1 =	vmul.f32 v38, v38;
	v0 =	vadd.f32 v3, v0;
	_ =	sdelay $0x1  }
0xff: {  	v0 =	vadd.f32 v1, v0;
	v1 =	vmul.f32 v63, v63;
	_ =	sdelay $0x1  }
0x100: {  	v0 =	vadd.f32 v1, v0;
	v1 =	vmul.f32 v9, v9;
	_ =	sdelay $0x1  }
0x101: {  	v0 =	vadd.f32 v1, v0;
	_ =	sdelay $0x1  }
0x102: {  	v0 =	vmax.f32 v0, $1.000000020e-24  }
0x103: {  	v1 =	vmul.f32 $5.000000000e-01, v0;
	v0 =	vshrl.u32 v0, $0x1  }
0x104: {  	v0 =	vsub.s32 $0x5F3759DF, v0  }
0x105: {  	v3 =	vmul.f32 v0, v1;
	_ =	sdelay $0x1  }
0x106: {  	v3 =	vmul.f32 v0, v3;
	_ =	sdelay $0x1  }
0x107: {  	v3 =	vsub.f32 $1.500000000e+00, v3;
	_ =	sdelay $0x1  }
0x108: {  	v0 =	vmul.f32 v0, v3;
	_ =	sdelay $0x1  }
0x109: {  	v3 =	vmul.f32 v0, v1;
	_ =	sdelay $0x1  }
0x10a: {  	v3 =	vmul.f32 v3, v0;
	_ =	sdelay $0x1  }
0x10b: {  	v3 =	vsub.f32 $1.500000000e+00, v3;
	_ =	sdelay $0x1  }
0x10c: {  	v0 =	vmul.f32 v3, v0;
	_ =	sdelay $0x1  }
0x10d: {  	v1 =	vmul.f32 v0, v1;
	_ =	sdelay $0x1  }
0x10e: {  	v1 =	vmul.f32 v1, v0;
	_ =	sdelay $0x1  }
0x10f: {  	v3 =	vsub.f32 $1.500000000e+00, v1  }
0x110: {  	v1 =	vshll.u32 v4, $0x6  }
0x111: {  	v0 =	vmul.f32 v3, v0;
	_ =	sdelay $0x1  }
0x112: {  	v6 =	vmul.f32 v0, v6  }
0x113: {  	v2 =	vld [tilespmem:$0x1FF80]  }
0x114: {  	[tilespmem:v1+s24+$0x0] =	vst.idx.msk $0xffff, v6;
	v6 =	vld [tilespmem:$0x1FF90]  }
0x115: {  	v3 =	vor.u32 $0x1, v1  }
0x116: {  	v4 =	vor.u32 $0x2, v1;
	_ =	sdelay $0x1  }
0x117: {  	v2 =	vmul.f32 v0, v2  }
0x118: {  	v6 =	vmul.f32 v0, v6  }
0x119: {  	[tilespmem:v3+s24+$0x0] =	vst.idx.msk $0xffff, v2;
	v2 =	vld [tilespmem:$0x1FFA0]  }
0x11a: {  	[tilespmem:v4+s24+$0x0] =	vst.idx.msk $0xffff, v6;
	v4 =	vld [tilespmem:$0x1FFB0]  }
0x11b: {  	v5 =	vor.u32 $0x3, v1  }
0x11c: {  	v7 =	vor.u32 $0x4, v1;
	_ =	sdelay $0x1  }
0x11d: {  	v2 =	vmul.f32 v0, v2  }
0x11e: {  	v4 =	vmul.f32 v0, v4  }
0x11f: {  	[tilespmem:v5+s24+$0x0] =	vst.idx.msk $0xffff, v2;
	v2 =	vld [tilespmem:$0x1FFC0]  }
0x120: {  	[tilespmem:v7+s24+$0x0] =	vst.idx.msk $0xffff, v4;
	v4 =	vld [tilespmem:$0x1FFD0]  }
0x121: {  	v8 =	vor.u32 $0x5, v1  }
0x122: {  	v3 =	vor.u32 $0x6, v1;
	_ =	sdelay $0x1  }
0x123: {  	v2 =	vmul.f32 v0, v2  }
0x124: {  	v4 =	vmul.f32 v0, v4  }
0x125: {  	[tilespmem:v8+s24+$0x0] =	vst.idx.msk $0xffff, v2;
	v2 =	vld [tilespmem:$0x1FFE0]  }
0x126: {  	[tilespmem:v3+s24+$0x0] =	vst.idx.msk $0xffff, v4;
	v3 =	vld [tilespmem:$0x1FFF0]  }
0x127: {  	v6 =	vor.u32 $0x7, v1  }
0x128: {  	v5 =	vor.u32 $0x8, v1  }
0x129: {  	v7 =	vor.u32 $0x9, v1  }
0x12a: {  	v8 =	vor.u32 $0xA, v1;
	v2 =	vmul.f32 v0, v2  }
0x12b: {  	v4 =	vor.u32 $0xB, v1;
	v3 =	vmul.f32 v0, v3  }
0x12c: {  	[tilespmem:v6+s24+$0x0] =	vst.idx.msk $0xffff, v2;
	v2 =	vmul.f32 v0, v10;
	v6 =	vor.u32 $0xC, v1  }
0x12d: {  	[tilespmem:v5+s24+$0x0] =	vst.idx.msk $0xffff, v3;
	v3 =	vmul.f32 v0, v11;
	v5 =	vor.u32 $0xD, v1  }
0x12e: {  	[tilespmem:v7+s24+$0x0] =	vst.idx.msk $0xffff, v2;
	v2 =	vmul.f32 v0, v12;
	v12 =	vor.u32 $0xE, v1  }
0x12f: {  	[tilespmem:v8+s24+$0x0] =	vst.idx.msk $0xffff, v3;
	v3 =	vmul.f32 v0, v13;
	v13 =	vor.u32 $0xF, v1  }
0x130: {  	[tilespmem:v4+s24+$0x0] =	vst.idx.msk $0xffff, v2;
	v2 =	vmul.f32 v0, v14;
	v14 =	vor.u32 $0x10, v1  }
0x131: {  	[tilespmem:v6+s24+$0x0] =	vst.idx.msk $0xffff, v3;
	v3 =	vmul.f32 v0, v15;
	v15 =	vor.u32 $0x11, v1  }
0x132: {  	[tilespmem:v5+s24+$0x0] =	vst.idx.msk $0xffff, v2;
	v2 =	vmul.f32 v0, v16;
	v16 =	vor.u32 $0x12, v1  }
0x133: {  	[tilespmem:v12+s24+$0x0] =	vst.idx.msk $0xffff, v3;
	v3 =	vmul.f32 v0, v17;
	v17 =	vor.u32 $0x13, v1  }
0x134: {  	[tilespmem:v13+s24+$0x0] =	vst.idx.msk $0xffff, v2;
	v2 =	vmul.f32 v0, v18;
	v18 =	vor.u32 $0x14, v1  }
0x135: {  	[tilespmem:v14+s24+$0x0] =	vst.idx.msk $0xffff, v3;
	v3 =	vmul.f32 v0, v19;
	v19 =	vor.u32 $0x15, v1  }
0x136: {  	[tilespmem:v15+s24+$0x0] =	vst.idx.msk $0xffff, v2;
	v2 =	vmul.f32 v0, v20;
	v20 =	vor.u32 $0x16, v1  }
0x137: {  	[tilespmem:v16+s24+$0x0] =	vst.idx.msk $0xffff, v3;
	v3 =	vmul.f32 v0, v21;
	v21 =	vor.u32 $0x17, v1  }
0x138: {  	[tilespmem:v17+s24+$0x0] =	vst.idx.msk $0xffff, v2;
	v2 =	vmul.f32 v0, v22;
	v22 =	vor.u32 $0x18, v1  }
0x139: {  	[tilespmem:v18+s24+$0x0] =	vst.idx.msk $0xffff, v3;
	v3 =	vmul.f32 v0, v23;
	v23 =	vor.u32 $0x19, v1  }
0x13a: {  	[tilespmem:v19+s24+$0x0] =	vst.idx.msk $0xffff, v2;
	v2 =	vmul.f32 v0, v24;
	v24 =	vor.u32 $0x1A, v1  }
0x13b: {  	[tilespmem:v20+s24+$0x0] =	vst.idx.msk $0xffff, v3;
	v3 =	vmul.f32 v0, v25;
	v25 =	vor.u32 $0x1B, v1  }
0x13c: {  	[tilespmem:v21+s24+$0x0] =	vst.idx.msk $0xffff, v2;
	v2 =	vmul.f32 v0, v26;
	v26 =	vor.u32 $0x1C, v1  }
0x13d: {  	[tilespmem:v22+s24+$0x0] =	vst.idx.msk $0xffff, v3;
	v3 =	vmul.f32 v0, v27;
	v27 =	vor.u32 $0x1D, v1  }
0x13e: {  	[tilespmem:v23+s24+$0x0] =	vst.idx.msk $0xffff, v2;
	v2 =	vmul.f32 v0, v28;
	v28 =	vor.u32 $0x1E, v1  }
0x13f: {  	[tilespmem:v24+s24+$0x0] =	vst.idx.msk $0xffff, v3;
	v3 =	vmul.f32 v0, v29;
	v29 =	vor.u32 $0x1F, v1  }
0x140: {  	[tilespmem:v25+s24+$0x0] =	vst.idx.msk $0xffff, v2;
	v2 =	vmul.f32 v0, v30;
	v30 =	vor.u32 $0x20, v1  }
0x141: {  	[tilespmem:v26+s24+$0x0] =	vst.idx.msk $0xffff, v3;
	v3 =	vmul.f32 v0, v31;
	v31 =	vor.u32 $0x21, v1  }
0x142: {  	[tilespmem:v27+s24+$0x0] =	vst.idx.msk $0xffff, v2;
	v2 =	vmul.f32 v0, v32;
	v32 =	vor.u32 $0x22, v1  }
0x143: {  	[tilespmem:v28+s24+$0x0] =	vst.idx.msk $0xffff, v3;
	v3 =	vmul.f32 v0, v33;
	v33 =	vor.u32 $0x23, v1  }
0x144: {  	[tilespmem:v29+s24+$0x0] =	vst.idx.msk $0xffff, v2;
	v2 =	vmul.f32 v0, v34;
	v34 =	vor.u32 $0x24, v1  }
0x145: {  	[tilespmem:v30+s24+$0x0] =	vst.idx.msk $0xffff, v3;
	v3 =	vmul.f32 v0, v35;
	v35 =	vor.u32 $0x25, v1  }
0x146: {  	[tilespmem:v31+s24+$0x0] =	vst.idx.msk $0xffff, v2;
	v2 =	vmul.f32 v0, v36;
	v36 =	vor.u32 $0x26, v1  }
0x147: {  	[tilespmem:v32+s24+$0x0] =	vst.idx.msk $0xffff, v3;
	v3 =	vmul.f32 v0, v37;
	v37 =	vor.u32 $0x27, v1  }
0x148: {  	[tilespmem:v33+s24+$0x0] =	vst.idx.msk $0xffff, v2;
	v2 =	vmul.f32 v0, v39;
	v39 =	vor.u32 $0x28, v1  }
0x149: {  	[tilespmem:v34+s24+$0x0] =	vst.idx.msk $0xffff, v3;
	v3 =	vmul.f32 v0, v40;
	v40 =	vor.u32 $0x29, v1  }
0x14a: {  	[tilespmem:v35+s24+$0x0] =	vst.idx.msk $0xffff, v2;
	v2 =	vmul.f32 v0, v41;
	v41 =	vor.u32 $0x2A, v1  }
0x14b: {  	[tilespmem:v36+s24+$0x0] =	vst.idx.msk $0xffff, v3;
	v3 =	vmul.f32 v0, v42;
	v42 =	vor.u32 $0x2B, v1  }
0x14c: {  	[tilespmem:v37+s24+$0x0] =	vst.idx.msk $0xffff, v2;
	v2 =	vmul.f32 v0, v43;
	v43 =	vor.u32 $0x2C, v1  }
0x14d: {  	[tilespmem:v39+s24+$0x0] =	vst.idx.msk $0xffff, v3;
	v3 =	vmul.f32 v0, v44;
	v44 =	vor.u32 $0x2D, v1  }
0x14e: {  	[tilespmem:v40+s24+$0x0] =	vst.idx.msk $0xffff, v2;
	v2 =	vmul.f32 v0, v45;
	v45 =	vor.u32 $0x2E, v1  }
0x14f: {  	[tilespmem:v41+s24+$0x0] =	vst.idx.msk $0xffff, v3;
	v3 =	vmul.f32 v0, v46;
	v46 =	vor.u32 $0x2F, v1  }
0x150: {  	[tilespmem:v42+s24+$0x0] =	vst.idx.msk $0xffff, v2;
	v2 =	vmul.f32 v0, v47;
	v47 =	vor.u32 $0x30, v1  }
0x151: {  	[tilespmem:v43+s24+$0x0] =	vst.idx.msk $0xffff, v3;
	v3 =	vmul.f32 v0, v48;
	v48 =	vor.u32 $0x31, v1  }
0x152: {  	[tilespmem:v44+s24+$0x0] =	vst.idx.msk $0xffff, v2;
	v2 =	vmul.f32 v0, v49;
	v49 =	vor.u32 $0x32, v1  }
0x153: {  	[tilespmem:v45+s24+$0x0] =	vst.idx.msk $0xffff, v3;
	v3 =	vmul.f32 v0, v50;
	v50 =	vor.u32 $0x33, v1  }
0x154: {  	[tilespmem:v46+s24+$0x0] =	vst.idx.msk $0xffff, v2;
	v2 =	vmul.f32 v0, v51;
	v51 =	vor.u32 $0x34, v1  }
0x155: {  	[tilespmem:v47+s24+$0x0] =	vst.idx.msk $0xffff, v3;
	v3 =	vmul.f32 v0, v52;
	v52 =	vor.u32 $0x35, v1  }
0x156: {  	[tilespmem:v48+s24+$0x0] =	vst.idx.msk $0xffff, v2;
	v2 =	vmul.f32 v0, v53;
	v53 =	vor.u32 $0x36, v1  }
0x157: {  	[tilespmem:v49+s24+$0x0] =	vst.idx.msk $0xffff, v3;
	v3 =	vmul.f32 v0, v54;
	v54 =	vor.u32 $0x37, v1  }
0x158: {  	[tilespmem:v50+s24+$0x0] =	vst.idx.msk $0xffff, v2;
	v2 =	vmul.f32 v0, v55;
	v55 =	vor.u32 $0x38, v1  }
0x159: {  	[tilespmem:v51+s24+$0x0] =	vst.idx.msk $0xffff, v3;
	v3 =	vmul.f32 v0, v56;
	v56 =	vor.u32 $0x39, v1  }
0x15a: {  	[tilespmem:v52+s24+$0x0] =	vst.idx.msk $0xffff, v2;
	v2 =	vmul.f32 v0, v57;
	v57 =	vor.u32 $0x3A, v1  }
0x15b: {  	[tilespmem:v53+s24+$0x0] =	vst.idx.msk $0xffff, v3;
	v3 =	vmul.f32 v0, v58;
	v58 =	vor.u32 $0x3B, v1  }
0x15c: {  	[tilespmem:v54+s24+$0x0] =	vst.idx.msk $0xffff, v2;
	v2 =	vmul.f32 v0, v59;
	v59 =	vor.u32 $0x3C, v1  }
0x15d: {  	[tilespmem:v55+s24+$0x0] =	vst.idx.msk $0xffff, v3;
	v3 =	vmul.f32 v0, v60;
	v60 =	vor.u32 $0x3D, v1  }
0x15e: {  	[tilespmem:v56+s24+$0x0] =	vst.idx.msk $0xffff, v2;
	v2 =	vmul.f32 v0, v61;
	v61 =	vor.u32 $0x3E, v1  }
0x15f: {  	[tilespmem:v57+s24+$0x0] =	vst.idx.msk $0xffff, v3;
	v3 =	vmul.f32 v0, v62  }
0x160: {  	[tilespmem:v58+s24+$0x0] =	vst.idx.msk $0xffff, v2;
	v2 =	vmul.f32 v0, v38  }
0x161: {  	[tilespmem:v59+s24+$0x0] =	vst.idx.msk $0xffff, v3;
	v3 =	vmul.f32 v0, v63  }
0x162: {  	[tilespmem:v60+s24+$0x0] =	vst.idx.msk $0xffff, v2  }
0x163: {  	s29 =	simm.s32 $0x10;
	v2 =	vmul.f32 v0, v9;
	v0 =	vor.u32 $0x3F, v1;
	[tilespmem:v61+s24+$0x0] =	vst.idx.msk $0xffff, v3  }
.LBB2_2:
0x164: {  	_ =	sdelay $0x3  }
0x165: {  	s28 =	sadd.s32 $0x10, s28;
	[tilespmem:v0+s24+$0x0] =	vst.idx.msk $0xffff, v2  }
0x166: {  	v0 =	vld [tilespmem:s28+$0x0];
	_ =	sdelay $0x3  }
0x167: {  	s30 =	smov.u32 s29;
	v1 =	vlaneseq.u32  }
0x168: {  	v5 =	vor.u32 s30, v1;
	v0 =	vshll.u32 v0, $0x6  }
0x169: {  	v2 =	vshll.u32 v5, $0x7;
	v1 =	vand.u32 $0xFFFFFF80, v0  }
0x16a: {  	v0 =	vand.u32 $0x40, v0;
	v1 =	vadd.s32 v2, v1  }
0x16b: {  	v2 =	vor.u32 v0, v1  }
0x16c: {  	v0 =	vor.u32 $0x1, v2;
	_ =	sdelay $0x1  }
0x16d: {  	v1 =	vor.u32 $0x2, v2;
	_ =	sdelay $0x1  }
0x16e: {  	v3 =	vor.u32 $0x3, v2;
	v4 =	vld.idx.msk [tilespmem:v2+s16+$0x0], $0xffff  }
0x16f: {  	v36 =	vld.idx.msk [tilespmem:v0+s16+$0x0], $0xffff  }
0x170: {  	v6 =	vor.u32 $0x4, v2  }
0x171: {  	v40 =	vld.idx.msk [tilespmem:v1+s16+$0x0], $0xffff  }
0x172: {  	v7 =	vor.u32 $0x5, v2  }
0x173: {  	v3 =	vld.idx.msk [tilespmem:v3+s16+$0x0], $0xffff  }
0x174: {  	v8 =	vor.u32 $0x6, v2;
	v0 =	vmul.f32 v4, v4;
	v1 =	vmul.f32 v36, v36  }
0x175: {  	v61 =	vld.idx.msk [tilespmem:v6+s16+$0x0], $0xffff  }
0x176: {  	v9 =	vor.u32 $0x7, v2;
	v0 =	vadd.f32 v1, v0;
	v1 =	vmul.f32 v40, v40  }
0x177: {  	v62 =	vld.idx.msk [tilespmem:v7+s16+$0x0], $0xffff  }
0x178: {  	v10 =	vor.u32 $0x8, v2;
	v0 =	vadd.f32 v1, v0;
	v1 =	vmul.f32 v3, v3  }
0x179: {  	[tilespmem:$0x1FF20] =	vst v3;
	v3 =	vld.idx.msk [tilespmem:v8+s16+$0x0], $0xffff  }
0x17a: {  	v11 =	vor.u32 $0x9, v2;
	v0 =	vadd.f32 v1, v0;
	v1 =	vmul.f32 v61, v61  }
0x17b: {  	v63 =	vld.idx.msk [tilespmem:v9+s16+$0x0], $0xffff  }
0x17c: {  	v12 =	vor.u32 $0xA, v2;
	v0 =	vadd.f32 v1, v0;
	v1 =	vmul.f32 v62, v62  }
0x17d: {  	v6 =	vld.idx.msk [tilespmem:v10+s16+$0x0], $0xffff  }
0x17e: {  	v13 =	vor.u32 $0xB, v2;
	v0 =	vadd.f32 v1, v0;
	v1 =	vmul.f32 v3, v3  }
0x17f: {  	v11 =	vld.idx.msk [tilespmem:v11+s16+$0x0], $0xffff  }
0x180: {  	v14 =	vor.u32 $0xC, v2;
	v59 =	vmul.f32 v63, v63;
	v0 =	vadd.f32 v1, v0  }
0x181: {  	v12 =	vld.idx.msk [tilespmem:v12+s16+$0x0], $0xffff  }
0x182: {  	v15 =	vor.u32 $0xD, v2;
	[tilespmem:$0x1FF60] =	vst v63;
	v63 =	vmul.f32 v6, v6;
	v59 =	vadd.f32 v59, v0  }
0x183: {  	v13 =	vld.idx.msk [tilespmem:v13+s16+$0x0], $0xffff  }
0x184: {  	v16 =	vor.u32 $0xE, v2;
	v8 =	vmul.f32 v11, v11;
	v59 =	vadd.f32 v63, v59  }
0x185: {  	v14 =	vld.idx.msk [tilespmem:v14+s16+$0x0], $0xffff  }
0x186: {  	v17 =	vor.u32 $0xF, v2;
	v9 =	vmul.f32 v12, v12;
	v59 =	vadd.f32 v8, v59  }
0x187: {  	v15 =	vld.idx.msk [tilespmem:v15+s16+$0x0], $0xffff  }
0x188: {  	v18 =	vor.u32 $0x10, v2;
	v10 =	vmul.f32 v13, v13;
	v59 =	vadd.f32 v9, v59  }
0x189: {  	v16 =	vld.idx.msk [tilespmem:v16+s16+$0x0], $0xffff  }
0x18a: {  	v19 =	vor.u32 $0x11, v2;
	[tilespmem:$0x1FF70] =	vst v6;
	v6 =	vmul.f32 v14, v14;
	v59 =	vadd.f32 v10, v59  }
0x18b: {  	v17 =	vld.idx.msk [tilespmem:v17+s16+$0x0], $0xffff  }
0x18c: {  	v20 =	vor.u32 $0x12, v2;
	v7 =	vmul.f32 v15, v15;
	v59 =	vadd.f32 v6, v59  }
0x18d: {  	v18 =	vld.idx.msk [tilespmem:v18+s16+$0x0], $0xffff  }
0x18e: {  	v21 =	vor.u32 $0x13, v2;
	v8 =	vmul.f32 v16, v16;
	v59 =	vadd.f32 v7, v59  }
0x18f: {  	v19 =	vld.idx.msk [tilespmem:v19+s16+$0x0], $0xffff  }
0x190: {  	v22 =	vor.u32 $0x14, v2;
	v9 =	vmul.f32 v17, v17;
	v59 =	vadd.f32 v8, v59  }
0x191: {  	v20 =	vld.idx.msk [tilespmem:v20+s16+$0x0], $0xffff  }
0x192: {  	v23 =	vor.u32 $0x15, v2;
	v10 =	vmul.f32 v18, v18;
	v59 =	vadd.f32 v9, v59  }
0x193: {  	v21 =	vld.idx.msk [tilespmem:v21+s16+$0x0], $0xffff  }
0x194: {  	v24 =	vor.u32 $0x16, v2;
	v6 =	vmul.f32 v19, v19;
	v59 =	vadd.f32 v10, v59  }
0x195: {  	v22 =	vld.idx.msk [tilespmem:v22+s16+$0x0], $0xffff  }
0x196: {  	v25 =	vor.u32 $0x17, v2;
	v7 =	vmul.f32 v20, v20;
	v59 =	vadd.f32 v6, v59  }
0x197: {  	v23 =	vld.idx.msk [tilespmem:v23+s16+$0x0], $0xffff  }
0x198: {  	v26 =	vor.u32 $0x18, v2;
	v8 =	vmul.f32 v21, v21;
	v59 =	vadd.f32 v7, v59  }
0x199: {  	v24 =	vld.idx.msk [tilespmem:v24+s16+$0x0], $0xffff  }
0x19a: {  	v27 =	vor.u32 $0x19, v2;
	v9 =	vmul.f32 v22, v22;
	v59 =	vadd.f32 v8, v59  }
0x19b: {  	v25 =	vld.idx.msk [tilespmem:v25+s16+$0x0], $0xffff  }
0x19c: {  	v28 =	vor.u32 $0x1A, v2;
	v10 =	vmul.f32 v23, v23;
	v59 =	vadd.f32 v9, v59  }
0x19d: {  	v26 =	vld.idx.msk [tilespmem:v26+s16+$0x0], $0xffff  }
0x19e: {  	v29 =	vor.u32 $0x1B, v2;
	v6 =	vmul.f32 v24, v24;
	v59 =	vadd.f32 v10, v59  }
0x19f: {  	v27 =	vld.idx.msk [tilespmem:v27+s16+$0x0], $0xffff  }
0x1a0: {  	v30 =	vor.u32 $0x1C, v2;
	v7 =	vmul.f32 v25, v25;
	v59 =	vadd.f32 v6, v59  }
0x1a1: {  	v28 =	vld.idx.msk [tilespmem:v28+s16+$0x0], $0xffff  }
0x1a2: {  	v31 =	vor.u32 $0x1D, v2;
	v8 =	vmul.f32 v26, v26;
	v59 =	vadd.f32 v7, v59  }
0x1a3: {  	v29 =	vld.idx.msk [tilespmem:v29+s16+$0x0], $0xffff  }
0x1a4: {  	v32 =	vor.u32 $0x1E, v2;
	v9 =	vmul.f32 v27, v27;
	v59 =	vadd.f32 v8, v59  }
0x1a5: {  	v30 =	vld.idx.msk [tilespmem:v30+s16+$0x0], $0xffff  }
0x1a6: {  	v33 =	vor.u32 $0x1F, v2;
	v10 =	vmul.f32 v28, v28;
	v59 =	vadd.f32 v9, v59  }
0x1a7: {  	v31 =	vld.idx.msk [tilespmem:v31+s16+$0x0], $0xffff  }
0x1a8: {  	v34 =	vor.u32 $0x20, v2;
	v6 =	vmul.f32 v29, v29;
	v59 =	vadd.f32 v10, v59  }
0x1a9: {  	v32 =	vld.idx.msk [tilespmem:v32+s16+$0x0], $0xffff  }
0x1aa: {  	v35 =	vor.u32 $0x21, v2;
	v7 =	vmul.f32 v30, v30;
	v59 =	vadd.f32 v6, v59  }
0x1ab: {  	v33 =	vld.idx.msk [tilespmem:v33+s16+$0x0], $0xffff  }
0x1ac: {  	[tilespmem:$0x1FF00] =	vst v36;
	v36 =	vor.u32 $0x22, v2;
	v8 =	vmul.f32 v31, v31;
	v59 =	vadd.f32 v7, v59  }
0x1ad: {  	v34 =	vld.idx.msk [tilespmem:v34+s16+$0x0], $0xffff  }
0x1ae: {  	v37 =	vor.u32 $0x23, v2;
	v9 =	vmul.f32 v32, v32;
	v59 =	vadd.f32 v8, v59  }
0x1af: {  	v35 =	vld.idx.msk [tilespmem:v35+s16+$0x0], $0xffff  }
0x1b0: {  	v38 =	vor.u32 $0x24, v2;
	v10 =	vmul.f32 v33, v33;
	v59 =	vadd.f32 v9, v59  }
0x1b1: {  	v36 =	vld.idx.msk [tilespmem:v36+s16+$0x0], $0xffff  }
0x1b2: {  	v39 =	vor.u32 $0x25, v2;
	v6 =	vmul.f32 v34, v34;
	v59 =	vadd.f32 v10, v59  }
0x1b3: {  	v37 =	vld.idx.msk [tilespmem:v37+s16+$0x0], $0xffff  }
0x1b4: {  	[tilespmem:$0x1FF10] =	vst v40;
	v40 =	vor.u32 $0x26, v2;
	v7 =	vmul.f32 v35, v35;
	v59 =	vadd.f32 v6, v59  }
0x1b5: {  	v38 =	vld.idx.msk [tilespmem:v38+s16+$0x0], $0xffff  }
0x1b6: {  	v41 =	vor.u32 $0x27, v2;
	v8 =	vmul.f32 v36, v36;
	v59 =	vadd.f32 v7, v59  }
0x1b7: {  	v39 =	vld.idx.msk [tilespmem:v39+s16+$0x0], $0xffff  }
0x1b8: {  	v42 =	vor.u32 $0x28, v2;
	v9 =	vmul.f32 v37, v37;
	v59 =	vadd.f32 v8, v59  }
0x1b9: {  	v40 =	vld.idx.msk [tilespmem:v40+s16+$0x0], $0xffff  }
0x1ba: {  	v43 =	vor.u32 $0x29, v2;
	v10 =	vmul.f32 v38, v38;
	v59 =	vadd.f32 v9, v59  }
0x1bb: {  	v41 =	vld.idx.msk [tilespmem:v41+s16+$0x0], $0xffff  }
0x1bc: {  	v44 =	vor.u32 $0x2A, v2;
	v6 =	vmul.f32 v39, v39;
	v59 =	vadd.f32 v10, v59  }
0x1bd: {  	v42 =	vld.idx.msk [tilespmem:v42+s16+$0x0], $0xffff  }
0x1be: {  	v45 =	vor.u32 $0x2B, v2;
	v7 =	vmul.f32 v40, v40;
	v59 =	vadd.f32 v6, v59  }
0x1bf: {  	v43 =	vld.idx.msk [tilespmem:v43+s16+$0x0], $0xffff  }
0x1c0: {  	v46 =	vor.u32 $0x2C, v2;
	v8 =	vmul.f32 v41, v41;
	v59 =	vadd.f32 v7, v59  }
0x1c1: {  	v44 =	vld.idx.msk [tilespmem:v44+s16+$0x0], $0xffff  }
0x1c2: {  	v47 =	vor.u32 $0x2D, v2;
	v9 =	vmul.f32 v42, v42;
	v59 =	vadd.f32 v8, v59  }
0x1c3: {  	v45 =	vld.idx.msk [tilespmem:v45+s16+$0x0], $0xffff  }
0x1c4: {  	v48 =	vor.u32 $0x2E, v2;
	v10 =	vmul.f32 v43, v43;
	v59 =	vadd.f32 v9, v59  }
0x1c5: {  	v46 =	vld.idx.msk [tilespmem:v46+s16+$0x0], $0xffff  }
0x1c6: {  	v49 =	vor.u32 $0x2F, v2;
	v6 =	vmul.f32 v44, v44;
	v59 =	vadd.f32 v10, v59  }
0x1c7: {  	v47 =	vld.idx.msk [tilespmem:v47+s16+$0x0], $0xffff  }
0x1c8: {  	v50 =	vor.u32 $0x30, v2;
	v7 =	vmul.f32 v45, v45;
	v59 =	vadd.f32 v6, v59  }
0x1c9: {  	v48 =	vld.idx.msk [tilespmem:v48+s16+$0x0], $0xffff  }
0x1ca: {  	v51 =	vor.u32 $0x31, v2;
	v8 =	vmul.f32 v46, v46;
	v59 =	vadd.f32 v7, v59  }
0x1cb: {  	v49 =	vld.idx.msk [tilespmem:v49+s16+$0x0], $0xffff  }
0x1cc: {  	v52 =	vor.u32 $0x32, v2;
	v9 =	vmul.f32 v47, v47;
	v59 =	vadd.f32 v8, v59  }
0x1cd: {  	v50 =	vld.idx.msk [tilespmem:v50+s16+$0x0], $0xffff  }
0x1ce: {  	v53 =	vor.u32 $0x33, v2;
	v10 =	vmul.f32 v48, v48;
	v59 =	vadd.f32 v9, v59  }
0x1cf: {  	v51 =	vld.idx.msk [tilespmem:v51+s16+$0x0], $0xffff  }
0x1d0: {  	v54 =	vor.u32 $0x34, v2;
	v6 =	vmul.f32 v49, v49;
	v59 =	vadd.f32 v10, v59  }
0x1d1: {  	v52 =	vld.idx.msk [tilespmem:v52+s16+$0x0], $0xffff  }
0x1d2: {  	v55 =	vor.u32 $0x35, v2;
	v7 =	vmul.f32 v50, v50;
	v59 =	vadd.f32 v6, v59  }
0x1d3: {  	v53 =	vld.idx.msk [tilespmem:v53+s16+$0x0], $0xffff  }
0x1d4: {  	v56 =	vor.u32 $0x36, v2;
	v8 =	vmul.f32 v51, v51;
	v59 =	vadd.f32 v7, v59  }
0x1d5: {  	v54 =	vld.idx.msk [tilespmem:v54+s16+$0x0], $0xffff  }
0x1d6: {  	v57 =	vor.u32 $0x37, v2;
	v9 =	vmul.f32 v52, v52;
	v59 =	vadd.f32 v8, v59  }
0x1d7: {  	v55 =	vld.idx.msk [tilespmem:v55+s16+$0x0], $0xffff  }
0x1d8: {  	v58 =	vor.u32 $0x38, v2;
	v10 =	vmul.f32 v53, v53;
	v59 =	vadd.f32 v9, v59  }
0x1d9: {  	v56 =	vld.idx.msk [tilespmem:v56+s16+$0x0], $0xffff  }
0x1da: {  	[tilespmem:$0x1FF50] =	vst v3;
	v3 =	vor.u32 $0x39, v2;
	v6 =	vmul.f32 v54, v54;
	v59 =	vadd.f32 v10, v59  }
0x1db: {  	v57 =	vld.idx.msk [tilespmem:v57+s16+$0x0], $0xffff  }
0x1dc: {  	v60 =	vor.u32 $0x3A, v2;
	v7 =	vmul.f32 v55, v55;
	v59 =	vadd.f32 v6, v59  }
0x1dd: {  	v58 =	vld.idx.msk [tilespmem:v58+s16+$0x0], $0xffff  }
0x1de: {  	[tilespmem:$0x1FF30] =	vst v61;
	v61 =	vor.u32 $0x3B, v2;
	v0 =	vmul.f32 v56, v56;
	v63 =	vadd.f32 v7, v59  }
0x1df: {  	v59 =	vld.idx.msk [tilespmem:v3+s16+$0x0], $0xffff  }
0x1e0: {  	[tilespmem:$0x1FF40] =	vst v62;
	v62 =	vor.u32 $0x3C, v2;
	v3 =	vmul.f32 v57, v57;
	v0 =	vadd.f32 v0, v63  }
0x1e1: {  	v60 =	vld.idx.msk [tilespmem:v60+s16+$0x0], $0xffff  }
0x1e2: {  	v1 =	vor.u32 $0x3D, v2;
	v0 =	vadd.f32 v3, v0;
	v3 =	vmul.f32 v58, v58  }
0x1e3: {  	v61 =	vld.idx.msk [tilespmem:v61+s16+$0x0], $0xffff  }
0x1e4: {  	[tilespmem:$0x1FEF0] =	vst v4;
	v4 =	vor.u32 $0x3E, v2;
	v0 =	vadd.f32 v3, v0;
	v3 =	vmul.f32 v59, v59  }
0x1e5: {  	v62 =	vld.idx.msk [tilespmem:v62+s16+$0x0], $0xffff  }
0x1e6: {  	v2 =	vor.u32 $0x3F, v2;
	v0 =	vadd.f32 v3, v0;
	v3 =	vmul.f32 v60, v60  }
0x1e7: {  	v63 =	vld.idx.msk [tilespmem:v1+s16+$0x0], $0xffff  }
0x1e8: {  	v1 =	vmul.f32 v61, v61;
	v0 =	vadd.f32 v3, v0  }
0x1e9: {  	v10 =	vld.idx.msk [tilespmem:v4+s16+$0x0], $0xffff  }
0x1ea: {  	v4 =	vmul.f32 v62, v62;
	v0 =	vadd.f32 v1, v0  }
0x1eb: {  	v9 =	vld.idx.msk [tilespmem:v2+s16+$0x0], $0xffff  }
0x1ec: {  	v2 =	vmul.f32 v63, v63;
	v0 =	vadd.f32 v4, v0;
	_ =	sdelay $0x1  }
0x1ed: {  	v0 =	vadd.f32 v2, v0;
	v2 =	vmul.f32 v10, v10;
	_ =	sdelay $0x1  }
0x1ee: {  	v0 =	vadd.f32 v2, v0;
	v2 =	vmul.f32 v9, v9;
	_ =	sdelay $0x1  }
0x1ef: {  	v0 =	vadd.f32 v2, v0;
	_ =	sdelay $0x1  }
0x1f0: {  	v0 =	vmax.f32 v0, $1.000000020e-24  }
0x1f1: {  	v2 =	vmul.f32 $5.000000000e-01, v0;
	v0 =	vshrl.u32 v0, $0x1  }
0x1f2: {  	v0 =	vsub.s32 $0x5F3759DF, v0  }
0x1f3: {  	v8 =	vmul.f32 v0, v2;
	_ =	sdelay $0x1  }
0x1f4: {  	v4 =	vmul.f32 v0, v8;
	_ =	sdelay $0x1  }
0x1f5: {  	v4 =	vsub.f32 $1.500000000e+00, v4;
	_ =	sdelay $0x1  }
0x1f6: {  	v0 =	vmul.f32 v0, v4;
	_ =	sdelay $0x1  }
0x1f7: {  	v4 =	vmul.f32 v0, v2;
	_ =	sdelay $0x1  }
0x1f8: {  	v4 =	vmul.f32 v4, v0;
	_ =	sdelay $0x1  }
0x1f9: {  	v4 =	vsub.f32 $1.500000000e+00, v4;
	_ =	sdelay $0x1  }
0x1fa: {  	v4 =	vmul.f32 v4, v0;
	_ =	sdelay $0x1  }
0x1fb: {  	v0 =	vmul.f32 v4, v2;
	_ =	sdelay $0x1  }
0x1fc: {  	v0 =	vmul.f32 v0, v4  }
0x1fd: {  	v1 =	vld [tilespmem:$0x1FEF0]  }
0x1fe: {  	v3 =	vld [tilespmem:$0x1FF00];
	v2 =	vsub.f32 $1.500000000e+00, v0  }
0x1ff: {  	v8 =	vld [tilespmem:$0x1FF10];
	v0 =	vshll.u32 v5, $0x6  }
0x200: {  	v5 =	vor.u32 $0x1, v0;
	v2 =	vmul.f32 v2, v4  }
0x201: {  	v7 =	vor.u32 $0x2, v0  }
0x202: {  	v1 =	vmul.f32 v2, v1  }
0x203: {  	v3 =	vmul.f32 v2, v3  }
0x204: {  	v4 =	vmul.f32 v2, v8;
	[tilespmem:v0+s24+$0x0] =	vst.idx.msk $0xffff, v1  }
0x205: {  	[tilespmem:v5+s24+$0x0] =	vst.idx.msk $0xffff, v3;
	v3 =	vld [tilespmem:$0x1FF20]  }
0x206: {  	[tilespmem:v7+s24+$0x0] =	vst.idx.msk $0xffff, v4;
	v4 =	vld [tilespmem:$0x1FF30]  }
0x207: {  	v6 =	vor.u32 $0x3, v0  }
0x208: {  	v8 =	vor.u32 $0x4, v0;
	_ =	sdelay $0x1  }
0x209: {  	v3 =	vmul.f32 v2, v3  }
0x20a: {  	v4 =	vmul.f32 v2, v4  }
0x20b: {  	[tilespmem:v6+s24+$0x0] =	vst.idx.msk $0xffff, v3;
	v3 =	vld [tilespmem:$0x1FF40]  }
0x20c: {  	[tilespmem:v8+s24+$0x0] =	vst.idx.msk $0xffff, v4;
	v8 =	vld [tilespmem:$0x1FF50]  }
0x20d: {  	v1 =	vor.u32 $0x5, v0  }
0x20e: {  	v5 =	vor.u32 $0x6, v0;
	_ =	sdelay $0x1  }
0x20f: {  	v3 =	vmul.f32 v2, v3  }
0x210: {  	v4 =	vmul.f32 v2, v8  }
0x211: {  	[tilespmem:v1+s24+$0x0] =	vst.idx.msk $0xffff, v3;
	v1 =	vld [tilespmem:$0x1FF60]  }
0x212: {  	[tilespmem:v5+s24+$0x0] =	vst.idx.msk $0xffff, v4;
	v4 =	vld [tilespmem:$0x1FF70]  }
0x213: {  	v7 =	vor.u32 $0x7, v0  }
0x214: {  	v6 =	vor.u32 $0x8, v0  }
0x215: {  	v8 =	vor.u32 $0x9, v0  }
0x216: {  	v3 =	vor.u32 $0xA, v0;
	v1 =	vmul.f32 v2, v1  }
0x217: {  	v5 =	vor.u32 $0xB, v0;
	v4 =	vmul.f32 v2, v4  }
0x218: {  	[tilespmem:v7+s24+$0x0] =	vst.idx.msk $0xffff, v1;
	v1 =	vmul.f32 v2, v11;
	v7 =	vor.u32 $0xC, v0  }
0x219: {  	[tilespmem:v6+s24+$0x0] =	vst.idx.msk $0xffff, v4;
	v4 =	vmul.f32 v2, v12;
	v12 =	vor.u32 $0xD, v0  }
0x21a: {  	[tilespmem:v8+s24+$0x0] =	vst.idx.msk $0xffff, v1;
	v1 =	vmul.f32 v2, v13;
	v13 =	vor.u32 $0xE, v0  }
0x21b: {  	[tilespmem:v3+s24+$0x0] =	vst.idx.msk $0xffff, v4;
	v3 =	vmul.f32 v2, v14;
	v14 =	vor.u32 $0xF, v0  }
0x21c: {  	[tilespmem:v5+s24+$0x0] =	vst.idx.msk $0xffff, v1;
	v1 =	vmul.f32 v2, v15;
	v15 =	vor.u32 $0x10, v0  }
0x21d: {  	[tilespmem:v7+s24+$0x0] =	vst.idx.msk $0xffff, v3;
	v3 =	vmul.f32 v2, v16;
	v16 =	vor.u32 $0x11, v0  }
0x21e: {  	[tilespmem:v12+s24+$0x0] =	vst.idx.msk $0xffff, v1;
	v1 =	vmul.f32 v2, v17;
	v17 =	vor.u32 $0x12, v0  }
0x21f: {  	[tilespmem:v13+s24+$0x0] =	vst.idx.msk $0xffff, v3;
	v3 =	vmul.f32 v2, v18;
	v18 =	vor.u32 $0x13, v0  }
0x220: {  	[tilespmem:v14+s24+$0x0] =	vst.idx.msk $0xffff, v1;
	v1 =	vmul.f32 v2, v19;
	v19 =	vor.u32 $0x14, v0  }
0x221: {  	[tilespmem:v15+s24+$0x0] =	vst.idx.msk $0xffff, v3;
	v3 =	vmul.f32 v2, v20;
	v20 =	vor.u32 $0x15, v0  }
0x222: {  	[tilespmem:v16+s24+$0x0] =	vst.idx.msk $0xffff, v1;
	v1 =	vmul.f32 v2, v21;
	v21 =	vor.u32 $0x16, v0  }
0x223: {  	[tilespmem:v17+s24+$0x0] =	vst.idx.msk $0xffff, v3;
	v3 =	vmul.f32 v2, v22;
	v22 =	vor.u32 $0x17, v0  }
0x224: {  	[tilespmem:v18+s24+$0x0] =	vst.idx.msk $0xffff, v1;
	v1 =	vmul.f32 v2, v23;
	v23 =	vor.u32 $0x18, v0  }
0x225: {  	[tilespmem:v19+s24+$0x0] =	vst.idx.msk $0xffff, v3;
	v3 =	vmul.f32 v2, v24;
	v24 =	vor.u32 $0x19, v0  }
0x226: {  	[tilespmem:v20+s24+$0x0] =	vst.idx.msk $0xffff, v1;
	v1 =	vmul.f32 v2, v25;
	v25 =	vor.u32 $0x1A, v0  }
0x227: {  	[tilespmem:v21+s24+$0x0] =	vst.idx.msk $0xffff, v3;
	v3 =	vmul.f32 v2, v26;
	v26 =	vor.u32 $0x1B, v0  }
0x228: {  	[tilespmem:v22+s24+$0x0] =	vst.idx.msk $0xffff, v1;
	v1 =	vmul.f32 v2, v27;
	v27 =	vor.u32 $0x1C, v0  }
0x229: {  	[tilespmem:v23+s24+$0x0] =	vst.idx.msk $0xffff, v3;
	v3 =	vmul.f32 v2, v28;
	v28 =	vor.u32 $0x1D, v0  }
0x22a: {  	[tilespmem:v24+s24+$0x0] =	vst.idx.msk $0xffff, v1;
	v1 =	vmul.f32 v2, v29;
	v29 =	vor.u32 $0x1E, v0  }
0x22b: {  	[tilespmem:v25+s24+$0x0] =	vst.idx.msk $0xffff, v3;
	v3 =	vmul.f32 v2, v30;
	v30 =	vor.u32 $0x1F, v0  }
0x22c: {  	[tilespmem:v26+s24+$0x0] =	vst.idx.msk $0xffff, v1;
	v1 =	vmul.f32 v2, v31;
	v31 =	vor.u32 $0x20, v0  }
0x22d: {  	[tilespmem:v27+s24+$0x0] =	vst.idx.msk $0xffff, v3;
	v3 =	vmul.f32 v2, v32;
	v32 =	vor.u32 $0x21, v0  }
0x22e: {  	[tilespmem:v28+s24+$0x0] =	vst.idx.msk $0xffff, v1;
	v1 =	vmul.f32 v2, v33;
	v33 =	vor.u32 $0x22, v0  }
0x22f: {  	[tilespmem:v29+s24+$0x0] =	vst.idx.msk $0xffff, v3;
	v3 =	vmul.f32 v2, v34;
	v34 =	vor.u32 $0x23, v0  }
0x230: {  	[tilespmem:v30+s24+$0x0] =	vst.idx.msk $0xffff, v1;
	v1 =	vmul.f32 v2, v35;
	v35 =	vor.u32 $0x24, v0  }
0x231: {  	[tilespmem:v31+s24+$0x0] =	vst.idx.msk $0xffff, v3;
	v3 =	vmul.f32 v2, v36;
	v36 =	vor.u32 $0x25, v0  }
0x232: {  	[tilespmem:v32+s24+$0x0] =	vst.idx.msk $0xffff, v1;
	v1 =	vmul.f32 v2, v37;
	v37 =	vor.u32 $0x26, v0  }
0x233: {  	[tilespmem:v33+s24+$0x0] =	vst.idx.msk $0xffff, v3;
	v3 =	vmul.f32 v2, v38;
	v38 =	vor.u32 $0x27, v0  }
0x234: {  	[tilespmem:v34+s24+$0x0] =	vst.idx.msk $0xffff, v1;
	v1 =	vmul.f32 v2, v39;
	v39 =	vor.u32 $0x28, v0  }
0x235: {  	[tilespmem:v35+s24+$0x0] =	vst.idx.msk $0xffff, v3;
	v3 =	vmul.f32 v2, v40;
	v40 =	vor.u32 $0x29, v0  }
0x236: {  	[tilespmem:v36+s24+$0x0] =	vst.idx.msk $0xffff, v1;
	v1 =	vmul.f32 v2, v41;
	v41 =	vor.u32 $0x2A, v0  }
0x237: {  	[tilespmem:v37+s24+$0x0] =	vst.idx.msk $0xffff, v3;
	v3 =	vmul.f32 v2, v42;
	v42 =	vor.u32 $0x2B, v0  }
0x238: {  	[tilespmem:v38+s24+$0x0] =	vst.idx.msk $0xffff, v1;
	v1 =	vmul.f32 v2, v43;
	v43 =	vor.u32 $0x2C, v0  }
0x239: {  	[tilespmem:v39+s24+$0x0] =	vst.idx.msk $0xffff, v3;
	v3 =	vmul.f32 v2, v44;
	v44 =	vor.u32 $0x2D, v0  }
0x23a: {  	[tilespmem:v40+s24+$0x0] =	vst.idx.msk $0xffff, v1;
	v1 =	vmul.f32 v2, v45;
	v45 =	vor.u32 $0x2E, v0  }
0x23b: {  	[tilespmem:v41+s24+$0x0] =	vst.idx.msk $0xffff, v3;
	v3 =	vmul.f32 v2, v46;
	v46 =	vor.u32 $0x2F, v0  }
0x23c: {  	[tilespmem:v42+s24+$0x0] =	vst.idx.msk $0xffff, v1;
	v1 =	vmul.f32 v2, v47;
	v47 =	vor.u32 $0x30, v0  }
0x23d: {  	[tilespmem:v43+s24+$0x0] =	vst.idx.msk $0xffff, v3;
	v3 =	vmul.f32 v2, v48;
	v48 =	vor.u32 $0x31, v0  }
0x23e: {  	[tilespmem:v44+s24+$0x0] =	vst.idx.msk $0xffff, v1;
	v1 =	vmul.f32 v2, v49;
	v49 =	vor.u32 $0x32, v0  }
0x23f: {  	[tilespmem:v45+s24+$0x0] =	vst.idx.msk $0xffff, v3;
	v3 =	vmul.f32 v2, v50;
	v50 =	vor.u32 $0x33, v0  }
0x240: {  	[tilespmem:v46+s24+$0x0] =	vst.idx.msk $0xffff, v1;
	v1 =	vmul.f32 v2, v51;
	v51 =	vor.u32 $0x34, v0  }
0x241: {  	[tilespmem:v47+s24+$0x0] =	vst.idx.msk $0xffff, v3;
	v3 =	vmul.f32 v2, v52;
	v52 =	vor.u32 $0x35, v0  }
0x242: {  	[tilespmem:v48+s24+$0x0] =	vst.idx.msk $0xffff, v1;
	v1 =	vmul.f32 v2, v53;
	v53 =	vor.u32 $0x36, v0  }
0x243: {  	[tilespmem:v49+s24+$0x0] =	vst.idx.msk $0xffff, v3;
	v3 =	vmul.f32 v2, v54;
	v54 =	vor.u32 $0x37, v0  }
0x244: {  	[tilespmem:v50+s24+$0x0] =	vst.idx.msk $0xffff, v1;
	v1 =	vmul.f32 v2, v55;
	v55 =	vor.u32 $0x38, v0  }
0x245: {  	[tilespmem:v51+s24+$0x0] =	vst.idx.msk $0xffff, v3;
	v3 =	vmul.f32 v2, v56;
	v56 =	vor.u32 $0x39, v0  }
0x246: {  	[tilespmem:v52+s24+$0x0] =	vst.idx.msk $0xffff, v1;
	v1 =	vmul.f32 v2, v57;
	v57 =	vor.u32 $0x3A, v0  }
0x247: {  	[tilespmem:v53+s24+$0x0] =	vst.idx.msk $0xffff, v3;
	v3 =	vmul.f32 v2, v58;
	v58 =	vor.u32 $0x3B, v0  }
0x248: {  	[tilespmem:v54+s24+$0x0] =	vst.idx.msk $0xffff, v1;
	v1 =	vmul.f32 v2, v59;
	v59 =	vor.u32 $0x3C, v0  }
0x249: {  	[tilespmem:v55+s24+$0x0] =	vst.idx.msk $0xffff, v3;
	v3 =	vmul.f32 v2, v60;
	v60 =	vor.u32 $0x3D, v0  }
0x24a: {  	p0 =	sne.s32 s29, $0x1F0;
	[tilespmem:v56+s24+$0x0] =	vst.idx.msk $0xffff, v1;
	v1 =	vmul.f32 v2, v61;
	v61 =	vor.u32 $0x3E, v0  }
.Ltmp0:
0x24b: {  	[tilespmem:v57+s24+$0x0] =	vst.idx.msk $0xffff, v3;
	v3 =	vmul.f32 v2, v62;
	(pc) =	sbr.rel @p0 .LBB2_2-.Ltmp0, $4  }
0x24c: {  	[tilespmem:v58+s24+$0x0] =	vst.idx.msk $0xffff, v1;
	v1 =	vmul.f32 v2, v63  }
0x24d: {  	[tilespmem:v59+s24+$0x0] =	vst.idx.msk $0xffff, v3;
	v3 =	vmul.f32 v2, v10  }
0x24e: {  	[tilespmem:v60+s24+$0x0] =	vst.idx.msk $0xffff, v1  }
0x24f: {  	s29 =	sadd.s32 $0x10, s29;
	v0 =	vor.u32 $0x3F, v0;
	v2 =	vmul.f32 v2, v9;
	[tilespmem:v61+s24+$0x0] =	vst.idx.msk $0xffff, v3  }
0x250: {  	_ =	sdelay $0x1  }
0x251: {  	s26 =	sadd.s32 $0x1, s26  }
0x252: {  	p0 =	sne.s32 s26, s9  }
.Ltmp1:
0x253: {  	[tilespmem:v0+s24+$0x0] =	vst.idx.msk $0xffff, v2;
	(pc) =	sbr.rel @p0 .LBB2_1-.Ltmp1, $4  }
0x254: {  	[hbm4b:s8+s2] =	stream.linear.scatter [tilespmem:s24], [sflag:$0x2], $0x8000, $0x38;
	[tilespmem:$0x1A200] =	vst v63  }
0x255: {  	_ =	swait.ge [sflag:s25], $0x8000  }
0x256: {  	[sflag:s25] =	ssyncset.done $0x0  }
0x257: {  	v4 =	vlaneseq.u32;
	[sflag:s25] =	ssyncadd.s32 $0xFFFF8000  }
0x258: {  	_ =	sfence.sel $0x180000  }
0x259: {  	[bflag:$0x0] =	sbarrier.arrive $0xFFFF  }
0x25a: {  	p0 =	sne.s32 s1, $0x0;
	_ =	strace $0x90000047  }
0x25b: {  	s0 =	sadd.s32 @!p0 $0x100000, s0;
	[bflag:$0x2] =	sbarrier.arrive $0xFFFF  }
0x25c: {  	[sflag:s0] =	ssyncadd.tile.s32 @!p0 $0x1;
	_ =	shalt  }
.Lfunc_end2:
_tile_overlayer_lowered:
.L_overlay_start_2:
0x25d: {  	(tag) =	ssettag $0x2  }
0x25e: {  	s0 =	rddreg [dreg:$0x0];
	s2 =	stileid.u32  }
0x25f: {  	s1 =	rddreg [dreg:$0x1];
	p0 =	sne.s32 s2, $0x0  }
0x260: {  	s3 =	rddreg [dreg:$0x2];
	[bflag:$0x3] =	sbarrier.arrive $0xFFFF;
	s2 =	simm.s32 @!p0 $0x1C03  }
0x261: {  	[timem:s3], [sflag:s2] =	dma.local @!p0 [hbm:s0], s1  }
0x262: {  	s0 =	simm.s32 @!p0 $0x3  }
0x263: {  	_ =	swait.ge @!p0 [sflag:s0], s1  }
0x264: {  	s1 =	ssub.s32 @!p0 $0x0, s1;
	[sflag:s0] =	ssyncset.done @!p0 $0x0  }
0x265: {  	[sflag:s0] =	ssyncadd.s32 @!p0 s1  }
0x266: {  	[bflag:$0x3] =	sbarrier.arrive $0xFFFF  }
0x267: {  	_ =	shalt  }

</sc_bundles>
